<compile_context>
chip_gen: v7x
topology: tpu7x:2x2x1
jax: 0.10.2.dev20260603
libtpu: 0.0.44.dev20260713+nightly
codegen_flags: <defaults>
</compile_context>

<pallas_src>
import functools

import jax
import jax.numpy as jnp
from jax import lax
from jax.experimental import pallas as pl
from jax.experimental.pallas import tpu as pltpu
from jax.experimental.pallas import tpu_sc as plsc

B, L, D = 1024, 200, 128
N = B * L
NC, NS = 2, 16
NW = NC * NS
TOK_PER_W = N // NW
C = 80
NCHUNK = TOK_PER_W // C
K = D // 16
U = 2

_GATHER_DNUMS = lax.GatherDimensionNumbers(
    offset_dims=(), collapsed_slice_dims=(0,), start_index_map=(0,))


def _lane_gather(v, p):
    return lax.gather(v, p[:, None], _GATHER_DNUMS, slice_sizes=(1,),
                      mode=lax.GatherScatterMode.PROMISE_IN_BOUNDS)


def _butterfly_sum(v, perms):
    for p in perms:
        v = v + _lane_gather(v, p)
    return v


def _rsqrt_vec(x):
    i = lax.bitcast_convert_type(x, jnp.int32)
    i = jnp.int32(0x5F375A86) - lax.shift_right_logical(i, 1)
    y = lax.bitcast_convert_type(i, jnp.float32)
    for _ in range(2):
        y = y * (jnp.float32(1.5) - jnp.float32(0.5) * x * y * y)
    return y


def _emb_body(src_h, pos_h, seg_h, tag_h, wt_h, pt_h, ct_h, g_h, b_h,
              out_h, iw, ip, ig, it, ci, rw, rp, rt, ro, gv, bv,
              isem, gsem0, gsem1, osem0, osem1):
    sid = lax.axis_index("s")
    wid = sid * NC + lax.axis_index("c")
    base_w = wid * TOK_PER_W
    gsems = (gsem0, gsem1)
    osems = (osem0, osem1)

    pltpu.sync_copy(g_h, gv)
    pltpu.sync_copy(b_h, bv)
    tile_sl = pl.ds(base_w, TOK_PER_W)
    ca = pltpu.async_copy(src_h.at[tile_sl], iw, isem)
    cb = pltpu.async_copy(pos_h.at[tile_sl], ip, isem)
    cc = pltpu.async_copy(seg_h.at[tile_sl], ig, isem)
    cd = pltpu.async_copy(tag_h.at[tile_sl], it, isem)
    ca.wait()
    cb.wait()
    cc.wait()
    cd.wait()
    gk = [gv[pl.ds(16 * k, 16)] for k in range(K)]
    bk = [bv[pl.ds(16 * k, 16)] for k in range(K)]
    lanes = lax.iota(jnp.int32, 16)
    perms = [lax.bitwise_xor(lanes, jnp.int32(s)) for s in (8, 4, 2, 1)]

    def build_ci(g, b):
        def ci_body(k, carry):
            sl = pl.ds(g * C + k * 16, 16)
            ci[b, pl.ds(k * 16, 16)] = it[sl] * 2 + ig[sl]
            return carry

        lax.fori_loop(0, C // 16, ci_body, 0)

    def fire_gathers(g, b):
        csl = pl.ds(g * C, C)
        pltpu.async_copy(wt_h.at[iw.at[csl]], rw.at[b], gsems[b])
        pltpu.async_copy(pt_h.at[ip.at[csl]], rp.at[b], gsems[b])
        pltpu.async_copy(ct_h.at[ci.at[b]], rt.at[b], gsems[b])

    def wait_gathers(g, b):
        csl = pl.ds(g * C, C)
        pltpu.make_async_copy(wt_h.at[iw.at[csl]], rw.at[b],
                              gsems[b]).wait()
        pltpu.make_async_copy(pt_h.at[ip.at[csl]], rp.at[b],
                              gsems[b]).wait()
        pltpu.make_async_copy(ct_h.at[ci.at[b]], rt.at[b], gsems[b]).wait()

    def fire_out(g, b):
        pltpu.async_copy(ro.at[b], out_h.at[pl.ds(base_w + g * C, C)],
                         osems[b])

    def wait_out(g, b):
        pltpu.make_async_copy(ro.at[b], out_h.at[pl.ds(base_w + g * C, C)],
                              osems[b]).wait()

    def compute(b):
        def tok_body(ti, tcarry):
            for u in range(U):
                t = ti * U + u
                xs = []
                sv = None
                qv = None
                for k in range(K):
                    sl = pl.ds(16 * k, 16)
                    x = rw[b, t, sl] + rp[b, t, sl] + rt[b, t, sl]
                    xs.append(x)
                    sv = x if sv is None else sv + x
                    q = x * x
                    qv = q if qv is None else qv + q
                mv = _butterfly_sum(sv, perms) * jnp.float32(1.0 / D)
                qs = _butterfly_sum(qv, perms) * jnp.float32(1.0 / D)
                vv = qs - mv * mv + jnp.float32(1e-6)
                iv = _rsqrt_vec(vv)
                for k in range(K):
                    sl = pl.ds(16 * k, 16)
                    ro[b, t, sl] = (xs[k] - mv) * iv * gk[k] + bk[k]
            return tcarry

        lax.fori_loop(0, C // U, tok_body, 0)

    build_ci(0, 0)
    fire_gathers(0, 0)
    NP = NCHUNK // 2

    def step(i, g, b):
        def prefetch():
            build_ci(g + 1, 1 - b)
            fire_gathers(g + 1, 1 - b)

        if b == 0:
            prefetch()
        else:
            pl.when(i < NP - 1)(prefetch)

        wait_gathers(g, b)

        @pl.when(i >= 1)
        def _():
            wait_out(g - 2, b)

        compute(b)
        fire_out(g, b)

    def chunk_pair(i, carry):
        step(i, 2 * i, 0)
        step(i, 2 * i + 1, 1)
        return carry

    lax.fori_loop(0, NP, chunk_pair, 0)
    wait_out(NCHUNK - 2, 0)
    wait_out(NCHUNK - 1, 1)


def kernel(src, postag_ids, seg, pos, word_table, pos_table, seg_table,
           postag_table, gamma, beta):
    srcf = src.reshape(-1).astype(jnp.int32)
    posf = pos.reshape(-1).astype(jnp.int32)
    segf = seg.reshape(-1).astype(jnp.int32)
    tagf = postag_ids.reshape(-1).astype(jnp.int32)
    ct = (postag_table[:, None, :] + seg_table[None, :, :]).reshape(-1, D)

    mesh = plsc.VectorSubcoreMesh(core_axis_name="c", subcore_axis_name="s")
    run = functools.partial(
        pl.kernel,
        mesh=mesh,
        out_type=jax.ShapeDtypeStruct((N, D), jnp.float32),
        scratch_types=[
            pltpu.VMEM((TOK_PER_W,), jnp.int32),
            pltpu.VMEM((TOK_PER_W,), jnp.int32),
            pltpu.VMEM((TOK_PER_W,), jnp.int32),
            pltpu.VMEM((TOK_PER_W,), jnp.int32),
            pltpu.VMEM((2, C), jnp.int32),
            pltpu.VMEM((2, C, D), jnp.float32),
            pltpu.VMEM((2, C, D), jnp.float32),
            pltpu.VMEM((2, C, D), jnp.float32),
            pltpu.VMEM((2, C, D), jnp.float32),
            pltpu.VMEM((D,), jnp.float32),
            pltpu.VMEM((D,), jnp.float32),
            pltpu.SemaphoreType.DMA,
            pltpu.SemaphoreType.DMA,
            pltpu.SemaphoreType.DMA,
            pltpu.SemaphoreType.DMA,
            pltpu.SemaphoreType.DMA,
        ],
    )(_emb_body)
    out = run(srcf, posf, segf, tagf, word_table, pos_table, ct, gamma, beta)
    return out.reshape(B, L, D)

# --- scband reference (transcript-rebuilt; emitter-appended) ---
"""Pipeline reference for scband-bert-embedding-50242527428737 (READ-ONLY COPY).

The authoritative reference and input builder live on the scoring server;
editing this copy changes nothing except your own understanding.
"""

import jax, jax.numpy as jnp
import numpy as np

B, L, D = 1024, 200, 128
V_WORD, V_POS, V_SEG, V_POSTAG = 100000, 512, 2, 64


def setup_inputs(seed: int = 0) -> dict:
    key = jax.random.key(seed)
    ks = jax.random.split(key, 10)
    src = jax.random.randint(ks[0], (B, L), 0, V_WORD, dtype=jnp.int64 if jax.config.jax_enable_x64 else jnp.int32)
    postag_ids = jax.random.randint(ks[1], (B, L), 0, V_POSTAG)
    seg = jax.random.randint(ks[2], (B, L), 0, V_SEG)
    pos = jax.random.randint(ks[3], (B, L), 0, L)
    word_table = jax.random.normal(ks[4], (V_WORD, D), dtype=jnp.float32) * 0.02
    pos_table = jax.random.normal(ks[5], (V_POS, D), dtype=jnp.float32) * 0.02
    seg_table = jax.random.normal(ks[6], (V_SEG, D), dtype=jnp.float32) * 0.02
    postag_table = jax.random.normal(ks[7], (V_POSTAG, D), dtype=jnp.float32) * 0.02
    gamma = jnp.ones((D,), dtype=jnp.float32)
    beta = jnp.zeros((D,), dtype=jnp.float32)
    return {
        "src": src,
        "postag_ids": postag_ids,
        "seg": seg,
        "pos": pos,
        "word_table": word_table,
        "pos_table": pos_table,
        "seg_table": seg_table,
        "postag_table": postag_table,
        "gamma": gamma,
        "beta": beta,
    }


def _layer_norm(x, gamma, beta, eps=1e-6):
    mean = jnp.mean(x, axis=-1, keepdims=True)
    var = jnp.mean(jnp.square(x - mean), axis=-1, keepdims=True)
    return gamma * (x - mean) / jnp.sqrt(var + eps) + beta


def reference(src, postag_ids, seg, pos, word_table, pos_table, seg_table, postag_table, gamma, beta):
    # bert_embedding(src, pos, seg) = word + position + segment embeddings
    emb = (jnp.take(word_table, src, axis=0)
           + jnp.take(pos_table, pos, axis=0)
           + jnp.take(seg_table, seg, axis=0))
    # additional postag embedding
    postag_emb = jnp.take(postag_table, postag_ids, axis=0)
    emb = emb + postag_emb
    emb = _layer_norm(emb, gamma, beta)
    # dropout is identity in eval mode
    return emb

if __name__ == "__main__":
    import jax
    _d = setup_inputs()
    print(jax.jit(kernel)(*tuple(_d.values())))

</pallas_src>

<mosaic_0001>
#map = affine_map<(d0, d1) -> (0)>
#map1 = affine_map<(d0, d1) -> (0, 0)>
module attributes {stable_mosaic.version = 14 : i64} {
  func.func @_emb_body(%arg0: i32, %arg1: i32, %arg2: memref<204800xi32, #tpu.memory_space<hbm>>, %arg3: memref<204800xi32, #tpu.memory_space<hbm>>, %arg4: memref<204800xi32, #tpu.memory_space<hbm>>, %arg5: memref<204800xi32, #tpu.memory_space<hbm>>, %arg6: memref<100000x128xf32, #tpu.memory_space<hbm>>, %arg7: memref<512x128xf32, #tpu.memory_space<hbm>>, %arg8: memref<128x128xf32, #tpu.memory_space<hbm>>, %arg9: memref<128xf32, #tpu.memory_space<hbm>>, %arg10: memref<128xf32, #tpu.memory_space<hbm>>, %arg11: memref<204800x128xf32, #tpu.memory_space<hbm>>, %arg12: memref<6400xi32, #tpu.memory_space<vmem>>, %arg13: memref<6400xi32, #tpu.memory_space<vmem>>, %arg14: memref<6400xi32, #tpu.memory_space<vmem>>, %arg15: memref<6400xi32, #tpu.memory_space<vmem>>, %arg16: memref<2x80xi32, #tpu.memory_space<vmem>>, %arg17: memref<2x80x128xf32, #tpu.memory_space<vmem>>, %arg18: memref<2x80x128xf32, #tpu.memory_space<vmem>>, %arg19: memref<2x80x128xf32, #tpu.memory_space<vmem>>, %arg20: memref<2x80x128xf32, #tpu.memory_space<vmem>>, %arg21: memref<128xf32, #tpu.memory_space<vmem>>, %arg22: memref<128xf32, #tpu.memory_space<vmem>>, %arg23: memref<!tpu.dma_semaphore, #tpu.memory_space<semaphore_mem>>, %arg24: memref<!tpu.dma_semaphore, #tpu.memory_space<semaphore_mem>>, %arg25: memref<!tpu.dma_semaphore, #tpu.memory_space<semaphore_mem>>, %arg26: memref<!tpu.dma_semaphore, #tpu.memory_space<semaphore_mem>>, %arg27: memref<!tpu.dma_semaphore, #tpu.memory_space<semaphore_mem>>) attributes {dimension_semantics = [#tpu.dimension_semantics<core_parallel>, #tpu.dimension_semantics<subcore_parallel>], iteration_bounds = array<i64: 2, 16>, scalar_prefetch = 0 : i64, scratch_operands = 16 : i64, tpu.core_type = #tpu.core_type<sc_vector_subcore>, window_params = [{transform_indices = #map}, {transform_indices = #map}, {transform_indices = #map}, {transform_indices = #map}, {transform_indices = #map1}, {transform_indices = #map1}, {transform_indices = #map1}, {transform_indices = #map}, {transform_indices = #map}, {transform_indices = #map1}]} {
    %mul3A = arith.constant 2 : i32
    %mul3A_0 = arith.muli %arg1, %mul3A : i32
    %add3A = arith.addi %mul3A_0, %arg0 : i32
    %mul3A_1 = arith.constant 6400 : i32
    %mul3A_2 = arith.muli %add3A, %mul3A_1 : i32
    "tpu.region"() ({
      %run_scoped3A = tpu.sem_alloc : memref<!tpu.dma_semaphore, #tpu.memory_space<semaphore_mem>>
      tpu.enqueue_dma source(%arg9 : memref<128xf32, #tpu.memory_space<hbm>>) target(%arg21 : memref<128xf32, #tpu.memory_space<vmem>>) target_semaphore(%run_scoped3A : memref<!tpu.dma_semaphore, #tpu.memory_space<semaphore_mem>>)
      tpu.wait_dma2 semaphore(%run_scoped3A : memref<!tpu.dma_semaphore, #tpu.memory_space<semaphore_mem>>) src(%arg9 : memref<128xf32, #tpu.memory_space<hbm>>) dst(%arg21 : memref<128xf32, #tpu.memory_space<vmem>>)
      tpu.yield
    }) : () -> ()
    "tpu.region"() ({
      %run_scoped3A = tpu.sem_alloc : memref<!tpu.dma_semaphore, #tpu.memory_space<semaphore_mem>>
      tpu.enqueue_dma source(%arg10 : memref<128xf32, #tpu.memory_space<hbm>>) target(%arg22 : memref<128xf32, #tpu.memory_space<vmem>>) target_semaphore(%run_scoped3A : memref<!tpu.dma_semaphore, #tpu.memory_space<semaphore_mem>>)
      tpu.wait_dma2 semaphore(%run_scoped3A : memref<!tpu.dma_semaphore, #tpu.memory_space<semaphore_mem>>) src(%arg10 : memref<128xf32, #tpu.memory_space<hbm>>) dst(%arg22 : memref<128xf32, #tpu.memory_space<vmem>>)
      tpu.yield
    }) : () -> ()
    %dma_start3A = tpu.memref_slice %arg2[%mul3A_2] : memref<204800xi32, #tpu.memory_space<hbm>> -> memref<6400xi32, #tpu.memory_space<hbm>>
    %dma_start3A_3 = tpu.memref_slice %arg2[%mul3A_2] : memref<204800xi32, #tpu.memory_space<hbm>> -> memref<6400xi32, #tpu.memory_space<hbm>>
    tpu.enqueue_dma source(%dma_start3A_3 : memref<6400xi32, #tpu.memory_space<hbm>>) target(%arg12 : memref<6400xi32, #tpu.memory_space<vmem>>) target_semaphore(%arg23 : memref<!tpu.dma_semaphore, #tpu.memory_space<semaphore_mem>>)
    %dma_start3A_4 = tpu.memref_slice %arg3[%mul3A_2] : memref<204800xi32, #tpu.memory_space<hbm>> -> memref<6400xi32, #tpu.memory_space<hbm>>
    %dma_start3A_5 = tpu.memref_slice %arg3[%mul3A_2] : memref<204800xi32, #tpu.memory_space<hbm>> -> memref<6400xi32, #tpu.memory_space<hbm>>
    tpu.enqueue_dma source(%dma_start3A_5 : memref<6400xi32, #tpu.memory_space<hbm>>) target(%arg13 : memref<6400xi32, #tpu.memory_space<vmem>>) target_semaphore(%arg23 : memref<!tpu.dma_semaphore, #tpu.memory_space<semaphore_mem>>)
    %dma_start3A_6 = tpu.memref_slice %arg4[%mul3A_2] : memref<204800xi32, #tpu.memory_space<hbm>> -> memref<6400xi32, #tpu.memory_space<hbm>>
    %dma_start3A_7 = tpu.memref_slice %arg4[%mul3A_2] : memref<204800xi32, #tpu.memory_space<hbm>> -> memref<6400xi32, #tpu.memory_space<hbm>>
    tpu.enqueue_dma source(%dma_start3A_7 : memref<6400xi32, #tpu.memory_space<hbm>>) target(%arg14 : memref<6400xi32, #tpu.memory_space<vmem>>) target_semaphore(%arg23 : memref<!tpu.dma_semaphore, #tpu.memory_space<semaphore_mem>>)
    %dma_start3A_8 = tpu.memref_slice %arg5[%mul3A_2] : memref<204800xi32, #tpu.memory_space<hbm>> -> memref<6400xi32, #tpu.memory_space<hbm>>
    %dma_start3A_9 = tpu.memref_slice %arg5[%mul3A_2] : memref<204800xi32, #tpu.memory_space<hbm>> -> memref<6400xi32, #tpu.memory_space<hbm>>
    tpu.enqueue_dma source(%dma_start3A_9 : memref<6400xi32, #tpu.memory_space<hbm>>) target(%arg15 : memref<6400xi32, #tpu.memory_space<vmem>>) target_semaphore(%arg23 : memref<!tpu.dma_semaphore, #tpu.memory_space<semaphore_mem>>)
    %dma_wait3A = tpu.memref_slice %arg2[%mul3A_2] : memref<204800xi32, #tpu.memory_space<hbm>> -> memref<6400xi32, #tpu.memory_space<hbm>>
    %dma_wait3A_10 = tpu.memref_slice %arg2[%mul3A_2] : memref<204800xi32, #tpu.memory_space<hbm>> -> memref<6400xi32, #tpu.memory_space<hbm>>
    tpu.wait_dma2 semaphore(%arg23 : memref<!tpu.dma_semaphore, #tpu.memory_space<semaphore_mem>>) src(%dma_wait3A_10 : memref<6400xi32, #tpu.memory_space<hbm>>) dst(%arg12 : memref<6400xi32, #tpu.memory_space<vmem>>)
    %dma_wait3A_11 = tpu.memref_slice %arg3[%mul3A_2] : memref<204800xi32, #tpu.memory_space<hbm>> -> memref<6400xi32, #tpu.memory_space<hbm>>
    %dma_wait3A_12 = tpu.memref_slice %arg3[%mul3A_2] : memref<204800xi32, #tpu.memory_space<hbm>> -> memref<6400xi32, #tpu.memory_space<hbm>>
    tpu.wait_dma2 semaphore(%arg23 : memref<!tpu.dma_semaphore, #tpu.memory_space<semaphore_mem>>) src(%dma_wait3A_12 : memref<6400xi32, #tpu.memory_space<hbm>>) dst(%arg13 : memref<6400xi32, #tpu.memory_space<vmem>>)
    %dma_wait3A_13 = tpu.memref_slice %arg4[%mul3A_2] : memref<204800xi32, #tpu.memory_space<hbm>> -> memref<6400xi32, #tpu.memory_space<hbm>>
    %dma_wait3A_14 = tpu.memref_slice %arg4[%mul3A_2] : memref<204800xi32, #tpu.memory_space<hbm>> -> memref<6400xi32, #tpu.memory_space<hbm>>
    tpu.wait_dma2 semaphore(%arg23 : memref<!tpu.dma_semaphore, #tpu.memory_space<semaphore_mem>>) src(%dma_wait3A_14 : memref<6400xi32, #tpu.memory_space<hbm>>) dst(%arg14 : memref<6400xi32, #tpu.memory_space<vmem>>)
    %dma_wait3A_15 = tpu.memref_slice %arg5[%mul3A_2] : memref<204800xi32, #tpu.memory_space<hbm>> -> memref<6400xi32, #tpu.memory_space<hbm>>
    %dma_wait3A_16 = tpu.memref_slice %arg5[%mul3A_2] : memref<204800xi32, #tpu.memory_space<hbm>> -> memref<6400xi32, #tpu.memory_space<hbm>>
    tpu.wait_dma2 semaphore(%arg23 : memref<!tpu.dma_semaphore, #tpu.memory_space<semaphore_mem>>) src(%dma_wait3A_16 : memref<6400xi32, #tpu.memory_space<hbm>>) dst(%arg15 : memref<6400xi32, #tpu.memory_space<vmem>>)
    %get3A = arith.constant 0 : index
    %get3A_17 = tpu.vector_load %arg21[%get3A] {strides = array<i32>} : memref<128xf32, #tpu.memory_space<vmem>>, vector<16xf32>,
    %get3A_18 = vector.shape_cast %get3A_17 : vector<16xf32> to vector<16xf32>
    %get3A_19 = arith.constant 16 : index
    %get3A_20 = tpu.vector_load %arg21[%get3A_19] {strides = array<i32>} : memref<128xf32, #tpu.memory_space<vmem>>, vector<16xf32>,
    %get3A_21 = vector.shape_cast %get3A_20 : vector<16xf32> to vector<16xf32>
    %get3A_22 = arith.constant 32 : index
    %get3A_23 = tpu.vector_load %arg21[%get3A_22] {strides = array<i32>} : memref<128xf32, #tpu.memory_space<vmem>>, vector<16xf32>,
    %get3A_24 = vector.shape_cast %get3A_23 : vector<16xf32> to vector<16xf32>
    %get3A_25 = arith.constant 48 : index
    %get3A_26 = tpu.vector_load %arg21[%get3A_25] {strides = array<i32>} : memref<128xf32, #tpu.memory_space<vmem>>, vector<16xf32>,
    %get3A_27 = vector.shape_cast %get3A_26 : vector<16xf32> to vector<16xf32>
    %get3A_28 = arith.constant 64 : index
    %get3A_29 = tpu.vector_load %arg21[%get3A_28] {strides = array<i32>} : memref<128xf32, #tpu.memory_space<vmem>>, vector<16xf32>,
    %get3A_30 = vector.shape_cast %get3A_29 : vector<16xf32> to vector<16xf32>
    %get3A_31 = arith.constant 80 : index
    %get3A_32 = tpu.vector_load %arg21[%get3A_31] {strides = array<i32>} : memref<128xf32, #tpu.memory_space<vmem>>, vector<16xf32>,
    %get3A_33 = vector.shape_cast %get3A_32 : vector<16xf32> to vector<16xf32>
    %get3A_34 = arith.constant 96 : index
    %get3A_35 = tpu.vector_load %arg21[%get3A_34] {strides = array<i32>} : memref<128xf32, #tpu.memory_space<vmem>>, vector<16xf32>,
    %get3A_36 = vector.shape_cast %get3A_35 : vector<16xf32> to vector<16xf32>
    %get3A_37 = arith.constant 112 : index
    %get3A_38 = tpu.vector_load %arg21[%get3A_37] {strides = array<i32>} : memref<128xf32, #tpu.memory_space<vmem>>, vector<16xf32>,
    %get3A_39 = vector.shape_cast %get3A_38 : vector<16xf32> to vector<16xf32>
    %get3A_40 = arith.constant 0 : index
    %get3A_41 = tpu.vector_load %arg22[%get3A_40] {strides = array<i32>} : memref<128xf32, #tpu.memory_space<vmem>>, vector<16xf32>,
    %get3A_42 = vector.shape_cast %get3A_41 : vector<16xf32> to vector<16xf32>
    %get3A_43 = arith.constant 16 : index
    %get3A_44 = tpu.vector_load %arg22[%get3A_43] {strides = array<i32>} : memref<128xf32, #tpu.memory_space<vmem>>, vector<16xf32>,
    %get3A_45 = vector.shape_cast %get3A_44 : vector<16xf32> to vector<16xf32>
    %get3A_46 = arith.constant 32 : index
    %get3A_47 = tpu.vector_load %arg22[%get3A_46] {strides = array<i32>} : memref<128xf32, #tpu.memory_space<vmem>>, vector<16xf32>,
    %get3A_48 = vector.shape_cast %get3A_47 : vector<16xf32> to vector<16xf32>
    %get3A_49 = arith.constant 48 : index
    %get3A_50 = tpu.vector_load %arg22[%get3A_49] {strides = array<i32>} : memref<128xf32, #tpu.memory_space<vmem>>, vector<16xf32>,
    %get3A_51 = vector.shape_cast %get3A_50 : vector<16xf32> to vector<16xf32>
    %get3A_52 = arith.constant 64 : index
    %get3A_53 = tpu.vector_load %arg22[%get3A_52] {strides = array<i32>} : memref<128xf32, #tpu.memory_space<vmem>>, vector<16xf32>,
    %get3A_54 = vector.shape_cast %get3A_53 : vector<16xf32> to vector<16xf32>
    %get3A_55 = arith.constant 80 : index
    %get3A_56 = tpu.vector_load %arg22[%get3A_55] {strides = array<i32>} : memref<128xf32, #tpu.memory_space<vmem>>, vector<16xf32>,
    %get3A_57 = vector.shape_cast %get3A_56 : vector<16xf32> to vector<16xf32>
    %get3A_58 = arith.constant 96 : index
    %get3A_59 = tpu.vector_load %arg22[%get3A_58] {strides = array<i32>} : memref<128xf32, #tpu.memory_space<vmem>>, vector<16xf32>,
    %get3A_60 = vector.shape_cast %get3A_59 : vector<16xf32> to vector<16xf32>
    %get3A_61 = arith.constant 112 : index
    %get3A_62 = tpu.vector_load %arg22[%get3A_61] {strides = array<i32>} : memref<128xf32, #tpu.memory_space<vmem>>, vector<16xf32>,
    %get3A_63 = vector.shape_cast %get3A_62 : vector<16xf32> to vector<16xf32>
    %iota3A = tpu.iota {dimensions = array<i32: 0>} : vector<16xi32>
    %xor3A = arith.constant 8 : i32
    %xor3A_64 = vector.broadcast %xor3A : i32 to vector<16xi32>
    %xor3A_65 = arith.xori %iota3A, %xor3A_64 : vector<16xi32>
    %xor3A_66 = arith.constant 4 : i32
    %xor3A_67 = vector.broadcast %xor3A_66 : i32 to vector<16xi32>
    %xor3A_68 = arith.xori %iota3A, %xor3A_67 : vector<16xi32>
    %xor3A_69 = arith.constant 2 : i32
    %xor3A_70 = vector.broadcast %xor3A_69 : i32 to vector<16xi32>
    %xor3A_71 = arith.xori %iota3A, %xor3A_70 : vector<16xi32>
    %xor3A_72 = arith.constant 1 : i32
    %xor3A_73 = vector.broadcast %xor3A_72 : i32 to vector<16xi32>
    %xor3A_74 = arith.xori %iota3A, %xor3A_73 : vector<16xi32>
    %scan3A = arith.constant 0 : i32
    %scan3A_75 = arith.constant 0 : i32
    %scan3A_76 = arith.constant 5 : i32
    %scan3A_77 = arith.addi %scan3A_75, %scan3A_76 : i32
    %scan3A_78 = arith.constant 1 : i32
    scf.for %scan3A_148 = %scan3A_75 to %scan3A_77 step %scan3A_78  : i32 {
      %mul3A_149 = arith.constant 16 : i32
      %mul3A_150 = arith.muli %scan3A_148, %mul3A_149 : i32
      %add3A_151 = arith.constant 0 : i32
      %add3A_152 = arith.addi %add3A_151, %mul3A_150 : i32
      %get3A_153 = arith.index_cast %add3A_152 : i32 to index
      %get3A_154 = tpu.vector_load %arg15[%get3A_153] {strides = array<i32>} : memref<6400xi32, #tpu.memory_space<vmem>>, vector<16xi32>,
      %get3A_155 = vector.shape_cast %get3A_154 : vector<16xi32> to vector<16xi32>
      %mul3A_156 = arith.constant 2 : i32
      %mul3A_157 = vector.broadcast %mul3A_156 : i32 to vector<16xi32>
      %mul3A_158 = arith.muli %get3A_155, %mul3A_157 : vector<16xi32>
      %get3A_159 = arith.index_cast %add3A_152 : i32 to index
      %get3A_160 = tpu.vector_load %arg14[%get3A_159] {strides = array<i32>} : memref<6400xi32, #tpu.memory_space<vmem>>, vector<16xi32>,
      %get3A_161 = vector.shape_cast %get3A_160 : vector<16xi32> to vector<16xi32>
      %add3A_162 = arith.addi %mul3A_158, %get3A_161 : vector<16xi32>
      %mul3A_163 = arith.constant 16 : i32
      %mul3A_164 = arith.muli %scan3A_148, %mul3A_163 : i32
      %swap3A = arith.constant 0 : i32
      %swap3A_165 = arith.index_cast %swap3A : i32 to index
      %swap3A_166 = arith.index_cast %mul3A_164 : i32 to index
      %swap3A_167 = tpu.vector_load %arg16[%swap3A_165, %swap3A_166] {strides = array<i32>} : memref<2x80xi32, #tpu.memory_space<vmem>>, vector<1x16xi32>,
      %swap3A_168 = vector.shape_cast %swap3A_167 : vector<1x16xi32> to vector<16xi32>
      %swap3A_169 = vector.shape_cast %add3A_162 : vector<16xi32> to vector<1x16xi32>
      tpu.vector_store %arg16[%swap3A_165, %swap3A_166], %swap3A_169 {strides = array<i32>} : memref<2x80xi32, #tpu.memory_space<vmem>>, vector<1x16xi32>,
    }
    %scan3A_79 = arith.constant 5 : i32
    %dma_start3A_80 = arith.constant 0 : i32
    %dma_start3A_81 = arith.constant 0 : i32
    %dma_start3A_82 = arith.constant 0 : i32
    %dma_start3A_83 = tpu.memref_slice %arg17[%dma_start3A_80, %dma_start3A_81, %dma_start3A_82] : memref<2x80x128xf32, #tpu.memory_space<vmem>> -> memref<1x80x128xf32, #tpu.memory_space<vmem>>
    %dma_start3A_84 = tpu.memref_squeeze %dma_start3A_83 : memref<1x80x128xf32, #tpu.memory_space<vmem>> -> memref<80x128xf32, #tpu.memory_space<vmem>>
    %dma_start3A_85 = arith.constant 0 : i32
    %dma_start3A_86 = tpu.memref_slice %arg12[%dma_start3A_85] : memref<6400xi32, #tpu.memory_space<vmem>> -> memref<80xi32, #tpu.memory_space<vmem>>
    %dma_start3A_87 = arith.constant 0 : i32
    %dma_start3A_88 = arith.constant 0 : i32
    %dma_start3A_89 = tpu.memref_slice %arg6[%dma_start3A_87, %dma_start3A_88] : memref<100000x128xf32, #tpu.memory_space<hbm>> -> memref<100000x128xf32, #tpu.memory_space<hbm>>
    tpu.enqueue_indirect_dma source(%dma_start3A_89 : memref<100000x128xf32, #tpu.memory_space<hbm>>) target(%dma_start3A_84 : memref<80x128xf32, #tpu.memory_space<vmem>>) offsets(%dma_start3A_86 : memref<80xi32, #tpu.memory_space<vmem>>) semaphore(%arg24 : memref<!tpu.dma_semaphore, #tpu.memory_space<semaphore_mem>>)
    %dma_start3A_90 = arith.constant 0 : i32
    %dma_start3A_91 = arith.constant 0 : i32
    %dma_start3A_92 = arith.constant 0 : i32
    %dma_start3A_93 = tpu.memref_slice %arg18[%dma_start3A_90, %dma_start3A_91, %dma_start3A_92] : memref<2x80x128xf32, #tpu.memory_space<vmem>> -> memref<1x80x128xf32, #tpu.memory_space<vmem>>
    %dma_start3A_94 = tpu.memref_squeeze %dma_start3A_93 : memref<1x80x128xf32, #tpu.memory_space<vmem>> -> memref<80x128xf32, #tpu.memory_space<vmem>>
    %dma_start3A_95 = arith.constant 0 : i32
    %dma_start3A_96 = tpu.memref_slice %arg13[%dma_start3A_95] : memref<6400xi32, #tpu.memory_space<vmem>> -> memref<80xi32, #tpu.memory_space<vmem>>
    %dma_start3A_97 = arith.constant 0 : i32
    %dma_start3A_98 = arith.constant 0 : i32
    %dma_start3A_99 = tpu.memref_slice %arg7[%dma_start3A_97, %dma_start3A_98] : memref<512x128xf32, #tpu.memory_space<hbm>> -> memref<512x128xf32, #tpu.memory_space<hbm>>
    tpu.enqueue_indirect_dma source(%dma_start3A_99 : memref<512x128xf32, #tpu.memory_space<hbm>>) target(%dma_start3A_94 : memref<80x128xf32, #tpu.memory_space<vmem>>) offsets(%dma_start3A_96 : memref<80xi32, #tpu.memory_space<vmem>>) semaphore(%arg24 : memref<!tpu.dma_semaphore, #tpu.memory_space<semaphore_mem>>)
    %dma_start3A_100 = arith.constant 0 : i32
    %dma_start3A_101 = arith.constant 0 : i32
    %dma_start3A_102 = arith.constant 0 : i32
    %dma_start3A_103 = arith.constant 0 : i32
    %dma_start3A_104 = tpu.memref_slice %arg19[%dma_start3A_101, %dma_start3A_102, %dma_start3A_103] : memref<2x80x128xf32, #tpu.memory_space<vmem>> -> memref<1x80x128xf32, #tpu.memory_space<vmem>>
    %dma_start3A_105 = tpu.memref_squeeze %dma_start3A_104 : memref<1x80x128xf32, #tpu.memory_space<vmem>> -> memref<80x128xf32, #tpu.memory_space<vmem>>
    %dma_start3A_106 = arith.constant 0 : i32
    %dma_start3A_107 = tpu.memref_slice %arg16[%dma_start3A_100, %dma_start3A_106] : memref<2x80xi32, #tpu.memory_space<vmem>> -> memref<1x80xi32, #tpu.memory_space<vmem>>
    %dma_start3A_108 = tpu.memref_squeeze %dma_start3A_107 : memref<1x80xi32, #tpu.memory_space<vmem>> -> memref<80xi32, #tpu.memory_space<vmem>>
    %dma_start3A_109 = arith.constant 0 : i32
    %dma_start3A_110 = arith.constant 0 : i32
    %dma_start3A_111 = tpu.memref_slice %arg8[%dma_start3A_109, %dma_start3A_110] : memref<128x128xf32, #tpu.memory_space<hbm>> -> memref<128x128xf32, #tpu.memory_space<hbm>>
    tpu.enqueue_indirect_dma source(%dma_start3A_111 : memref<128x128xf32, #tpu.memory_space<hbm>>) target(%dma_start3A_105 : memref<80x128xf32, #tpu.memory_space<vmem>>) offsets(%dma_start3A_108 : memref<80xi32, #tpu.memory_space<vmem>>) semaphore(%arg24 : memref<!tpu.dma_semaphore, #tpu.memory_space<semaphore_mem>>)
    %scan3A_112 = arith.constant 0 : i32
    %scan3A_113 = arith.constant 0 : i32
    %scan3A_114 = arith.constant 40 : i32
    %scan3A_115 = arith.addi %scan3A_113, %scan3A_114 : i32
    %scan3A_116 = arith.constant 1 : i32
    scf.for %scan3A_148 = %scan3A_113 to %scan3A_115 step %scan3A_116  : i32 {
      %mul3A_149 = arith.constant 2 : i32
      %mul3A_150 = arith.muli %mul3A_149, %scan3A_148 : i32
      %add3A_151 = arith.constant 1 : i32
      %add3A_152 = arith.addi %mul3A_150, %add3A_151 : i32
      %scan3A_153 = arith.constant 0 : i32
      %scan3A_154 = arith.constant 0 : i32
      %scan3A_155 = arith.constant 5 : i32
      %scan3A_156 = arith.addi %scan3A_154, %scan3A_155 : i32
      %scan3A_157 = arith.constant 1 : i32
      scf.for %scan3A_316 = %scan3A_154 to %scan3A_156 step %scan3A_157  : i32 {
        %mul3A_317 = arith.constant 80 : i32
        %mul3A_318 = arith.muli %add3A_152, %mul3A_317 : i32
        %mul3A_319 = arith.constant 16 : i32
        %mul3A_320 = arith.muli %scan3A_316, %mul3A_319 : i32
        %add3A_321 = arith.addi %mul3A_318, %mul3A_320 : i32
        %get3A_322 = arith.index_cast %add3A_321 : i32 to index
        %get3A_323 = tpu.vector_load %arg15[%get3A_322] {strides = array<i32>} : memref<6400xi32, #tpu.memory_space<vmem>>, vector<16xi32>,
        %get3A_324 = vector.shape_cast %get3A_323 : vector<16xi32> to vector<16xi32>
        %mul3A_325 = arith.constant 2 : i32
        %mul3A_326 = vector.broadcast %mul3A_325 : i32 to vector<16xi32>
        %mul3A_327 = arith.muli %get3A_324, %mul3A_326 : vector<16xi32>
        %get3A_328 = arith.index_cast %add3A_321 : i32 to index
        %get3A_329 = tpu.vector_load %arg14[%get3A_328] {strides = array<i32>} : memref<6400xi32, #tpu.memory_space<vmem>>, vector<16xi32>,
        %get3A_330 = vector.shape_cast %get3A_329 : vector<16xi32> to vector<16xi32>
        %add3A_331 = arith.addi %mul3A_327, %get3A_330 : vector<16xi32>
        %mul3A_332 = arith.constant 16 : i32
        %mul3A_333 = arith.muli %scan3A_316, %mul3A_332 : i32
        %swap3A = arith.constant 1 : i32
        %swap3A_334 = arith.index_cast %swap3A : i32 to index
        %swap3A_335 = arith.index_cast %mul3A_333 : i32 to index
        %swap3A_336 = tpu.vector_load %arg16[%swap3A_334, %swap3A_335] {strides = array<i32>} : memref<2x80xi32, #tpu.memory_space<vmem>>, vector<1x16xi32>,
        %swap3A_337 = vector.shape_cast %swap3A_336 : vector<1x16xi32> to vector<16xi32>
        %swap3A_338 = vector.shape_cast %add3A_331 : vector<16xi32> to vector<1x16xi32>
        tpu.vector_store %arg16[%swap3A_334, %swap3A_335], %swap3A_338 {strides = array<i32>} : memref<2x80xi32, #tpu.memory_space<vmem>>, vector<1x16xi32>,
      }
      %scan3A_158 = arith.constant 5 : i32
      %add3A_159 = arith.constant 1 : i32
      %add3A_160 = arith.addi %mul3A_150, %add3A_159 : i32
      %mul3A_161 = arith.constant 80 : i32
      %mul3A_162 = arith.muli %add3A_160, %mul3A_161 : i32
      %dma_start3A_163 = arith.constant 1 : i32
      %dma_start3A_164 = arith.constant 0 : i32
      %dma_start3A_165 = arith.constant 0 : i32
      %dma_start3A_166 = tpu.memref_slice %arg17[%dma_start3A_163, %dma_start3A_164, %dma_start3A_165] : memref<2x80x128xf32, #tpu.memory_space<vmem>> -> memref<1x80x128xf32, #tpu.memory_space<vmem>>
      %dma_start3A_167 = tpu.memref_squeeze %dma_start3A_166 : memref<1x80x128xf32, #tpu.memory_space<vmem>> -> memref<80x128xf32, #tpu.memory_space<vmem>>
      %dma_start3A_168 = tpu.memref_slice %arg12[%mul3A_162] : memref<6400xi32, #tpu.memory_space<vmem>> -> memref<80xi32, #tpu.memory_space<vmem>>
      %dma_start3A_169 = arith.constant 0 : i32
      %dma_start3A_170 = arith.constant 0 : i32
      %dma_start3A_171 = tpu.memref_slice %arg6[%dma_start3A_169, %dma_start3A_170] : memref<100000x128xf32, #tpu.memory_space<hbm>> -> memref<100000x128xf32, #tpu.memory_space<hbm>>
      tpu.enqueue_indirect_dma source(%dma_start3A_171 : memref<100000x128xf32, #tpu.memory_space<hbm>>) target(%dma_start3A_167 : memref<80x128xf32, #tpu.memory_space<vmem>>) offsets(%dma_start3A_168 : memref<80xi32, #tpu.memory_space<vmem>>) semaphore(%arg25 : memref<!tpu.dma_semaphore, #tpu.memory_space<semaphore_mem>>)
      %dma_start3A_172 = arith.constant 1 : i32
      %dma_start3A_173 = arith.constant 0 : i32
      %dma_start3A_174 = arith.constant 0 : i32
      %dma_start3A_175 = tpu.memref_slice %arg18[%dma_start3A_172, %dma_start3A_173, %dma_start3A_174] : memref<2x80x128xf32, #tpu.memory_space<vmem>> -> memref<1x80x128xf32, #tpu.memory_space<vmem>>
      %dma_start3A_176 = tpu.memref_squeeze %dma_start3A_175 : memref<1x80x128xf32, #tpu.memory_space<vmem>> -> memref<80x128xf32, #tpu.memory_space<vmem>>
      %dma_start3A_177 = tpu.memref_slice %arg13[%mul3A_162] : memref<6400xi32, #tpu.memory_space<vmem>> -> memref<80xi32, #tpu.memory_space<vmem>>
      %dma_start3A_178 = arith.constant 0 : i32
      %dma_start3A_179 = arith.constant 0 : i32
      %dma_start3A_180 = tpu.memref_slice %arg7[%dma_start3A_178, %dma_start3A_179] : memref<512x128xf32, #tpu.memory_space<hbm>> -> memref<512x128xf32, #tpu.memory_space<hbm>>
      tpu.enqueue_indirect_dma source(%dma_start3A_180 : memref<512x128xf32, #tpu.memory_space<hbm>>) target(%dma_start3A_176 : memref<80x128xf32, #tpu.memory_space<vmem>>) offsets(%dma_start3A_177 : memref<80xi32, #tpu.memory_space<vmem>>) semaphore(%arg25 : memref<!tpu.dma_semaphore, #tpu.memory_space<semaphore_mem>>)
      %dma_start3A_181 = arith.constant 1 : i32
      %dma_start3A_182 = arith.constant 1 : i32
      %dma_start3A_183 = arith.constant 0 : i32
      %dma_start3A_184 = arith.constant 0 : i32
      %dma_start3A_185 = tpu.memref_slice %arg19[%dma_start3A_182, %dma_start3A_183, %dma_start3A_184] : memref<2x80x128xf32, #tpu.memory_space<vmem>> -> memref<1x80x128xf32, #tpu.memory_space<vmem>>
      %dma_start3A_186 = tpu.memref_squeeze %dma_start3A_185 : memref<1x80x128xf32, #tpu.memory_space<vmem>> -> memref<80x128xf32, #tpu.memory_space<vmem>>
      %dma_start3A_187 = arith.constant 0 : i32
      %dma_start3A_188 = tpu.memref_slice %arg16[%dma_start3A_181, %dma_start3A_187] : memref<2x80xi32, #tpu.memory_space<vmem>> -> memref<1x80xi32, #tpu.memory_space<vmem>>
      %dma_start3A_189 = tpu.memref_squeeze %dma_start3A_188 : memref<1x80xi32, #tpu.memory_space<vmem>> -> memref<80xi32, #tpu.memory_space<vmem>>
      %dma_start3A_190 = arith.constant 0 : i32
      %dma_start3A_191 = arith.constant 0 : i32
      %dma_start3A_192 = tpu.memref_slice %arg8[%dma_start3A_190, %dma_start3A_191] : memref<128x128xf32, #tpu.memory_space<hbm>> -> memref<128x128xf32, #tpu.memory_space<hbm>>
      tpu.enqueue_indirect_dma source(%dma_start3A_192 : memref<128x128xf32, #tpu.memory_space<hbm>>) target(%dma_start3A_186 : memref<80x128xf32, #tpu.memory_space<vmem>>) offsets(%dma_start3A_189 : memref<80xi32, #tpu.memory_space<vmem>>) semaphore(%arg25 : memref<!tpu.dma_semaphore, #tpu.memory_space<semaphore_mem>>)
      %mul3A_193 = arith.constant 80 : i32
      %mul3A_194 = arith.muli %mul3A_150, %mul3A_193 : i32
      %dma_wait3A_195 = arith.constant 0 : i32
      %dma_wait3A_196 = arith.constant 0 : i32
      %dma_wait3A_197 = arith.constant 0 : i32
      %dma_wait3A_198 = tpu.memref_slice %arg17[%dma_wait3A_195, %dma_wait3A_196, %dma_wait3A_197] : memref<2x80x128xf32, #tpu.memory_space<vmem>> -> memref<1x80x128xf32, #tpu.memory_space<vmem>>
      %dma_wait3A_199 = tpu.memref_squeeze %dma_wait3A_198 : memref<1x80x128xf32, #tpu.memory_space<vmem>> -> memref<80x128xf32, #tpu.memory_space<vmem>>
      %dma_wait3A_200 = tpu.memref_slice %arg12[%mul3A_194] : memref<6400xi32, #tpu.memory_space<vmem>> -> memref<80xi32, #tpu.memory_space<vmem>>
      %dma_wait3A_201 = arith.constant 0 : i32
      %dma_wait3A_202 = arith.constant 0 : i32
      %dma_wait3A_203 = tpu.memref_slice %arg6[%dma_wait3A_201, %dma_wait3A_202] : memref<100000x128xf32, #tpu.memory_space<hbm>> -> memref<100000x128xf32, #tpu.memory_space<hbm>>
      tpu.wait_indirect_dma semaphore(%arg24 : memref<!tpu.dma_semaphore, #tpu.memory_space<semaphore_mem>>) src(%dma_wait3A_203 : memref<100000x128xf32, #tpu.memory_space<hbm>>) dst(%dma_wait3A_199 : memref<80x128xf32, #tpu.memory_space<vmem>>)
      %dma_wait3A_204 = arith.constant 0 : i32
      %dma_wait3A_205 = arith.constant 0 : i32
      %dma_wait3A_206 = arith.constant 0 : i32
      %dma_wait3A_207 = tpu.memref_slice %arg18[%dma_wait3A_204, %dma_wait3A_205, %dma_wait3A_206] : memref<2x80x128xf32, #tpu.memory_space<vmem>> -> memref<1x80x128xf32, #tpu.memory_space<vmem>>
      %dma_wait3A_208 = tpu.memref_squeeze %dma_wait3A_207 : memref<1x80x128xf32, #tpu.memory_space<vmem>> -> memref<80x128xf32, #tpu.memory_space<vmem>>
      %dma_wait3A_209 = tpu.memref_slice %arg13[%mul3A_194] : memref<6400xi32, #tpu.memory_space<vmem>> -> memref<80xi32, #tpu.memory_space<vmem>>
      %dma_wait3A_210 = arith.constant 0 : i32
      %dma_wait3A_211 = arith.constant 0 : i32
      %dma_wait3A_212 = tpu.memref_slice %arg7[%dma_wait3A_210, %dma_wait3A_211] : memref<512x128xf32, #tpu.memory_space<hbm>> -> memref<512x128xf32, #tpu.memory_space<hbm>>
      tpu.wait_indirect_dma semaphore(%arg24 : memref<!tpu.dma_semaphore, #tpu.memory_space<semaphore_mem>>) src(%dma_wait3A_212 : memref<512x128xf32, #tpu.memory_space<hbm>>) dst(%dma_wait3A_208 : memref<80x128xf32, #tpu.memory_space<vmem>>)
      %dma_wait3A_213 = arith.constant 0 : i32
      %dma_wait3A_214 = arith.constant 0 : i32
      %dma_wait3A_215 = arith.constant 0 : i32
      %dma_wait3A_216 = arith.constant 0 : i32
      %dma_wait3A_217 = tpu.memref_slice %arg19[%dma_wait3A_214, %dma_wait3A_215, %dma_wait3A_216] : memref<2x80x128xf32, #tpu.memory_space<vmem>> -> memref<1x80x128xf32, #tpu.memory_space<vmem>>
      %dma_wait3A_218 = tpu.memref_squeeze %dma_wait3A_217 : memref<1x80x128xf32, #tpu.memory_space<vmem>> -> memref<80x128xf32, #tpu.memory_space<vmem>>
      %dma_wait3A_219 = arith.constant 0 : i32
      %dma_wait3A_220 = tpu.memref_slice %arg16[%dma_wait3A_213, %dma_wait3A_219] : memref<2x80xi32, #tpu.memory_space<vmem>> -> memref<1x80xi32, #tpu.memory_space<vmem>>
      %dma_wait3A_221 = tpu.memref_squeeze %dma_wait3A_220 : memref<1x80xi32, #tpu.memory_space<vmem>> -> memref<80xi32, #tpu.memory_space<vmem>>
      %dma_wait3A_222 = arith.constant 0 : i32
      %dma_wait3A_223 = arith.constant 0 : i32
      %dma_wait3A_224 = tpu.memref_slice %arg8[%dma_wait3A_222, %dma_wait3A_223] : memref<128x128xf32, #tpu.memory_space<hbm>> -> memref<128x128xf32, #tpu.memory_space<hbm>>
      tpu.wait_indirect_dma semaphore(%arg24 : memref<!tpu.dma_semaphore, #tpu.memory_space<semaphore_mem>>) src(%dma_wait3A_224 : memref<128x128xf32, #tpu.memory_space<hbm>>) dst(%dma_wait3A_218 : memref<80x128xf32, #tpu.memory_space<vmem>>)
      %ge3A = arith.constant 1 : i32
      %ge3A_225 = arith.cmpi sge, %scan3A_148, %ge3A : i32
      %convert_element_type3A = arith.extui %ge3A_225 : i1 to i32
      %cond3A = arith.constant 0 : i32
      %cond3A_226 = arith.cmpi ne, %convert_element_type3A, %cond3A : i32
      scf.if %cond3A_226 {
        %sub3A = arith.constant 2 : i32
        %sub3A_316 = arith.subi %mul3A_150, %sub3A : i32
        %mul3A_317 = arith.constant 80 : i32
        %mul3A_318 = arith.muli %sub3A_316, %mul3A_317 : i32
        %add3A_319 = arith.addi %mul3A_2, %mul3A_318 : i32
        %dma_wait3A_320 = arith.constant 0 : i32
        %dma_wait3A_321 = arith.constant 0 : i32
        %dma_wait3A_322 = arith.constant 0 : i32
        %dma_wait3A_323 = tpu.memref_slice %arg20[%dma_wait3A_320, %dma_wait3A_321, %dma_wait3A_322] : memref<2x80x128xf32, #tpu.memory_space<vmem>> -> memref<1x80x128xf32, #tpu.memory_space<vmem>>
        %dma_wait3A_324 = tpu.memref_squeeze %dma_wait3A_323 : memref<1x80x128xf32, #tpu.memory_space<vmem>> -> memref<80x128xf32, #tpu.memory_space<vmem>>
        %dma_wait3A_325 = arith.constant 0 : i32
        %dma_wait3A_326 = tpu.memref_slice %arg11[%add3A_319, %dma_wait3A_325] : memref<204800x128xf32, #tpu.memory_space<hbm>> -> memref<80x128xf32, #tpu.memory_space<hbm>>
        %dma_wait3A_327 = arith.constant 0 : i32
        %dma_wait3A_328 = tpu.memref_slice %arg11[%add3A_319, %dma_wait3A_327] : memref<204800x128xf32, #tpu.memory_space<hbm>> -> memref<80x128xf32, #tpu.memory_space<hbm>>
        %dma_wait3A_329 = arith.constant 0 : i32
        %dma_wait3A_330 = arith.constant 0 : i32
        %dma_wait3A_331 = tpu.memref_slice %arg20[%dma_wait3A_320, %dma_wait3A_329, %dma_wait3A_330] : memref<2x80x128xf32, #tpu.memory_space<vmem>> -> memref<1x80x128xf32, #tpu.memory_space<vmem>>
        %dma_wait3A_332 = tpu.memref_squeeze %dma_wait3A_331 : memref<1x80x128xf32, #tpu.memory_space<vmem>> -> memref<80x128xf32, #tpu.memory_space<vmem>>
        tpu.wait_dma2 semaphore(%arg26 : memref<!tpu.dma_semaphore, #tpu.memory_space<semaphore_mem>>) src(%dma_wait3A_332 : memref<80x128xf32, #tpu.memory_space<vmem>>) dst(%dma_wait3A_328 : memref<80x128xf32, #tpu.memory_space<hbm>>)
      } else {
      }
      %scan3A_227 = arith.constant 0 : i32
      %scan3A_228 = arith.constant 0 : i32
      %scan3A_229 = arith.constant 40 : i32
      %scan3A_230 = arith.addi %scan3A_228, %scan3A_229 : i32
      %scan3A_231 = arith.constant 1 : i32
      scf.for %scan3A_316 = %scan3A_228 to %scan3A_230 step %scan3A_231  : i32 {
        %mul3A_317 = arith.constant 2 : i32
        %mul3A_318 = arith.muli %scan3A_316, %mul3A_317 : i32
        %add3A_319 = arith.constant 0 : i32
        %add3A_320 = arith.addi %mul3A_318, %add3A_319 : i32
        %get3A_321 = arith.constant 0 : i32
        %get3A_322 = arith.index_cast %get3A_321 : i32 to index
        %get3A_323 = arith.index_cast %add3A_320 : i32 to index
        %get3A_324 = arith.constant 0 : index
        %get3A_325 = tpu.vector_load %arg17[%get3A_322, %get3A_323, %get3A_324] {strides = array<i32>} : memref<2x80x128xf32, #tpu.memory_space<vmem>>, vector<1x1x16xf32>,
        %get3A_326 = vector.shape_cast %get3A_325 : vector<1x1x16xf32> to vector<16xf32>
        %get3A_327 = arith.constant 0 : i32
        %get3A_328 = arith.index_cast %get3A_327 : i32 to index
        %get3A_329 = arith.index_cast %add3A_320 : i32 to index
        %get3A_330 = arith.constant 0 : index
        %get3A_331 = tpu.vector_load %arg18[%get3A_328, %get3A_329, %get3A_330] {strides = array<i32>} : memref<2x80x128xf32, #tpu.memory_space<vmem>>, vector<1x1x16xf32>,
        %get3A_332 = vector.shape_cast %get3A_331 : vector<1x1x16xf32> to vector<16xf32>
        %add3A_333 = arith.addf %get3A_326, %get3A_332 : vector<16xf32>
        %get3A_334 = arith.constant 0 : i32
        %get3A_335 = arith.index_cast %get3A_334 : i32 to index
        %get3A_336 = arith.index_cast %add3A_320 : i32 to index
        %get3A_337 = arith.constant 0 : index
        %get3A_338 = tpu.vector_load %arg19[%get3A_335, %get3A_336, %get3A_337] {strides = array<i32>} : memref<2x80x128xf32, #tpu.memory_space<vmem>>, vector<1x1x16xf32>,
        %get3A_339 = vector.shape_cast %get3A_338 : vector<1x1x16xf32> to vector<16xf32>
        %add3A_340 = arith.addf %add3A_333, %get3A_339 : vector<16xf32>
        %mul3A_341 = arith.mulf %add3A_340, %add3A_340 : vector<16xf32>
        %get3A_342 = arith.constant 0 : i32
        %get3A_343 = arith.index_cast %get3A_342 : i32 to index
        %get3A_344 = arith.index_cast %add3A_320 : i32 to index
        %get3A_345 = arith.constant 16 : index
        %get3A_346 = tpu.vector_load %arg17[%get3A_343, %get3A_344, %get3A_345] {strides = array<i32>} : memref<2x80x128xf32, #tpu.memory_space<vmem>>, vector<1x1x16xf32>,
        %get3A_347 = vector.shape_cast %get3A_346 : vector<1x1x16xf32> to vector<16xf32>
        %get3A_348 = arith.constant 0 : i32
        %get3A_349 = arith.index_cast %get3A_348 : i32 to index
        %get3A_350 = arith.index_cast %add3A_320 : i32 to index
        %get3A_351 = arith.constant 16 : index
        %get3A_352 = tpu.vector_load %arg18[%get3A_349, %get3A_350, %get3A_351] {strides = array<i32>} : memref<2x80x128xf32, #tpu.memory_space<vmem>>, vector<1x1x16xf32>,
        %get3A_353 = vector.shape_cast %get3A_352 : vector<1x1x16xf32> to vector<16xf32>
        %add3A_354 = arith.addf %get3A_347, %get3A_353 : vector<16xf32>
        %get3A_355 = arith.constant 0 : i32
        %get3A_356 = arith.index_cast %get3A_355 : i32 to index
        %get3A_357 = arith.index_cast %add3A_320 : i32 to index
        %get3A_358 = arith.constant 16 : index
        %get3A_359 = tpu.vector_load %arg19[%get3A_356, %get3A_357, %get3A_358] {strides = array<i32>} : memref<2x80x128xf32, #tpu.memory_space<vmem>>, vector<1x1x16xf32>,
        %get3A_360 = vector.shape_cast %get3A_359 : vector<1x1x16xf32> to vector<16xf32>
        %add3A_361 = arith.addf %add3A_354, %get3A_360 : vector<16xf32>
        %add3A_362 = arith.addf %add3A_340, %add3A_361 : vector<16xf32>
        %mul3A_363 = arith.mulf %add3A_361, %add3A_361 : vector<16xf32>
        %add3A_364 = arith.addf %mul3A_341, %mul3A_363 : vector<16xf32>
        %get3A_365 = arith.constant 0 : i32
        %get3A_366 = arith.index_cast %get3A_365 : i32 to index
        %get3A_367 = arith.index_cast %add3A_320 : i32 to index
        %get3A_368 = arith.constant 32 : index
        %get3A_369 = tpu.vector_load %arg17[%get3A_366, %get3A_367, %get3A_368] {strides = array<i32>} : memref<2x80x128xf32, #tpu.memory_space<vmem>>, vector<1x1x16xf32>,
        %get3A_370 = vector.shape_cast %get3A_369 : vector<1x1x16xf32> to vector<16xf32>
        %get3A_371 = arith.constant 0 : i32
        %get3A_372 = arith.index_cast %get3A_371 : i32 to index
        %get3A_373 = arith.index_cast %add3A_320 : i32 to index
        %get3A_374 = arith.constant 32 : index
        %get3A_375 = tpu.vector_load %arg18[%get3A_372, %get3A_373, %get3A_374] {strides = array<i32>} : memref<2x80x128xf32, #tpu.memory_space<vmem>>, vector<1x1x16xf32>,
        %get3A_376 = vector.shape_cast %get3A_375 : vector<1x1x16xf32> to vector<16xf32>
        %add3A_377 = arith.addf %get3A_370, %get3A_376 : vector<16xf32>
        %get3A_378 = arith.constant 0 : i32
        %get3A_379 = arith.index_cast %get3A_378 : i32 to index
        %get3A_380 = arith.index_cast %add3A_320 : i32 to index
        %get3A_381 = arith.constant 32 : index
        %get3A_382 = tpu.vector_load %arg19[%get3A_379, %get3A_380, %get3A_381] {strides = array<i32>} : memref<2x80x128xf32, #tpu.memory_space<vmem>>, vector<1x1x16xf32>,
        %get3A_383 = vector.shape_cast %get3A_382 : vector<1x1x16xf32> to vector<16xf32>
        %add3A_384 = arith.addf %add3A_377, %get3A_383 : vector<16xf32>
        %add3A_385 = arith.addf %add3A_362, %add3A_384 : vector<16xf32>
        %mul3A_386 = arith.mulf %add3A_384, %add3A_384 : vector<16xf32>
        %add3A_387 = arith.addf %add3A_364, %mul3A_386 : vector<16xf32>
        %get3A_388 = arith.constant 0 : i32
        %get3A_389 = arith.index_cast %get3A_388 : i32 to index
        %get3A_390 = arith.index_cast %add3A_320 : i32 to index
        %get3A_391 = arith.constant 48 : index
        %get3A_392 = tpu.vector_load %arg17[%get3A_389, %get3A_390, %get3A_391] {strides = array<i32>} : memref<2x80x128xf32, #tpu.memory_space<vmem>>, vector<1x1x16xf32>,
        %get3A_393 = vector.shape_cast %get3A_392 : vector<1x1x16xf32> to vector<16xf32>
        %get3A_394 = arith.constant 0 : i32
        %get3A_395 = arith.index_cast %get3A_394 : i32 to index
        %get3A_396 = arith.index_cast %add3A_320 : i32 to index
        %get3A_397 = arith.constant 48 : index
        %get3A_398 = tpu.vector_load %arg18[%get3A_395, %get3A_396, %get3A_397] {strides = array<i32>} : memref<2x80x128xf32, #tpu.memory_space<vmem>>, vector<1x1x16xf32>,
        %get3A_399 = vector.shape_cast %get3A_398 : vector<1x1x16xf32> to vector<16xf32>
        %add3A_400 = arith.addf %get3A_393, %get3A_399 : vector<16xf32>
        %get3A_401 = arith.constant 0 : i32
        %get3A_402 = arith.index_cast %get3A_401 : i32 to index
        %get3A_403 = arith.index_cast %add3A_320 : i32 to index
        %get3A_404 = arith.constant 48 : index
        %get3A_405 = tpu.vector_load %arg19[%get3A_402, %get3A_403, %get3A_404] {strides = array<i32>} : memref<2x80x128xf32, #tpu.memory_space<vmem>>, vector<1x1x16xf32>,
        %get3A_406 = vector.shape_cast %get3A_405 : vector<1x1x16xf32> to vector<16xf32>
        %add3A_407 = arith.addf %add3A_400, %get3A_406 : vector<16xf32>
        %add3A_408 = arith.addf %add3A_385, %add3A_407 : vector<16xf32>
        %mul3A_409 = arith.mulf %add3A_407, %add3A_407 : vector<16xf32>
        %add3A_410 = arith.addf %add3A_387, %mul3A_409 : vector<16xf32>
        %get3A_411 = arith.constant 0 : i32
        %get3A_412 = arith.index_cast %get3A_411 : i32 to index
        %get3A_413 = arith.index_cast %add3A_320 : i32 to index
        %get3A_414 = arith.constant 64 : index
        %get3A_415 = tpu.vector_load %arg17[%get3A_412, %get3A_413, %get3A_414] {strides = array<i32>} : memref<2x80x128xf32, #tpu.memory_space<vmem>>, vector<1x1x16xf32>,
        %get3A_416 = vector.shape_cast %get3A_415 : vector<1x1x16xf32> to vector<16xf32>
        %get3A_417 = arith.constant 0 : i32
        %get3A_418 = arith.index_cast %get3A_417 : i32 to index
        %get3A_419 = arith.index_cast %add3A_320 : i32 to index
        %get3A_420 = arith.constant 64 : index
        %get3A_421 = tpu.vector_load %arg18[%get3A_418, %get3A_419, %get3A_420] {strides = array<i32>} : memref<2x80x128xf32, #tpu.memory_space<vmem>>, vector<1x1x16xf32>,
        %get3A_422 = vector.shape_cast %get3A_421 : vector<1x1x16xf32> to vector<16xf32>
        %add3A_423 = arith.addf %get3A_416, %get3A_422 : vector<16xf32>
        %get3A_424 = arith.constant 0 : i32
        %get3A_425 = arith.index_cast %get3A_424 : i32 to index
        %get3A_426 = arith.index_cast %add3A_320 : i32 to index
        %get3A_427 = arith.constant 64 : index
        %get3A_428 = tpu.vector_load %arg19[%get3A_425, %get3A_426, %get3A_427] {strides = array<i32>} : memref<2x80x128xf32, #tpu.memory_space<vmem>>, vector<1x1x16xf32>,
        %get3A_429 = vector.shape_cast %get3A_428 : vector<1x1x16xf32> to vector<16xf32>
        %add3A_430 = arith.addf %add3A_423, %get3A_429 : vector<16xf32>
        %add3A_431 = arith.addf %add3A_408, %add3A_430 : vector<16xf32>
        %mul3A_432 = arith.mulf %add3A_430, %add3A_430 : vector<16xf32>
        %add3A_433 = arith.addf %add3A_410, %mul3A_432 : vector<16xf32>
        %get3A_434 = arith.constant 0 : i32
        %get3A_435 = arith.index_cast %get3A_434 : i32 to index
        %get3A_436 = arith.index_cast %add3A_320 : i32 to index
        %get3A_437 = arith.constant 80 : index
        %get3A_438 = tpu.vector_load %arg17[%get3A_435, %get3A_436, %get3A_437] {strides = array<i32>} : memref<2x80x128xf32, #tpu.memory_space<vmem>>, vector<1x1x16xf32>,
        %get3A_439 = vector.shape_cast %get3A_438 : vector<1x1x16xf32> to vector<16xf32>
        %get3A_440 = arith.constant 0 : i32
        %get3A_441 = arith.index_cast %get3A_440 : i32 to index
        %get3A_442 = arith.index_cast %add3A_320 : i32 to index
        %get3A_443 = arith.constant 80 : index
        %get3A_444 = tpu.vector_load %arg18[%get3A_441, %get3A_442, %get3A_443] {strides = array<i32>} : memref<2x80x128xf32, #tpu.memory_space<vmem>>, vector<1x1x16xf32>,
        %get3A_445 = vector.shape_cast %get3A_444 : vector<1x1x16xf32> to vector<16xf32>
        %add3A_446 = arith.addf %get3A_439, %get3A_445 : vector<16xf32>
        %get3A_447 = arith.constant 0 : i32
        %get3A_448 = arith.index_cast %get3A_447 : i32 to index
        %get3A_449 = arith.index_cast %add3A_320 : i32 to index
        %get3A_450 = arith.constant 80 : index
        %get3A_451 = tpu.vector_load %arg19[%get3A_448, %get3A_449, %get3A_450] {strides = array<i32>} : memref<2x80x128xf32, #tpu.memory_space<vmem>>, vector<1x1x16xf32>,
        %get3A_452 = vector.shape_cast %get3A_451 : vector<1x1x16xf32> to vector<16xf32>
        %add3A_453 = arith.addf %add3A_446, %get3A_452 : vector<16xf32>
        %add3A_454 = arith.addf %add3A_431, %add3A_453 : vector<16xf32>
        %mul3A_455 = arith.mulf %add3A_453, %add3A_453 : vector<16xf32>
        %add3A_456 = arith.addf %add3A_433, %mul3A_455 : vector<16xf32>
        %get3A_457 = arith.constant 0 : i32
        %get3A_458 = arith.index_cast %get3A_457 : i32 to index
        %get3A_459 = arith.index_cast %add3A_320 : i32 to index
        %get3A_460 = arith.constant 96 : index
        %get3A_461 = tpu.vector_load %arg17[%get3A_458, %get3A_459, %get3A_460] {strides = array<i32>} : memref<2x80x128xf32, #tpu.memory_space<vmem>>, vector<1x1x16xf32>,
        %get3A_462 = vector.shape_cast %get3A_461 : vector<1x1x16xf32> to vector<16xf32>
        %get3A_463 = arith.constant 0 : i32
        %get3A_464 = arith.index_cast %get3A_463 : i32 to index
        %get3A_465 = arith.index_cast %add3A_320 : i32 to index
        %get3A_466 = arith.constant 96 : index
        %get3A_467 = tpu.vector_load %arg18[%get3A_464, %get3A_465, %get3A_466] {strides = array<i32>} : memref<2x80x128xf32, #tpu.memory_space<vmem>>, vector<1x1x16xf32>,
        %get3A_468 = vector.shape_cast %get3A_467 : vector<1x1x16xf32> to vector<16xf32>
        %add3A_469 = arith.addf %get3A_462, %get3A_468 : vector<16xf32>
        %get3A_470 = arith.constant 0 : i32
        %get3A_471 = arith.index_cast %get3A_470 : i32 to index
        %get3A_472 = arith.index_cast %add3A_320 : i32 to index
        %get3A_473 = arith.constant 96 : index
        %get3A_474 = tpu.vector_load %arg19[%get3A_471, %get3A_472, %get3A_473] {strides = array<i32>} : memref<2x80x128xf32, #tpu.memory_space<vmem>>, vector<1x1x16xf32>,
        %get3A_475 = vector.shape_cast %get3A_474 : vector<1x1x16xf32> to vector<16xf32>
        %add3A_476 = arith.addf %add3A_469, %get3A_475 : vector<16xf32>
        %add3A_477 = arith.addf %add3A_454, %add3A_476 : vector<16xf32>
        %mul3A_478 = arith.mulf %add3A_476, %add3A_476 : vector<16xf32>
        %add3A_479 = arith.addf %add3A_456, %mul3A_478 : vector<16xf32>
        %get3A_480 = arith.constant 0 : i32
        %get3A_481 = arith.index_cast %get3A_480 : i32 to index
        %get3A_482 = arith.index_cast %add3A_320 : i32 to index
        %get3A_483 = arith.constant 112 : index
        %get3A_484 = tpu.vector_load %arg17[%get3A_481, %get3A_482, %get3A_483] {strides = array<i32>} : memref<2x80x128xf32, #tpu.memory_space<vmem>>, vector<1x1x16xf32>,
        %get3A_485 = vector.shape_cast %get3A_484 : vector<1x1x16xf32> to vector<16xf32>
        %get3A_486 = arith.constant 0 : i32
        %get3A_487 = arith.index_cast %get3A_486 : i32 to index
        %get3A_488 = arith.index_cast %add3A_320 : i32 to index
        %get3A_489 = arith.constant 112 : index
        %get3A_490 = tpu.vector_load %arg18[%get3A_487, %get3A_488, %get3A_489] {strides = array<i32>} : memref<2x80x128xf32, #tpu.memory_space<vmem>>, vector<1x1x16xf32>,
        %get3A_491 = vector.shape_cast %get3A_490 : vector<1x1x16xf32> to vector<16xf32>
        %add3A_492 = arith.addf %get3A_485, %get3A_491 : vector<16xf32>
        %get3A_493 = arith.constant 0 : i32
        %get3A_494 = arith.index_cast %get3A_493 : i32 to index
        %get3A_495 = arith.index_cast %add3A_320 : i32 to index
        %get3A_496 = arith.constant 112 : index
        %get3A_497 = tpu.vector_load %arg19[%get3A_494, %get3A_495, %get3A_496] {strides = array<i32>} : memref<2x80x128xf32, #tpu.memory_space<vmem>>, vector<1x1x16xf32>,
        %get3A_498 = vector.shape_cast %get3A_497 : vector<1x1x16xf32> to vector<16xf32>
        %add3A_499 = arith.addf %add3A_492, %get3A_498 : vector<16xf32>
        %add3A_500 = arith.addf %add3A_477, %add3A_499 : vector<16xf32>
        %mul3A_501 = arith.mulf %add3A_499, %add3A_499 : vector<16xf32>
        %add3A_502 = arith.addf %add3A_479, %mul3A_501 : vector<16xf32>
        %broadcast_in_dim3A = vector.shape_cast %xor3A_65 : vector<16xi32> to vector<16x1xi32>
        %gather3A = vector.shape_cast %broadcast_in_dim3A : vector<16x1xi32> to vector<16xi32>
        %gather3A_503 = tpu.dynamic_gather %add3A_500[%gather3A] in [0] : vector<16xf32>, vector<16xi32> -> vector<16xf32>
        %add3A_504 = arith.addf %add3A_500, %gather3A_503 : vector<16xf32>
        %broadcast_in_dim3A_505 = vector.shape_cast %xor3A_68 : vector<16xi32> to vector<16x1xi32>
        %gather3A_506 = vector.shape_cast %broadcast_in_dim3A_505 : vector<16x1xi32> to vector<16xi32>
        %gather3A_507 = tpu.dynamic_gather %add3A_504[%gather3A_506] in [0] : vector<16xf32>, vector<16xi32> -> vector<16xf32>
        %add3A_508 = arith.addf %add3A_504, %gather3A_507 : vector<16xf32>
        %broadcast_in_dim3A_509 = vector.shape_cast %xor3A_71 : vector<16xi32> to vector<16x1xi32>
        %gather3A_510 = vector.shape_cast %broadcast_in_dim3A_509 : vector<16x1xi32> to vector<16xi32>
        %gather3A_511 = tpu.dynamic_gather %add3A_508[%gather3A_510] in [0] : vector<16xf32>, vector<16xi32> -> vector<16xf32>
        %add3A_512 = arith.addf %add3A_508, %gather3A_511 : vector<16xf32>
        %broadcast_in_dim3A_513 = vector.shape_cast %xor3A_74 : vector<16xi32> to vector<16x1xi32>
        %gather3A_514 = vector.shape_cast %broadcast_in_dim3A_513 : vector<16x1xi32> to vector<16xi32>
        %gather3A_515 = tpu.dynamic_gather %add3A_512[%gather3A_514] in [0] : vector<16xf32>, vector<16xi32> -> vector<16xf32>
        %add3A_516 = arith.addf %add3A_512, %gather3A_515 : vector<16xf32>
        %mul3A_517 = arith.constant 7.812500e-03 : f32
        %mul3A_518 = vector.broadcast %mul3A_517 : f32 to vector<16xf32>
        %mul3A_519 = arith.mulf %add3A_516, %mul3A_518 : vector<16xf32>
        %broadcast_in_dim3A_520 = vector.shape_cast %xor3A_65 : vector<16xi32> to vector<16x1xi32>
        %gather3A_521 = vector.shape_cast %broadcast_in_dim3A_520 : vector<16x1xi32> to vector<16xi32>
        %gather3A_522 = tpu.dynamic_gather %add3A_502[%gather3A_521] in [0] : vector<16xf32>, vector<16xi32> -> vector<16xf32>
        %add3A_523 = arith.addf %add3A_502, %gather3A_522 : vector<16xf32>
        %broadcast_in_dim3A_524 = vector.shape_cast %xor3A_68 : vector<16xi32> to vector<16x1xi32>
        %gather3A_525 = vector.shape_cast %broadcast_in_dim3A_524 : vector<16x1xi32> to vector<16xi32>
        %gather3A_526 = tpu.dynamic_gather %add3A_523[%gather3A_525] in [0] : vector<16xf32>, vector<16xi32> -> vector<16xf32>
        %add3A_527 = arith.addf %add3A_523, %gather3A_526 : vector<16xf32>
        %broadcast_in_dim3A_528 = vector.shape_cast %xor3A_71 : vector<16xi32> to vector<16x1xi32>
        %gather3A_529 = vector.shape_cast %broadcast_in_dim3A_528 : vector<16x1xi32> to vector<16xi32>
        %gather3A_530 = tpu.dynamic_gather %add3A_527[%gather3A_529] in [0] : vector<16xf32>, vector<16xi32> -> vector<16xf32>
        %add3A_531 = arith.addf %add3A_527, %gather3A_530 : vector<16xf32>
        %broadcast_in_dim3A_532 = vector.shape_cast %xor3A_74 : vector<16xi32> to vector<16x1xi32>
        %gather3A_533 = vector.shape_cast %broadcast_in_dim3A_532 : vector<16x1xi32> to vector<16xi32>
        %gather3A_534 = tpu.dynamic_gather %add3A_531[%gather3A_533] in [0] : vector<16xf32>, vector<16xi32> -> vector<16xf32>
        %add3A_535 = arith.addf %add3A_531, %gather3A_534 : vector<16xf32>
        %mul3A_536 = arith.constant 7.812500e-03 : f32
        %mul3A_537 = vector.broadcast %mul3A_536 : f32 to vector<16xf32>
        %mul3A_538 = arith.mulf %add3A_535, %mul3A_537 : vector<16xf32>
        %mul3A_539 = arith.mulf %mul3A_519, %mul3A_519 : vector<16xf32>
        %sub3A = arith.subf %mul3A_538, %mul3A_539 : vector<16xf32>
        %add3A_540 = arith.constant 9.99999997E-7 : f32
        %add3A_541 = vector.broadcast %add3A_540 : f32 to vector<16xf32>
        %add3A_542 = arith.addf %sub3A, %add3A_541 : vector<16xf32>
        %bitcast_convert_type3A = tpu.bitcast %add3A_542 : vector<16xf32> -> vector<16xi32>
        %shift_right_logical3A = arith.constant 1 : i32
        %shift_right_logical3A_543 = vector.broadcast %shift_right_logical3A : i32 to vector<16xi32>
        %shift_right_logical3A_544 = arith.shrui %bitcast_convert_type3A, %shift_right_logical3A_543 : vector<16xi32>
        %sub3A_545 = arith.constant 1597463174 : i32
        %sub3A_546 = vector.broadcast %sub3A_545 : i32 to vector<16xi32>
        %sub3A_547 = arith.subi %sub3A_546, %shift_right_logical3A_544 : vector<16xi32>
        %bitcast_convert_type3A_548 = tpu.bitcast %sub3A_547 : vector<16xi32> -> vector<16xf32>
        %mul3A_549 = arith.constant 5.000000e-01 : f32
        %mul3A_550 = vector.broadcast %mul3A_549 : f32 to vector<16xf32>
        %mul3A_551 = arith.mulf %mul3A_550, %add3A_542 : vector<16xf32>
        %mul3A_552 = arith.mulf %mul3A_551, %bitcast_convert_type3A_548 : vector<16xf32>
        %mul3A_553 = arith.mulf %mul3A_552, %bitcast_convert_type3A_548 : vector<16xf32>
        %sub3A_554 = arith.constant 1.500000e+00 : f32
        %sub3A_555 = vector.broadcast %sub3A_554 : f32 to vector<16xf32>
        %sub3A_556 = arith.subf %sub3A_555, %mul3A_553 : vector<16xf32>
        %mul3A_557 = arith.mulf %bitcast_convert_type3A_548, %sub3A_556 : vector<16xf32>
        %mul3A_558 = arith.constant 5.000000e-01 : f32
        %mul3A_559 = vector.broadcast %mul3A_558 : f32 to vector<16xf32>
        %mul3A_560 = arith.mulf %mul3A_559, %add3A_542 : vector<16xf32>
        %mul3A_561 = arith.mulf %mul3A_560, %mul3A_557 : vector<16xf32>
        %mul3A_562 = arith.mulf %mul3A_561, %mul3A_557 : vector<16xf32>
        %sub3A_563 = arith.constant 1.500000e+00 : f32
        %sub3A_564 = vector.broadcast %sub3A_563 : f32 to vector<16xf32>
        %sub3A_565 = arith.subf %sub3A_564, %mul3A_562 : vector<16xf32>
        %mul3A_566 = arith.mulf %mul3A_557, %sub3A_565 : vector<16xf32>
        %sub3A_567 = arith.subf %add3A_340, %mul3A_519 : vector<16xf32>
        %mul3A_568 = arith.mulf %sub3A_567, %mul3A_566 : vector<16xf32>
        %mul3A_569 = arith.mulf %mul3A_568, %get3A_18 : vector<16xf32>
        %add3A_570 = arith.addf %mul3A_569, %get3A_42 : vector<16xf32>
        %swap3A = arith.constant 0 : i32
        %swap3A_571 = arith.index_cast %swap3A : i32 to index
        %swap3A_572 = arith.index_cast %add3A_320 : i32 to index
        %swap3A_573 = arith.constant 0 : index
        %swap3A_574 = tpu.vector_load %arg20[%swap3A_571, %swap3A_572, %swap3A_573] {strides = array<i32>} : memref<2x80x128xf32, #tpu.memory_space<vmem>>, vector<1x1x16xf32>,
        %swap3A_575 = vector.shape_cast %swap3A_574 : vector<1x1x16xf32> to vector<16xf32>
        %swap3A_576 = vector.shape_cast %add3A_570 : vector<16xf32> to vector<1x1x16xf32>
        tpu.vector_store %arg20[%swap3A_571, %swap3A_572, %swap3A_573], %swap3A_576 {strides = array<i32>} : memref<2x80x128xf32, #tpu.memory_space<vmem>>, vector<1x1x16xf32>,
        %sub3A_577 = arith.subf %add3A_361, %mul3A_519 : vector<16xf32>
        %mul3A_578 = arith.mulf %sub3A_577, %mul3A_566 : vector<16xf32>
        %mul3A_579 = arith.mulf %mul3A_578, %get3A_21 : vector<16xf32>
        %add3A_580 = arith.addf %mul3A_579, %get3A_45 : vector<16xf32>
        %swap3A_581 = arith.constant 0 : i32
        %swap3A_582 = arith.index_cast %swap3A_581 : i32 to index
        %swap3A_583 = arith.index_cast %add3A_320 : i32 to index
        %swap3A_584 = arith.constant 16 : index
        %swap3A_585 = tpu.vector_load %arg20[%swap3A_582, %swap3A_583, %swap3A_584] {strides = array<i32>} : memref<2x80x128xf32, #tpu.memory_space<vmem>>, vector<1x1x16xf32>,
        %swap3A_586 = vector.shape_cast %swap3A_585 : vector<1x1x16xf32> to vector<16xf32>
        %swap3A_587 = vector.shape_cast %add3A_580 : vector<16xf32> to vector<1x1x16xf32>
        tpu.vector_store %arg20[%swap3A_582, %swap3A_583, %swap3A_584], %swap3A_587 {strides = array<i32>} : memref<2x80x128xf32, #tpu.memory_space<vmem>>, vector<1x1x16xf32>,
        %sub3A_588 = arith.subf %add3A_384, %mul3A_519 : vector<16xf32>
        %mul3A_589 = arith.mulf %sub3A_588, %mul3A_566 : vector<16xf32>
        %mul3A_590 = arith.mulf %mul3A_589, %get3A_24 : vector<16xf32>
        %add3A_591 = arith.addf %mul3A_590, %get3A_48 : vector<16xf32>
        %swap3A_592 = arith.constant 0 : i32
        %swap3A_593 = arith.index_cast %swap3A_592 : i32 to index
        %swap3A_594 = arith.index_cast %add3A_320 : i32 to index
        %swap3A_595 = arith.constant 32 : index
        %swap3A_596 = tpu.vector_load %arg20[%swap3A_593, %swap3A_594, %swap3A_595] {strides = array<i32>} : memref<2x80x128xf32, #tpu.memory_space<vmem>>, vector<1x1x16xf32>,
        %swap3A_597 = vector.shape_cast %swap3A_596 : vector<1x1x16xf32> to vector<16xf32>
        %swap3A_598 = vector.shape_cast %add3A_591 : vector<16xf32> to vector<1x1x16xf32>
        tpu.vector_store %arg20[%swap3A_593, %swap3A_594, %swap3A_595], %swap3A_598 {strides = array<i32>} : memref<2x80x128xf32, #tpu.memory_space<vmem>>, vector<1x1x16xf32>,
        %sub3A_599 = arith.subf %add3A_407, %mul3A_519 : vector<16xf32>
        %mul3A_600 = arith.mulf %sub3A_599, %mul3A_566 : vector<16xf32>
        %mul3A_601 = arith.mulf %mul3A_600, %get3A_27 : vector<16xf32>
        %add3A_602 = arith.addf %mul3A_601, %get3A_51 : vector<16xf32>
        %swap3A_603 = arith.constant 0 : i32
        %swap3A_604 = arith.index_cast %swap3A_603 : i32 to index
        %swap3A_605 = arith.index_cast %add3A_320 : i32 to index
        %swap3A_606 = arith.constant 48 : index
        %swap3A_607 = tpu.vector_load %arg20[%swap3A_604, %swap3A_605, %swap3A_606] {strides = array<i32>} : memref<2x80x128xf32, #tpu.memory_space<vmem>>, vector<1x1x16xf32>,
        %swap3A_608 = vector.shape_cast %swap3A_607 : vector<1x1x16xf32> to vector<16xf32>
        %swap3A_609 = vector.shape_cast %add3A_602 : vector<16xf32> to vector<1x1x16xf32>
        tpu.vector_store %arg20[%swap3A_604, %swap3A_605, %swap3A_606], %swap3A_609 {strides = array<i32>} : memref<2x80x128xf32, #tpu.memory_space<vmem>>, vector<1x1x16xf32>,
        %sub3A_610 = arith.subf %add3A_430, %mul3A_519 : vector<16xf32>
        %mul3A_611 = arith.mulf %sub3A_610, %mul3A_566 : vector<16xf32>
        %mul3A_612 = arith.mulf %mul3A_611, %get3A_30 : vector<16xf32>
        %add3A_613 = arith.addf %mul3A_612, %get3A_54 : vector<16xf32>
        %swap3A_614 = arith.constant 0 : i32
        %swap3A_615 = arith.index_cast %swap3A_614 : i32 to index
        %swap3A_616 = arith.index_cast %add3A_320 : i32 to index
        %swap3A_617 = arith.constant 64 : index
        %swap3A_618 = tpu.vector_load %arg20[%swap3A_615, %swap3A_616, %swap3A_617] {strides = array<i32>} : memref<2x80x128xf32, #tpu.memory_space<vmem>>, vector<1x1x16xf32>,
        %swap3A_619 = vector.shape_cast %swap3A_618 : vector<1x1x16xf32> to vector<16xf32>
        %swap3A_620 = vector.shape_cast %add3A_613 : vector<16xf32> to vector<1x1x16xf32>
        tpu.vector_store %arg20[%swap3A_615, %swap3A_616, %swap3A_617], %swap3A_620 {strides = array<i32>} : memref<2x80x128xf32, #tpu.memory_space<vmem>>, vector<1x1x16xf32>,
        %sub3A_621 = arith.subf %add3A_453, %mul3A_519 : vector<16xf32>
        %mul3A_622 = arith.mulf %sub3A_621, %mul3A_566 : vector<16xf32>
        %mul3A_623 = arith.mulf %mul3A_622, %get3A_33 : vector<16xf32>
        %add3A_624 = arith.addf %mul3A_623, %get3A_57 : vector<16xf32>
        %swap3A_625 = arith.constant 0 : i32
        %swap3A_626 = arith.index_cast %swap3A_625 : i32 to index
        %swap3A_627 = arith.index_cast %add3A_320 : i32 to index
        %swap3A_628 = arith.constant 80 : index
        %swap3A_629 = tpu.vector_load %arg20[%swap3A_626, %swap3A_627, %swap3A_628] {strides = array<i32>} : memref<2x80x128xf32, #tpu.memory_space<vmem>>, vector<1x1x16xf32>,
        %swap3A_630 = vector.shape_cast %swap3A_629 : vector<1x1x16xf32> to vector<16xf32>
        %swap3A_631 = vector.shape_cast %add3A_624 : vector<16xf32> to vector<1x1x16xf32>
        tpu.vector_store %arg20[%swap3A_626, %swap3A_627, %swap3A_628], %swap3A_631 {strides = array<i32>} : memref<2x80x128xf32, #tpu.memory_space<vmem>>, vector<1x1x16xf32>,
        %sub3A_632 = arith.subf %add3A_476, %mul3A_519 : vector<16xf32>
        %mul3A_633 = arith.mulf %sub3A_632, %mul3A_566 : vector<16xf32>
        %mul3A_634 = arith.mulf %mul3A_633, %get3A_36 : vector<16xf32>
        %add3A_635 = arith.addf %mul3A_634, %get3A_60 : vector<16xf32>
        %swap3A_636 = arith.constant 0 : i32
        %swap3A_637 = arith.index_cast %swap3A_636 : i32 to index
        %swap3A_638 = arith.index_cast %add3A_320 : i32 to index
        %swap3A_639 = arith.constant 96 : index
        %swap3A_640 = tpu.vector_load %arg20[%swap3A_637, %swap3A_638, %swap3A_639] {strides = array<i32>} : memref<2x80x128xf32, #tpu.memory_space<vmem>>, vector<1x1x16xf32>,
        %swap3A_641 = vector.shape_cast %swap3A_640 : vector<1x1x16xf32> to vector<16xf32>
        %swap3A_642 = vector.shape_cast %add3A_635 : vector<16xf32> to vector<1x1x16xf32>
        tpu.vector_store %arg20[%swap3A_637, %swap3A_638, %swap3A_639], %swap3A_642 {strides = array<i32>} : memref<2x80x128xf32, #tpu.memory_space<vmem>>, vector<1x1x16xf32>,
        %sub3A_643 = arith.subf %add3A_499, %mul3A_519 : vector<16xf32>
        %mul3A_644 = arith.mulf %sub3A_643, %mul3A_566 : vector<16xf32>
        %mul3A_645 = arith.mulf %mul3A_644, %get3A_39 : vector<16xf32>
        %add3A_646 = arith.addf %mul3A_645, %get3A_63 : vector<16xf32>
        %swap3A_647 = arith.constant 0 : i32
        %swap3A_648 = arith.index_cast %swap3A_647 : i32 to index
        %swap3A_649 = arith.index_cast %add3A_320 : i32 to index
        %swap3A_650 = arith.constant 112 : index
        %swap3A_651 = tpu.vector_load %arg20[%swap3A_648, %swap3A_649, %swap3A_650] {strides = array<i32>} : memref<2x80x128xf32, #tpu.memory_space<vmem>>, vector<1x1x16xf32>,
        %swap3A_652 = vector.shape_cast %swap3A_651 : vector<1x1x16xf32> to vector<16xf32>
        %swap3A_653 = vector.shape_cast %add3A_646 : vector<16xf32> to vector<1x1x16xf32>
        tpu.vector_store %arg20[%swap3A_648, %swap3A_649, %swap3A_650], %swap3A_653 {strides = array<i32>} : memref<2x80x128xf32, #tpu.memory_space<vmem>>, vector<1x1x16xf32>,
        %mul3A_654 = arith.constant 2 : i32
        %mul3A_655 = arith.muli %scan3A_316, %mul3A_654 : i32
        %add3A_656 = arith.constant 1 : i32
        %add3A_657 = arith.addi %mul3A_655, %add3A_656 : i32
        %get3A_658 = arith.constant 0 : i32
        %get3A_659 = arith.index_cast %get3A_658 : i32 to index
        %get3A_660 = arith.index_cast %add3A_657 : i32 to index
        %get3A_661 = arith.constant 0 : index
        %get3A_662 = tpu.vector_load %arg17[%get3A_659, %get3A_660, %get3A_661] {strides = array<i32>} : memref<2x80x128xf32, #tpu.memory_space<vmem>>, vector<1x1x16xf32>,
        %get3A_663 = vector.shape_cast %get3A_662 : vector<1x1x16xf32> to vector<16xf32>
        %get3A_664 = arith.constant 0 : i32
        %get3A_665 = arith.index_cast %get3A_664 : i32 to index
        %get3A_666 = arith.index_cast %add3A_657 : i32 to index
        %get3A_667 = arith.constant 0 : index
        %get3A_668 = tpu.vector_load %arg18[%get3A_665, %get3A_666, %get3A_667] {strides = array<i32>} : memref<2x80x128xf32, #tpu.memory_space<vmem>>, vector<1x1x16xf32>,
        %get3A_669 = vector.shape_cast %get3A_668 : vector<1x1x16xf32> to vector<16xf32>
        %add3A_670 = arith.addf %get3A_663, %get3A_669 : vector<16xf32>
        %get3A_671 = arith.constant 0 : i32
        %get3A_672 = arith.index_cast %get3A_671 : i32 to index
        %get3A_673 = arith.index_cast %add3A_657 : i32 to index
        %get3A_674 = arith.constant 0 : index
        %get3A_675 = tpu.vector_load %arg19[%get3A_672, %get3A_673, %get3A_674] {strides = array<i32>} : memref<2x80x128xf32, #tpu.memory_space<vmem>>, vector<1x1x16xf32>,
        %get3A_676 = vector.shape_cast %get3A_675 : vector<1x1x16xf32> to vector<16xf32>
        %add3A_677 = arith.addf %add3A_670, %get3A_676 : vector<16xf32>
        %mul3A_678 = arith.mulf %add3A_677, %add3A_677 : vector<16xf32>
        %get3A_679 = arith.constant 0 : i32
        %get3A_680 = arith.index_cast %get3A_679 : i32 to index
        %get3A_681 = arith.index_cast %add3A_657 : i32 to index
        %get3A_682 = arith.constant 16 : index
        %get3A_683 = tpu.vector_load %arg17[%get3A_680, %get3A_681, %get3A_682] {strides = array<i32>} : memref<2x80x128xf32, #tpu.memory_space<vmem>>, vector<1x1x16xf32>,
        %get3A_684 = vector.shape_cast %get3A_683 : vector<1x1x16xf32> to vector<16xf32>
        %get3A_685 = arith.constant 0 : i32
        %get3A_686 = arith.index_cast %get3A_685 : i32 to index
        %get3A_687 = arith.index_cast %add3A_657 : i32 to index
        %get3A_688 = arith.constant 16 : index
        %get3A_689 = tpu.vector_load %arg18[%get3A_686, %get3A_687, %get3A_688] {strides = array<i32>} : memref<2x80x128xf32, #tpu.memory_space<vmem>>, vector<1x1x16xf32>,
        %get3A_690 = vector.shape_cast %get3A_689 : vector<1x1x16xf32> to vector<16xf32>
        %add3A_691 = arith.addf %get3A_684, %get3A_690 : vector<16xf32>
        %get3A_692 = arith.constant 0 : i32
        %get3A_693 = arith.index_cast %get3A_692 : i32 to index
        %get3A_694 = arith.index_cast %add3A_657 : i32 to index
        %get3A_695 = arith.constant 16 : index
        %get3A_696 = tpu.vector_load %arg19[%get3A_693, %get3A_694, %get3A_695] {strides = array<i32>} : memref<2x80x128xf32, #tpu.memory_space<vmem>>, vector<1x1x16xf32>,
        %get3A_697 = vector.shape_cast %get3A_696 : vector<1x1x16xf32> to vector<16xf32>
        %add3A_698 = arith.addf %add3A_691, %get3A_697 : vector<16xf32>
        %add3A_699 = arith.addf %add3A_677, %add3A_698 : vector<16xf32>
        %mul3A_700 = arith.mulf %add3A_698, %add3A_698 : vector<16xf32>
        %add3A_701 = arith.addf %mul3A_678, %mul3A_700 : vector<16xf32>
        %get3A_702 = arith.constant 0 : i32
        %get3A_703 = arith.index_cast %get3A_702 : i32 to index
        %get3A_704 = arith.index_cast %add3A_657 : i32 to index
        %get3A_705 = arith.constant 32 : index
        %get3A_706 = tpu.vector_load %arg17[%get3A_703, %get3A_704, %get3A_705] {strides = array<i32>} : memref<2x80x128xf32, #tpu.memory_space<vmem>>, vector<1x1x16xf32>,
        %get3A_707 = vector.shape_cast %get3A_706 : vector<1x1x16xf32> to vector<16xf32>
        %get3A_708 = arith.constant 0 : i32
        %get3A_709 = arith.index_cast %get3A_708 : i32 to index
        %get3A_710 = arith.index_cast %add3A_657 : i32 to index
        %get3A_711 = arith.constant 32 : index
        %get3A_712 = tpu.vector_load %arg18[%get3A_709, %get3A_710, %get3A_711] {strides = array<i32>} : memref<2x80x128xf32, #tpu.memory_space<vmem>>, vector<1x1x16xf32>,
        %get3A_713 = vector.shape_cast %get3A_712 : vector<1x1x16xf32> to vector<16xf32>
        %add3A_714 = arith.addf %get3A_707, %get3A_713 : vector<16xf32>
        %get3A_715 = arith.constant 0 : i32
        %get3A_716 = arith.index_cast %get3A_715 : i32 to index
        %get3A_717 = arith.index_cast %add3A_657 : i32 to index
        %get3A_718 = arith.constant 32 : index
        %get3A_719 = tpu.vector_load %arg19[%get3A_716, %get3A_717, %get3A_718] {strides = array<i32>} : memref<2x80x128xf32, #tpu.memory_space<vmem>>, vector<1x1x16xf32>,
        %get3A_720 = vector.shape_cast %get3A_719 : vector<1x1x16xf32> to vector<16xf32>
        %add3A_721 = arith.addf %add3A_714, %get3A_720 : vector<16xf32>
        %add3A_722 = arith.addf %add3A_699, %add3A_721 : vector<16xf32>
        %mul3A_723 = arith.mulf %add3A_721, %add3A_721 : vector<16xf32>
        %add3A_724 = arith.addf %add3A_701, %mul3A_723 : vector<16xf32>
        %get3A_725 = arith.constant 0 : i32
        %get3A_726 = arith.index_cast %get3A_725 : i32 to index
        %get3A_727 = arith.index_cast %add3A_657 : i32 to index
        %get3A_728 = arith.constant 48 : index
        %get3A_729 = tpu.vector_load %arg17[%get3A_726, %get3A_727, %get3A_728] {strides = array<i32>} : memref<2x80x128xf32, #tpu.memory_space<vmem>>, vector<1x1x16xf32>,
        %get3A_730 = vector.shape_cast %get3A_729 : vector<1x1x16xf32> to vector<16xf32>
        %get3A_731 = arith.constant 0 : i32
        %get3A_732 = arith.index_cast %get3A_731 : i32 to index
        %get3A_733 = arith.index_cast %add3A_657 : i32 to index
        %get3A_734 = arith.constant 48 : index
        %get3A_735 = tpu.vector_load %arg18[%get3A_732, %get3A_733, %get3A_734] {strides = array<i32>} : memref<2x80x128xf32, #tpu.memory_space<vmem>>, vector<1x1x16xf32>,
        %get3A_736 = vector.shape_cast %get3A_735 : vector<1x1x16xf32> to vector<16xf32>
        %add3A_737 = arith.addf %get3A_730, %get3A_736 : vector<16xf32>
        %get3A_738 = arith.constant 0 : i32
        %get3A_739 = arith.index_cast %get3A_738 : i32 to index
        %get3A_740 = arith.index_cast %add3A_657 : i32 to index
        %get3A_741 = arith.constant 48 : index
        %get3A_742 = tpu.vector_load %arg19[%get3A_739, %get3A_740, %get3A_741] {strides = array<i32>} : memref<2x80x128xf32, #tpu.memory_space<vmem>>, vector<1x1x16xf32>,
        %get3A_743 = vector.shape_cast %get3A_742 : vector<1x1x16xf32> to vector<16xf32>
        %add3A_744 = arith.addf %add3A_737, %get3A_743 : vector<16xf32>
        %add3A_745 = arith.addf %add3A_722, %add3A_744 : vector<16xf32>
        %mul3A_746 = arith.mulf %add3A_744, %add3A_744 : vector<16xf32>
        %add3A_747 = arith.addf %add3A_724, %mul3A_746 : vector<16xf32>
        %get3A_748 = arith.constant 0 : i32
        %get3A_749 = arith.index_cast %get3A_748 : i32 to index
        %get3A_750 = arith.index_cast %add3A_657 : i32 to index
        %get3A_751 = arith.constant 64 : index
        %get3A_752 = tpu.vector_load %arg17[%get3A_749, %get3A_750, %get3A_751] {strides = array<i32>} : memref<2x80x128xf32, #tpu.memory_space<vmem>>, vector<1x1x16xf32>,
        %get3A_753 = vector.shape_cast %get3A_752 : vector<1x1x16xf32> to vector<16xf32>
        %get3A_754 = arith.constant 0 : i32
        %get3A_755 = arith.index_cast %get3A_754 : i32 to index
        %get3A_756 = arith.index_cast %add3A_657 : i32 to index
        %get3A_757 = arith.constant 64 : index
        %get3A_758 = tpu.vector_load %arg18[%get3A_755, %get3A_756, %get3A_757] {strides = array<i32>} : memref<2x80x128xf32, #tpu.memory_space<vmem>>, vector<1x1x16xf32>,
        %get3A_759 = vector.shape_cast %get3A_758 : vector<1x1x16xf32> to vector<16xf32>
        %add3A_760 = arith.addf %get3A_753, %get3A_759 : vector<16xf32>
        %get3A_761 = arith.constant 0 : i32
        %get3A_762 = arith.index_cast %get3A_761 : i32 to index
        %get3A_763 = arith.index_cast %add3A_657 : i32 to index
        %get3A_764 = arith.constant 64 : index
        %get3A_765 = tpu.vector_load %arg19[%get3A_762, %get3A_763, %get3A_764] {strides = array<i32>} : memref<2x80x128xf32, #tpu.memory_space<vmem>>, vector<1x1x16xf32>,
        %get3A_766 = vector.shape_cast %get3A_765 : vector<1x1x16xf32> to vector<16xf32>
        %add3A_767 = arith.addf %add3A_760, %get3A_766 : vector<16xf32>
        %add3A_768 = arith.addf %add3A_745, %add3A_767 : vector<16xf32>
        %mul3A_769 = arith.mulf %add3A_767, %add3A_767 : vector<16xf32>
        %add3A_770 = arith.addf %add3A_747, %mul3A_769 : vector<16xf32>
        %get3A_771 = arith.constant 0 : i32
        %get3A_772 = arith.index_cast %get3A_771 : i32 to index
        %get3A_773 = arith.index_cast %add3A_657 : i32 to index
        %get3A_774 = arith.constant 80 : index
        %get3A_775 = tpu.vector_load %arg17[%get3A_772, %get3A_773, %get3A_774] {strides = array<i32>} : memref<2x80x128xf32, #tpu.memory_space<vmem>>, vector<1x1x16xf32>,
        %get3A_776 = vector.shape_cast %get3A_775 : vector<1x1x16xf32> to vector<16xf32>
        %get3A_777 = arith.constant 0 : i32
        %get3A_778 = arith.index_cast %get3A_777 : i32 to index
        %get3A_779 = arith.index_cast %add3A_657 : i32 to index
        %get3A_780 = arith.constant 80 : index
        %get3A_781 = tpu.vector_load %arg18[%get3A_778, %get3A_779, %get3A_780] {strides = array<i32>} : memref<2x80x128xf32, #tpu.memory_space<vmem>>, vector<1x1x16xf32>,
        %get3A_782 = vector.shape_cast %get3A_781 : vector<1x1x16xf32> to vector<16xf32>
        %add3A_783 = arith.addf %get3A_776, %get3A_782 : vector<16xf32>
        %get3A_784 = arith.constant 0 : i32
        %get3A_785 = arith.index_cast %get3A_784 : i32 to index
        %get3A_786 = arith.index_cast %add3A_657 : i32 to index
        %get3A_787 = arith.constant 80 : index
        %get3A_788 = tpu.vector_load %arg19[%get3A_785, %get3A_786, %get3A_787] {strides = array<i32>} : memref<2x80x128xf32, #tpu.memory_space<vmem>>, vector<1x1x16xf32>,
        %get3A_789 = vector.shape_cast %get3A_788 : vector<1x1x16xf32> to vector<16xf32>
        %add3A_790 = arith.addf %add3A_783, %get3A_789 : vector<16xf32>
        %add3A_791 = arith.addf %add3A_768, %add3A_790 : vector<16xf32>
        %mul3A_792 = arith.mulf %add3A_790, %add3A_790 : vector<16xf32>
        %add3A_793 = arith.addf %add3A_770, %mul3A_792 : vector<16xf32>
        %get3A_794 = arith.constant 0 : i32
        %get3A_795 = arith.index_cast %get3A_794 : i32 to index
        %get3A_796 = arith.index_cast %add3A_657 : i32 to index
        %get3A_797 = arith.constant 96 : index
        %get3A_798 = tpu.vector_load %arg17[%get3A_795, %get3A_796, %get3A_797] {strides = array<i32>} : memref<2x80x128xf32, #tpu.memory_space<vmem>>, vector<1x1x16xf32>,
        %get3A_799 = vector.shape_cast %get3A_798 : vector<1x1x16xf32> to vector<16xf32>
        %get3A_800 = arith.constant 0 : i32
        %get3A_801 = arith.index_cast %get3A_800 : i32 to index
        %get3A_802 = arith.index_cast %add3A_657 : i32 to index
        %get3A_803 = arith.constant 96 : index
        %get3A_804 = tpu.vector_load %arg18[%get3A_801, %get3A_802, %get3A_803] {strides = array<i32>} : memref<2x80x128xf32, #tpu.memory_space<vmem>>, vector<1x1x16xf32>,
        %get3A_805 = vector.shape_cast %get3A_804 : vector<1x1x16xf32> to vector<16xf32>
        %add3A_806 = arith.addf %get3A_799, %get3A_805 : vector<16xf32>
        %get3A_807 = arith.constant 0 : i32
        %get3A_808 = arith.index_cast %get3A_807 : i32 to index
        %get3A_809 = arith.index_cast %add3A_657 : i32 to index
        %get3A_810 = arith.constant 96 : index
        %get3A_811 = tpu.vector_load %arg19[%get3A_808, %get3A_809, %get3A_810] {strides = array<i32>} : memref<2x80x128xf32, #tpu.memory_space<vmem>>, vector<1x1x16xf32>,
        %get3A_812 = vector.shape_cast %get3A_811 : vector<1x1x16xf32> to vector<16xf32>
        %add3A_813 = arith.addf %add3A_806, %get3A_812 : vector<16xf32>
        %add3A_814 = arith.addf %add3A_791, %add3A_813 : vector<16xf32>
        %mul3A_815 = arith.mulf %add3A_813, %add3A_813 : vector<16xf32>
        %add3A_816 = arith.addf %add3A_793, %mul3A_815 : vector<16xf32>
        %get3A_817 = arith.constant 0 : i32
        %get3A_818 = arith.index_cast %get3A_817 : i32 to index
        %get3A_819 = arith.index_cast %add3A_657 : i32 to index
        %get3A_820 = arith.constant 112 : index
        %get3A_821 = tpu.vector_load %arg17[%get3A_818, %get3A_819, %get3A_820] {strides = array<i32>} : memref<2x80x128xf32, #tpu.memory_space<vmem>>, vector<1x1x16xf32>,
        %get3A_822 = vector.shape_cast %get3A_821 : vector<1x1x16xf32> to vector<16xf32>
        %get3A_823 = arith.constant 0 : i32
        %get3A_824 = arith.index_cast %get3A_823 : i32 to index
        %get3A_825 = arith.index_cast %add3A_657 : i32 to index
        %get3A_826 = arith.constant 112 : index
        %get3A_827 = tpu.vector_load %arg18[%get3A_824, %get3A_825, %get3A_826] {strides = array<i32>} : memref<2x80x128xf32, #tpu.memory_space<vmem>>, vector<1x1x16xf32>,
        %get3A_828 = vector.shape_cast %get3A_827 : vector<1x1x16xf32> to vector<16xf32>
        %add3A_829 = arith.addf %get3A_822, %get3A_828 : vector<16xf32>
        %get3A_830 = arith.constant 0 : i32
        %get3A_831 = arith.index_cast %get3A_830 : i32 to index
        %get3A_832 = arith.index_cast %add3A_657 : i32 to index
        %get3A_833 = arith.constant 112 : index
        %get3A_834 = tpu.vector_load %arg19[%get3A_831, %get3A_832, %get3A_833] {strides = array<i32>} : memref<2x80x128xf32, #tpu.memory_space<vmem>>, vector<1x1x16xf32>,
        %get3A_835 = vector.shape_cast %get3A_834 : vector<1x1x16xf32> to vector<16xf32>
        %add3A_836 = arith.addf %add3A_829, %get3A_835 : vector<16xf32>
        %add3A_837 = arith.addf %add3A_814, %add3A_836 : vector<16xf32>
        %mul3A_838 = arith.mulf %add3A_836, %add3A_836 : vector<16xf32>
        %add3A_839 = arith.addf %add3A_816, %mul3A_838 : vector<16xf32>
        %broadcast_in_dim3A_840 = vector.shape_cast %xor3A_65 : vector<16xi32> to vector<16x1xi32>
        %gather3A_841 = vector.shape_cast %broadcast_in_dim3A_840 : vector<16x1xi32> to vector<16xi32>
        %gather3A_842 = tpu.dynamic_gather %add3A_837[%gather3A_841] in [0] : vector<16xf32>, vector<16xi32> -> vector<16xf32>
        %add3A_843 = arith.addf %add3A_837, %gather3A_842 : vector<16xf32>
        %broadcast_in_dim3A_844 = vector.shape_cast %xor3A_68 : vector<16xi32> to vector<16x1xi32>
        %gather3A_845 = vector.shape_cast %broadcast_in_dim3A_844 : vector<16x1xi32> to vector<16xi32>
        %gather3A_846 = tpu.dynamic_gather %add3A_843[%gather3A_845] in [0] : vector<16xf32>, vector<16xi32> -> vector<16xf32>
        %add3A_847 = arith.addf %add3A_843, %gather3A_846 : vector<16xf32>
        %broadcast_in_dim3A_848 = vector.shape_cast %xor3A_71 : vector<16xi32> to vector<16x1xi32>
        %gather3A_849 = vector.shape_cast %broadcast_in_dim3A_848 : vector<16x1xi32> to vector<16xi32>
        %gather3A_850 = tpu.dynamic_gather %add3A_847[%gather3A_849] in [0] : vector<16xf32>, vector<16xi32> -> vector<16xf32>
        %add3A_851 = arith.addf %add3A_847, %gather3A_850 : vector<16xf32>
        %broadcast_in_dim3A_852 = vector.shape_cast %xor3A_74 : vector<16xi32> to vector<16x1xi32>
        %gather3A_853 = vector.shape_cast %broadcast_in_dim3A_852 : vector<16x1xi32> to vector<16xi32>
        %gather3A_854 = tpu.dynamic_gather %add3A_851[%gather3A_853] in [0] : vector<16xf32>, vector<16xi32> -> vector<16xf32>
        %add3A_855 = arith.addf %add3A_851, %gather3A_854 : vector<16xf32>
        %mul3A_856 = arith.constant 7.812500e-03 : f32
        %mul3A_857 = vector.broadcast %mul3A_856 : f32 to vector<16xf32>
        %mul3A_858 = arith.mulf %add3A_855, %mul3A_857 : vector<16xf32>
        %broadcast_in_dim3A_859 = vector.shape_cast %xor3A_65 : vector<16xi32> to vector<16x1xi32>
        %gather3A_860 = vector.shape_cast %broadcast_in_dim3A_859 : vector<16x1xi32> to vector<16xi32>
        %gather3A_861 = tpu.dynamic_gather %add3A_839[%gather3A_860] in [0] : vector<16xf32>, vector<16xi32> -> vector<16xf32>
        %add3A_862 = arith.addf %add3A_839, %gather3A_861 : vector<16xf32>
        %broadcast_in_dim3A_863 = vector.shape_cast %xor3A_68 : vector<16xi32> to vector<16x1xi32>
        %gather3A_864 = vector.shape_cast %broadcast_in_dim3A_863 : vector<16x1xi32> to vector<16xi32>
        %gather3A_865 = tpu.dynamic_gather %add3A_862[%gather3A_864] in [0] : vector<16xf32>, vector<16xi32> -> vector<16xf32>
        %add3A_866 = arith.addf %add3A_862, %gather3A_865 : vector<16xf32>
        %broadcast_in_dim3A_867 = vector.shape_cast %xor3A_71 : vector<16xi32> to vector<16x1xi32>
        %gather3A_868 = vector.shape_cast %broadcast_in_dim3A_867 : vector<16x1xi32> to vector<16xi32>
        %gather3A_869 = tpu.dynamic_gather %add3A_866[%gather3A_868] in [0] : vector<16xf32>, vector<16xi32> -> vector<16xf32>
        %add3A_870 = arith.addf %add3A_866, %gather3A_869 : vector<16xf32>
        %broadcast_in_dim3A_871 = vector.shape_cast %xor3A_74 : vector<16xi32> to vector<16x1xi32>
        %gather3A_872 = vector.shape_cast %broadcast_in_dim3A_871 : vector<16x1xi32> to vector<16xi32>
        %gather3A_873 = tpu.dynamic_gather %add3A_870[%gather3A_872] in [0] : vector<16xf32>, vector<16xi32> -> vector<16xf32>
        %add3A_874 = arith.addf %add3A_870, %gather3A_873 : vector<16xf32>
        %mul3A_875 = arith.constant 7.812500e-03 : f32
        %mul3A_876 = vector.broadcast %mul3A_875 : f32 to vector<16xf32>
        %mul3A_877 = arith.mulf %add3A_874, %mul3A_876 : vector<16xf32>
        %mul3A_878 = arith.mulf %mul3A_858, %mul3A_858 : vector<16xf32>
        %sub3A_879 = arith.subf %mul3A_877, %mul3A_878 : vector<16xf32>
        %add3A_880 = arith.constant 9.99999997E-7 : f32
        %add3A_881 = vector.broadcast %add3A_880 : f32 to vector<16xf32>
        %add3A_882 = arith.addf %sub3A_879, %add3A_881 : vector<16xf32>
        %bitcast_convert_type3A_883 = tpu.bitcast %add3A_882 : vector<16xf32> -> vector<16xi32>
        %shift_right_logical3A_884 = arith.constant 1 : i32
        %shift_right_logical3A_885 = vector.broadcast %shift_right_logical3A_884 : i32 to vector<16xi32>
        %shift_right_logical3A_886 = arith.shrui %bitcast_convert_type3A_883, %shift_right_logical3A_885 : vector<16xi32>
        %sub3A_887 = arith.constant 1597463174 : i32
        %sub3A_888 = vector.broadcast %sub3A_887 : i32 to vector<16xi32>
        %sub3A_889 = arith.subi %sub3A_888, %shift_right_logical3A_886 : vector<16xi32>
        %bitcast_convert_type3A_890 = tpu.bitcast %sub3A_889 : vector<16xi32> -> vector<16xf32>
        %mul3A_891 = arith.constant 5.000000e-01 : f32
        %mul3A_892 = vector.broadcast %mul3A_891 : f32 to vector<16xf32>
        %mul3A_893 = arith.mulf %mul3A_892, %add3A_882 : vector<16xf32>
        %mul3A_894 = arith.mulf %mul3A_893, %bitcast_convert_type3A_890 : vector<16xf32>
        %mul3A_895 = arith.mulf %mul3A_894, %bitcast_convert_type3A_890 : vector<16xf32>
        %sub3A_896 = arith.constant 1.500000e+00 : f32
        %sub3A_897 = vector.broadcast %sub3A_896 : f32 to vector<16xf32>
        %sub3A_898 = arith.subf %sub3A_897, %mul3A_895 : vector<16xf32>
        %mul3A_899 = arith.mulf %bitcast_convert_type3A_890, %sub3A_898 : vector<16xf32>
        %mul3A_900 = arith.constant 5.000000e-01 : f32
        %mul3A_901 = vector.broadcast %mul3A_900 : f32 to vector<16xf32>
        %mul3A_902 = arith.mulf %mul3A_901, %add3A_882 : vector<16xf32>
        %mul3A_903 = arith.mulf %mul3A_902, %mul3A_899 : vector<16xf32>
        %mul3A_904 = arith.mulf %mul3A_903, %mul3A_899 : vector<16xf32>
        %sub3A_905 = arith.constant 1.500000e+00 : f32
        %sub3A_906 = vector.broadcast %sub3A_905 : f32 to vector<16xf32>
        %sub3A_907 = arith.subf %sub3A_906, %mul3A_904 : vector<16xf32>
        %mul3A_908 = arith.mulf %mul3A_899, %sub3A_907 : vector<16xf32>
        %sub3A_909 = arith.subf %add3A_677, %mul3A_858 : vector<16xf32>
        %mul3A_910 = arith.mulf %sub3A_909, %mul3A_908 : vector<16xf32>
        %mul3A_911 = arith.mulf %mul3A_910, %get3A_18 : vector<16xf32>
        %add3A_912 = arith.addf %mul3A_911, %get3A_42 : vector<16xf32>
        %swap3A_913 = arith.constant 0 : i32
        %swap3A_914 = arith.index_cast %swap3A_913 : i32 to index
        %swap3A_915 = arith.index_cast %add3A_657 : i32 to index
        %swap3A_916 = arith.constant 0 : index
        %swap3A_917 = tpu.vector_load %arg20[%swap3A_914, %swap3A_915, %swap3A_916] {strides = array<i32>} : memref<2x80x128xf32, #tpu.memory_space<vmem>>, vector<1x1x16xf32>,
        %swap3A_918 = vector.shape_cast %swap3A_917 : vector<1x1x16xf32> to vector<16xf32>
        %swap3A_919 = vector.shape_cast %add3A_912 : vector<16xf32> to vector<1x1x16xf32>
        tpu.vector_store %arg20[%swap3A_914, %swap3A_915, %swap3A_916], %swap3A_919 {strides = array<i32>} : memref<2x80x128xf32, #tpu.memory_space<vmem>>, vector<1x1x16xf32>,
        %sub3A_920 = arith.subf %add3A_698, %mul3A_858 : vector<16xf32>
        %mul3A_921 = arith.mulf %sub3A_920, %mul3A_908 : vector<16xf32>
        %mul3A_922 = arith.mulf %mul3A_921, %get3A_21 : vector<16xf32>
        %add3A_923 = arith.addf %mul3A_922, %get3A_45 : vector<16xf32>
        %swap3A_924 = arith.constant 0 : i32
        %swap3A_925 = arith.index_cast %swap3A_924 : i32 to index
        %swap3A_926 = arith.index_cast %add3A_657 : i32 to index
        %swap3A_927 = arith.constant 16 : index
        %swap3A_928 = tpu.vector_load %arg20[%swap3A_925, %swap3A_926, %swap3A_927] {strides = array<i32>} : memref<2x80x128xf32, #tpu.memory_space<vmem>>, vector<1x1x16xf32>,
        %swap3A_929 = vector.shape_cast %swap3A_928 : vector<1x1x16xf32> to vector<16xf32>
        %swap3A_930 = vector.shape_cast %add3A_923 : vector<16xf32> to vector<1x1x16xf32>
        tpu.vector_store %arg20[%swap3A_925, %swap3A_926, %swap3A_927], %swap3A_930 {strides = array<i32>} : memref<2x80x128xf32, #tpu.memory_space<vmem>>, vector<1x1x16xf32>,
        %sub3A_931 = arith.subf %add3A_721, %mul3A_858 : vector<16xf32>
        %mul3A_932 = arith.mulf %sub3A_931, %mul3A_908 : vector<16xf32>
        %mul3A_933 = arith.mulf %mul3A_932, %get3A_24 : vector<16xf32>
        %add3A_934 = arith.addf %mul3A_933, %get3A_48 : vector<16xf32>
        %swap3A_935 = arith.constant 0 : i32
        %swap3A_936 = arith.index_cast %swap3A_935 : i32 to index
        %swap3A_937 = arith.index_cast %add3A_657 : i32 to index
        %swap3A_938 = arith.constant 32 : index
        %swap3A_939 = tpu.vector_load %arg20[%swap3A_936, %swap3A_937, %swap3A_938] {strides = array<i32>} : memref<2x80x128xf32, #tpu.memory_space<vmem>>, vector<1x1x16xf32>,
        %swap3A_940 = vector.shape_cast %swap3A_939 : vector<1x1x16xf32> to vector<16xf32>
        %swap3A_941 = vector.shape_cast %add3A_934 : vector<16xf32> to vector<1x1x16xf32>
        tpu.vector_store %arg20[%swap3A_936, %swap3A_937, %swap3A_938], %swap3A_941 {strides = array<i32>} : memref<2x80x128xf32, #tpu.memory_space<vmem>>, vector<1x1x16xf32>,
        %sub3A_942 = arith.subf %add3A_744, %mul3A_858 : vector<16xf32>
        %mul3A_943 = arith.mulf %sub3A_942, %mul3A_908 : vector<16xf32>
        %mul3A_944 = arith.mulf %mul3A_943, %get3A_27 : vector<16xf32>
        %add3A_945 = arith.addf %mul3A_944, %get3A_51 : vector<16xf32>
        %swap3A_946 = arith.constant 0 : i32
        %swap3A_947 = arith.index_cast %swap3A_946 : i32 to index
        %swap3A_948 = arith.index_cast %add3A_657 : i32 to index
        %swap3A_949 = arith.constant 48 : index
        %swap3A_950 = tpu.vector_load %arg20[%swap3A_947, %swap3A_948, %swap3A_949] {strides = array<i32>} : memref<2x80x128xf32, #tpu.memory_space<vmem>>, vector<1x1x16xf32>,
        %swap3A_951 = vector.shape_cast %swap3A_950 : vector<1x1x16xf32> to vector<16xf32>
        %swap3A_952 = vector.shape_cast %add3A_945 : vector<16xf32> to vector<1x1x16xf32>
        tpu.vector_store %arg20[%swap3A_947, %swap3A_948, %swap3A_949], %swap3A_952 {strides = array<i32>} : memref<2x80x128xf32, #tpu.memory_space<vmem>>, vector<1x1x16xf32>,
        %sub3A_953 = arith.subf %add3A_767, %mul3A_858 : vector<16xf32>
        %mul3A_954 = arith.mulf %sub3A_953, %mul3A_908 : vector<16xf32>
        %mul3A_955 = arith.mulf %mul3A_954, %get3A_30 : vector<16xf32>
        %add3A_956 = arith.addf %mul3A_955, %get3A_54 : vector<16xf32>
        %swap3A_957 = arith.constant 0 : i32
        %swap3A_958 = arith.index_cast %swap3A_957 : i32 to index
        %swap3A_959 = arith.index_cast %add3A_657 : i32 to index
        %swap3A_960 = arith.constant 64 : index
        %swap3A_961 = tpu.vector_load %arg20[%swap3A_958, %swap3A_959, %swap3A_960] {strides = array<i32>} : memref<2x80x128xf32, #tpu.memory_space<vmem>>, vector<1x1x16xf32>,
        %swap3A_962 = vector.shape_cast %swap3A_961 : vector<1x1x16xf32> to vector<16xf32>
        %swap3A_963 = vector.shape_cast %add3A_956 : vector<16xf32> to vector<1x1x16xf32>
        tpu.vector_store %arg20[%swap3A_958, %swap3A_959, %swap3A_960], %swap3A_963 {strides = array<i32>} : memref<2x80x128xf32, #tpu.memory_space<vmem>>, vector<1x1x16xf32>,
        %sub3A_964 = arith.subf %add3A_790, %mul3A_858 : vector<16xf32>
        %mul3A_965 = arith.mulf %sub3A_964, %mul3A_908 : vector<16xf32>
        %mul3A_966 = arith.mulf %mul3A_965, %get3A_33 : vector<16xf32>
        %add3A_967 = arith.addf %mul3A_966, %get3A_57 : vector<16xf32>
        %swap3A_968 = arith.constant 0 : i32
        %swap3A_969 = arith.index_cast %swap3A_968 : i32 to index
        %swap3A_970 = arith.index_cast %add3A_657 : i32 to index
        %swap3A_971 = arith.constant 80 : index
        %swap3A_972 = tpu.vector_load %arg20[%swap3A_969, %swap3A_970, %swap3A_971] {strides = array<i32>} : memref<2x80x128xf32, #tpu.memory_space<vmem>>, vector<1x1x16xf32>,
        %swap3A_973 = vector.shape_cast %swap3A_972 : vector<1x1x16xf32> to vector<16xf32>
        %swap3A_974 = vector.shape_cast %add3A_967 : vector<16xf32> to vector<1x1x16xf32>
        tpu.vector_store %arg20[%swap3A_969, %swap3A_970, %swap3A_971], %swap3A_974 {strides = array<i32>} : memref<2x80x128xf32, #tpu.memory_space<vmem>>, vector<1x1x16xf32>,
        %sub3A_975 = arith.subf %add3A_813, %mul3A_858 : vector<16xf32>
        %mul3A_976 = arith.mulf %sub3A_975, %mul3A_908 : vector<16xf32>
        %mul3A_977 = arith.mulf %mul3A_976, %get3A_36 : vector<16xf32>
        %add3A_978 = arith.addf %mul3A_977, %get3A_60 : vector<16xf32>
        %swap3A_979 = arith.constant 0 : i32
        %swap3A_980 = arith.index_cast %swap3A_979 : i32 to index
        %swap3A_981 = arith.index_cast %add3A_657 : i32 to index
        %swap3A_982 = arith.constant 96 : index
        %swap3A_983 = tpu.vector_load %arg20[%swap3A_980, %swap3A_981, %swap3A_982] {strides = array<i32>} : memref<2x80x128xf32, #tpu.memory_space<vmem>>, vector<1x1x16xf32>,
        %swap3A_984 = vector.shape_cast %swap3A_983 : vector<1x1x16xf32> to vector<16xf32>
        %swap3A_985 = vector.shape_cast %add3A_978 : vector<16xf32> to vector<1x1x16xf32>
        tpu.vector_store %arg20[%swap3A_980, %swap3A_981, %swap3A_982], %swap3A_985 {strides = array<i32>} : memref<2x80x128xf32, #tpu.memory_space<vmem>>, vector<1x1x16xf32>,
        %sub3A_986 = arith.subf %add3A_836, %mul3A_858 : vector<16xf32>
        %mul3A_987 = arith.mulf %sub3A_986, %mul3A_908 : vector<16xf32>
        %mul3A_988 = arith.mulf %mul3A_987, %get3A_39 : vector<16xf32>
        %add3A_989 = arith.addf %mul3A_988, %get3A_63 : vector<16xf32>
        %swap3A_990 = arith.constant 0 : i32
        %swap3A_991 = arith.index_cast %swap3A_990 : i32 to index
        %swap3A_992 = arith.index_cast %add3A_657 : i32 to index
        %swap3A_993 = arith.constant 112 : index
        %swap3A_994 = tpu.vector_load %arg20[%swap3A_991, %swap3A_992, %swap3A_993] {strides = array<i32>} : memref<2x80x128xf32, #tpu.memory_space<vmem>>, vector<1x1x16xf32>,
        %swap3A_995 = vector.shape_cast %swap3A_994 : vector<1x1x16xf32> to vector<16xf32>
        %swap3A_996 = vector.shape_cast %add3A_989 : vector<16xf32> to vector<1x1x16xf32>
        tpu.vector_store %arg20[%swap3A_991, %swap3A_992, %swap3A_993], %swap3A_996 {strides = array<i32>} : memref<2x80x128xf32, #tpu.memory_space<vmem>>, vector<1x1x16xf32>,
      }
      %scan3A_232 = arith.constant 40 : i32
      %mul3A_233 = arith.constant 80 : i32
      %mul3A_234 = arith.muli %mul3A_150, %mul3A_233 : i32
      %add3A_235 = arith.addi %mul3A_2, %mul3A_234 : i32
      %dma_start3A_236 = arith.constant 0 : i32
      %dma_start3A_237 = arith.constant 0 : i32
      %dma_start3A_238 = arith.constant 0 : i32
      %dma_start3A_239 = tpu.memref_slice %arg20[%dma_start3A_236, %dma_start3A_237, %dma_start3A_238] : memref<2x80x128xf32, #tpu.memory_space<vmem>> -> memref<1x80x128xf32, #tpu.memory_space<vmem>>
      %dma_start3A_240 = tpu.memref_squeeze %dma_start3A_239 : memref<1x80x128xf32, #tpu.memory_space<vmem>> -> memref<80x128xf32, #tpu.memory_space<vmem>>
      %dma_start3A_241 = arith.constant 0 : i32
      %dma_start3A_242 = tpu.memref_slice %arg11[%add3A_235, %dma_start3A_241] : memref<204800x128xf32, #tpu.memory_space<hbm>> -> memref<80x128xf32, #tpu.memory_space<hbm>>
      %dma_start3A_243 = arith.constant 0 : i32
      %dma_start3A_244 = tpu.memref_slice %arg11[%add3A_235, %dma_start3A_243] : memref<204800x128xf32, #tpu.memory_space<hbm>> -> memref<80x128xf32, #tpu.memory_space<hbm>>
      %dma_start3A_245 = arith.constant 0 : i32
      %dma_start3A_246 = arith.constant 0 : i32
      %dma_start3A_247 = tpu.memref_slice %arg20[%dma_start3A_236, %dma_start3A_245, %dma_start3A_246] : memref<2x80x128xf32, #tpu.memory_space<vmem>> -> memref<1x80x128xf32, #tpu.memory_space<vmem>>
      %dma_start3A_248 = tpu.memref_squeeze %dma_start3A_247 : memref<1x80x128xf32, #tpu.memory_space<vmem>> -> memref<80x128xf32, #tpu.memory_space<vmem>>
      tpu.enqueue_dma source(%dma_start3A_248 : memref<80x128xf32, #tpu.memory_space<vmem>>) target(%dma_start3A_244 : memref<80x128xf32, #tpu.memory_space<hbm>>) target_semaphore(%arg26 : memref<!tpu.dma_semaphore, #tpu.memory_space<semaphore_mem>>)
      %mul3A_249 = arith.constant 2 : i32
      %mul3A_250 = arith.muli %mul3A_249, %scan3A_148 : i32
      %add3A_251 = arith.constant 1 : i32
      %add3A_252 = arith.addi %mul3A_250, %add3A_251 : i32
      %lt3A = arith.constant 39 : i32
      %lt3A_253 = arith.cmpi slt, %scan3A_148, %lt3A : i32
      %convert_element_type3A_254 = arith.extui %lt3A_253 : i1 to i32
      %cond3A_255 = arith.constant 0 : i32
      %cond3A_256 = arith.cmpi ne, %convert_element_type3A_254, %cond3A_255 : i32
      scf.if %cond3A_256 {
        %add3A_316 = arith.constant 1 : i32
        %add3A_317 = arith.addi %add3A_252, %add3A_316 : i32
        %scan3A_318 = arith.constant 0 : i32
        %scan3A_319 = arith.constant 0 : i32
        %scan3A_320 = arith.constant 5 : i32
        %scan3A_321 = arith.addi %scan3A_319, %scan3A_320 : i32
        %scan3A_322 = arith.constant 1 : i32
        scf.for %scan3A_358 = %scan3A_319 to %scan3A_321 step %scan3A_322  : i32 {
          %mul3A_359 = arith.constant 80 : i32
          %mul3A_360 = arith.muli %add3A_317, %mul3A_359 : i32
          %mul3A_361 = arith.constant 16 : i32
          %mul3A_362 = arith.muli %scan3A_358, %mul3A_361 : i32
          %add3A_363 = arith.addi %mul3A_360, %mul3A_362 : i32
          %get3A_364 = arith.index_cast %add3A_363 : i32 to index
          %get3A_365 = tpu.vector_load %arg15[%get3A_364] {strides = array<i32>} : memref<6400xi32, #tpu.memory_space<vmem>>, vector<16xi32>,
          %get3A_366 = vector.shape_cast %get3A_365 : vector<16xi32> to vector<16xi32>
          %mul3A_367 = arith.constant 2 : i32
          %mul3A_368 = vector.broadcast %mul3A_367 : i32 to vector<16xi32>
          %mul3A_369 = arith.muli %get3A_366, %mul3A_368 : vector<16xi32>
          %get3A_370 = arith.index_cast %add3A_363 : i32 to index
          %get3A_371 = tpu.vector_load %arg14[%get3A_370] {strides = array<i32>} : memref<6400xi32, #tpu.memory_space<vmem>>, vector<16xi32>,
          %get3A_372 = vector.shape_cast %get3A_371 : vector<16xi32> to vector<16xi32>
          %add3A_373 = arith.addi %mul3A_369, %get3A_372 : vector<16xi32>
          %mul3A_374 = arith.constant 16 : i32
          %mul3A_375 = arith.muli %scan3A_358, %mul3A_374 : i32
          %swap3A = arith.constant 0 : i32
          %swap3A_376 = arith.index_cast %swap3A : i32 to index
          %swap3A_377 = arith.index_cast %mul3A_375 : i32 to index
          %swap3A_378 = tpu.vector_load %arg16[%swap3A_376, %swap3A_377] {strides = array<i32>} : memref<2x80xi32, #tpu.memory_space<vmem>>, vector<1x16xi32>,
          %swap3A_379 = vector.shape_cast %swap3A_378 : vector<1x16xi32> to vector<16xi32>
          %swap3A_380 = vector.shape_cast %add3A_373 : vector<16xi32> to vector<1x16xi32>
          tpu.vector_store %arg16[%swap3A_376, %swap3A_377], %swap3A_380 {strides = array<i32>} : memref<2x80xi32, #tpu.memory_space<vmem>>, vector<1x16xi32>,
        }
        %scan3A_323 = arith.constant 5 : i32
        %add3A_324 = arith.constant 1 : i32
        %add3A_325 = arith.addi %add3A_252, %add3A_324 : i32
        %mul3A_326 = arith.constant 80 : i32
        %mul3A_327 = arith.muli %add3A_325, %mul3A_326 : i32
        %dma_start3A_328 = arith.constant 0 : i32
        %dma_start3A_329 = arith.constant 0 : i32
        %dma_start3A_330 = arith.constant 0 : i32
        %dma_start3A_331 = tpu.memref_slice %arg17[%dma_start3A_328, %dma_start3A_329, %dma_start3A_330] : memref<2x80x128xf32, #tpu.memory_space<vmem>> -> memref<1x80x128xf32, #tpu.memory_space<vmem>>
        %dma_start3A_332 = tpu.memref_squeeze %dma_start3A_331 : memref<1x80x128xf32, #tpu.memory_space<vmem>> -> memref<80x128xf32, #tpu.memory_space<vmem>>
        %dma_start3A_333 = tpu.memref_slice %arg12[%mul3A_327] : memref<6400xi32, #tpu.memory_space<vmem>> -> memref<80xi32, #tpu.memory_space<vmem>>
        %dma_start3A_334 = arith.constant 0 : i32
        %dma_start3A_335 = arith.constant 0 : i32
        %dma_start3A_336 = tpu.memref_slice %arg6[%dma_start3A_334, %dma_start3A_335] : memref<100000x128xf32, #tpu.memory_space<hbm>> -> memref<100000x128xf32, #tpu.memory_space<hbm>>
        tpu.enqueue_indirect_dma source(%dma_start3A_336 : memref<100000x128xf32, #tpu.memory_space<hbm>>) target(%dma_start3A_332 : memref<80x128xf32, #tpu.memory_space<vmem>>) offsets(%dma_start3A_333 : memref<80xi32, #tpu.memory_space<vmem>>) semaphore(%arg24 : memref<!tpu.dma_semaphore, #tpu.memory_space<semaphore_mem>>)
        %dma_start3A_337 = arith.constant 0 : i32
        %dma_start3A_338 = arith.constant 0 : i32
        %dma_start3A_339 = arith.constant 0 : i32
        %dma_start3A_340 = tpu.memref_slice %arg18[%dma_start3A_337, %dma_start3A_338, %dma_start3A_339] : memref<2x80x128xf32, #tpu.memory_space<vmem>> -> memref<1x80x128xf32, #tpu.memory_space<vmem>>
        %dma_start3A_341 = tpu.memref_squeeze %dma_start3A_340 : memref<1x80x128xf32, #tpu.memory_space<vmem>> -> memref<80x128xf32, #tpu.memory_space<vmem>>
        %dma_start3A_342 = tpu.memref_slice %arg13[%mul3A_327] : memref<6400xi32, #tpu.memory_space<vmem>> -> memref<80xi32, #tpu.memory_space<vmem>>
        %dma_start3A_343 = arith.constant 0 : i32
        %dma_start3A_344 = arith.constant 0 : i32
        %dma_start3A_345 = tpu.memref_slice %arg7[%dma_start3A_343, %dma_start3A_344] : memref<512x128xf32, #tpu.memory_space<hbm>> -> memref<512x128xf32, #tpu.memory_space<hbm>>
        tpu.enqueue_indirect_dma source(%dma_start3A_345 : memref<512x128xf32, #tpu.memory_space<hbm>>) target(%dma_start3A_341 : memref<80x128xf32, #tpu.memory_space<vmem>>) offsets(%dma_start3A_342 : memref<80xi32, #tpu.memory_space<vmem>>) semaphore(%arg24 : memref<!tpu.dma_semaphore, #tpu.memory_space<semaphore_mem>>)
        %dma_start3A_346 = arith.constant 0 : i32
        %dma_start3A_347 = arith.constant 0 : i32
        %dma_start3A_348 = arith.constant 0 : i32
        %dma_start3A_349 = arith.constant 0 : i32
        %dma_start3A_350 = tpu.memref_slice %arg19[%dma_start3A_347, %dma_start3A_348, %dma_start3A_349] : memref<2x80x128xf32, #tpu.memory_space<vmem>> -> memref<1x80x128xf32, #tpu.memory_space<vmem>>
        %dma_start3A_351 = tpu.memref_squeeze %dma_start3A_350 : memref<1x80x128xf32, #tpu.memory_space<vmem>> -> memref<80x128xf32, #tpu.memory_space<vmem>>
        %dma_start3A_352 = arith.constant 0 : i32
        %dma_start3A_353 = tpu.memref_slice %arg16[%dma_start3A_346, %dma_start3A_352] : memref<2x80xi32, #tpu.memory_space<vmem>> -> memref<1x80xi32, #tpu.memory_space<vmem>>
        %dma_start3A_354 = tpu.memref_squeeze %dma_start3A_353 : memref<1x80xi32, #tpu.memory_space<vmem>> -> memref<80xi32, #tpu.memory_space<vmem>>
        %dma_start3A_355 = arith.constant 0 : i32
        %dma_start3A_356 = arith.constant 0 : i32
        %dma_start3A_357 = tpu.memref_slice %arg8[%dma_start3A_355, %dma_start3A_356] : memref<128x128xf32, #tpu.memory_space<hbm>> -> memref<128x128xf32, #tpu.memory_space<hbm>>
        tpu.enqueue_indirect_dma source(%dma_start3A_357 : memref<128x128xf32, #tpu.memory_space<hbm>>) target(%dma_start3A_351 : memref<80x128xf32, #tpu.memory_space<vmem>>) offsets(%dma_start3A_354 : memref<80xi32, #tpu.memory_space<vmem>>) semaphore(%arg24 : memref<!tpu.dma_semaphore, #tpu.memory_space<semaphore_mem>>)
      } else {
      }
      %mul3A_257 = arith.constant 80 : i32
      %mul3A_258 = arith.muli %add3A_252, %mul3A_257 : i32
      %dma_wait3A_259 = arith.constant 1 : i32
      %dma_wait3A_260 = arith.constant 0 : i32
      %dma_wait3A_261 = arith.constant 0 : i32
      %dma_wait3A_262 = tpu.memref_slice %arg17[%dma_wait3A_259, %dma_wait3A_260, %dma_wait3A_261] : memref<2x80x128xf32, #tpu.memory_space<vmem>> -> memref<1x80x128xf32, #tpu.memory_space<vmem>>
      %dma_wait3A_263 = tpu.memref_squeeze %dma_wait3A_262 : memref<1x80x128xf32, #tpu.memory_space<vmem>> -> memref<80x128xf32, #tpu.memory_space<vmem>>
      %dma_wait3A_264 = tpu.memref_slice %arg12[%mul3A_258] : memref<6400xi32, #tpu.memory_space<vmem>> -> memref<80xi32, #tpu.memory_space<vmem>>
      %dma_wait3A_265 = arith.constant 0 : i32
      %dma_wait3A_266 = arith.constant 0 : i32
      %dma_wait3A_267 = tpu.memref_slice %arg6[%dma_wait3A_265, %dma_wait3A_266] : memref<100000x128xf32, #tpu.memory_space<hbm>> -> memref<100000x128xf32, #tpu.memory_space<hbm>>
      tpu.wait_indirect_dma semaphore(%arg25 : memref<!tpu.dma_semaphore, #tpu.memory_space<semaphore_mem>>) src(%dma_wait3A_267 : memref<100000x128xf32, #tpu.memory_space<hbm>>) dst(%dma_wait3A_263 : memref<80x128xf32, #tpu.memory_space<vmem>>)
      %dma_wait3A_268 = arith.constant 1 : i32
      %dma_wait3A_269 = arith.constant 0 : i32
      %dma_wait3A_270 = arith.constant 0 : i32
      %dma_wait3A_271 = tpu.memref_slice %arg18[%dma_wait3A_268, %dma_wait3A_269, %dma_wait3A_270] : memref<2x80x128xf32, #tpu.memory_space<vmem>> -> memref<1x80x128xf32, #tpu.memory_space<vmem>>
      %dma_wait3A_272 = tpu.memref_squeeze %dma_wait3A_271 : memref<1x80x128xf32, #tpu.memory_space<vmem>> -> memref<80x128xf32, #tpu.memory_space<vmem>>
      %dma_wait3A_273 = tpu.memref_slice %arg13[%mul3A_258] : memref<6400xi32, #tpu.memory_space<vmem>> -> memref<80xi32, #tpu.memory_space<vmem>>
      %dma_wait3A_274 = arith.constant 0 : i32
      %dma_wait3A_275 = arith.constant 0 : i32
      %dma_wait3A_276 = tpu.memref_slice %arg7[%dma_wait3A_274, %dma_wait3A_275] : memref<512x128xf32, #tpu.memory_space<hbm>> -> memref<512x128xf32, #tpu.memory_space<hbm>>
      tpu.wait_indirect_dma semaphore(%arg25 : memref<!tpu.dma_semaphore, #tpu.memory_space<semaphore_mem>>) src(%dma_wait3A_276 : memref<512x128xf32, #tpu.memory_space<hbm>>) dst(%dma_wait3A_272 : memref<80x128xf32, #tpu.memory_space<vmem>>)
      %dma_wait3A_277 = arith.constant 1 : i32
      %dma_wait3A_278 = arith.constant 1 : i32
      %dma_wait3A_279 = arith.constant 0 : i32
      %dma_wait3A_280 = arith.constant 0 : i32
      %dma_wait3A_281 = tpu.memref_slice %arg19[%dma_wait3A_278, %dma_wait3A_279, %dma_wait3A_280] : memref<2x80x128xf32, #tpu.memory_space<vmem>> -> memref<1x80x128xf32, #tpu.memory_space<vmem>>
      %dma_wait3A_282 = tpu.memref_squeeze %dma_wait3A_281 : memref<1x80x128xf32, #tpu.memory_space<vmem>> -> memref<80x128xf32, #tpu.memory_space<vmem>>
      %dma_wait3A_283 = arith.constant 0 : i32
      %dma_wait3A_284 = tpu.memref_slice %arg16[%dma_wait3A_277, %dma_wait3A_283] : memref<2x80xi32, #tpu.memory_space<vmem>> -> memref<1x80xi32, #tpu.memory_space<vmem>>
      %dma_wait3A_285 = tpu.memref_squeeze %dma_wait3A_284 : memref<1x80xi32, #tpu.memory_space<vmem>> -> memref<80xi32, #tpu.memory_space<vmem>>
      %dma_wait3A_286 = arith.constant 0 : i32
      %dma_wait3A_287 = arith.constant 0 : i32
      %dma_wait3A_288 = tpu.memref_slice %arg8[%dma_wait3A_286, %dma_wait3A_287] : memref<128x128xf32, #tpu.memory_space<hbm>> -> memref<128x128xf32, #tpu.memory_space<hbm>>
      tpu.wait_indirect_dma semaphore(%arg25 : memref<!tpu.dma_semaphore, #tpu.memory_space<semaphore_mem>>) src(%dma_wait3A_288 : memref<128x128xf32, #tpu.memory_space<hbm>>) dst(%dma_wait3A_282 : memref<80x128xf32, #tpu.memory_space<vmem>>)
      %ge3A_289 = arith.constant 1 : i32
      %ge3A_290 = arith.cmpi sge, %scan3A_148, %ge3A_289 : i32
      %convert_element_type3A_291 = arith.extui %ge3A_290 : i1 to i32
      %cond3A_292 = arith.constant 0 : i32
      %cond3A_293 = arith.cmpi ne, %convert_element_type3A_291, %cond3A_292 : i32
      scf.if %cond3A_293 {
        %sub3A = arith.constant 2 : i32
        %sub3A_316 = arith.subi %add3A_252, %sub3A : i32
        %mul3A_317 = arith.constant 80 : i32
        %mul3A_318 = arith.muli %sub3A_316, %mul3A_317 : i32
        %add3A_319 = arith.addi %mul3A_2, %mul3A_318 : i32
        %dma_wait3A_320 = arith.constant 1 : i32
        %dma_wait3A_321 = arith.constant 0 : i32
        %dma_wait3A_322 = arith.constant 0 : i32
        %dma_wait3A_323 = tpu.memref_slice %arg20[%dma_wait3A_320, %dma_wait3A_321, %dma_wait3A_322] : memref<2x80x128xf32, #tpu.memory_space<vmem>> -> memref<1x80x128xf32, #tpu.memory_space<vmem>>
        %dma_wait3A_324 = tpu.memref_squeeze %dma_wait3A_323 : memref<1x80x128xf32, #tpu.memory_space<vmem>> -> memref<80x128xf32, #tpu.memory_space<vmem>>
        %dma_wait3A_325 = arith.constant 0 : i32
        %dma_wait3A_326 = tpu.memref_slice %arg11[%add3A_319, %dma_wait3A_325] : memref<204800x128xf32, #tpu.memory_space<hbm>> -> memref<80x128xf32, #tpu.memory_space<hbm>>
        %dma_wait3A_327 = arith.constant 0 : i32
        %dma_wait3A_328 = tpu.memref_slice %arg11[%add3A_319, %dma_wait3A_327] : memref<204800x128xf32, #tpu.memory_space<hbm>> -> memref<80x128xf32, #tpu.memory_space<hbm>>
        %dma_wait3A_329 = arith.constant 0 : i32
        %dma_wait3A_330 = arith.constant 0 : i32
        %dma_wait3A_331 = tpu.memref_slice %arg20[%dma_wait3A_320, %dma_wait3A_329, %dma_wait3A_330] : memref<2x80x128xf32, #tpu.memory_space<vmem>> -> memref<1x80x128xf32, #tpu.memory_space<vmem>>
        %dma_wait3A_332 = tpu.memref_squeeze %dma_wait3A_331 : memref<1x80x128xf32, #tpu.memory_space<vmem>> -> memref<80x128xf32, #tpu.memory_space<vmem>>
        tpu.wait_dma2 semaphore(%arg27 : memref<!tpu.dma_semaphore, #tpu.memory_space<semaphore_mem>>) src(%dma_wait3A_332 : memref<80x128xf32, #tpu.memory_space<vmem>>) dst(%dma_wait3A_328 : memref<80x128xf32, #tpu.memory_space<hbm>>)
      } else {
      }
      %scan3A_294 = arith.constant 0 : i32
      %scan3A_295 = arith.constant 0 : i32
      %scan3A_296 = arith.constant 40 : i32
      %scan3A_297 = arith.addi %scan3A_295, %scan3A_296 : i32
      %scan3A_298 = arith.constant 1 : i32
      scf.for %scan3A_316 = %scan3A_295 to %scan3A_297 step %scan3A_298  : i32 {
        %mul3A_317 = arith.constant 2 : i32
        %mul3A_318 = arith.muli %scan3A_316, %mul3A_317 : i32
        %add3A_319 = arith.constant 0 : i32
        %add3A_320 = arith.addi %mul3A_318, %add3A_319 : i32
        %get3A_321 = arith.constant 1 : i32
        %get3A_322 = arith.index_cast %get3A_321 : i32 to index
        %get3A_323 = arith.index_cast %add3A_320 : i32 to index
        %get3A_324 = arith.constant 0 : index
        %get3A_325 = tpu.vector_load %arg17[%get3A_322, %get3A_323, %get3A_324] {strides = array<i32>} : memref<2x80x128xf32, #tpu.memory_space<vmem>>, vector<1x1x16xf32>,
        %get3A_326 = vector.shape_cast %get3A_325 : vector<1x1x16xf32> to vector<16xf32>
        %get3A_327 = arith.constant 1 : i32
        %get3A_328 = arith.index_cast %get3A_327 : i32 to index
        %get3A_329 = arith.index_cast %add3A_320 : i32 to index
        %get3A_330 = arith.constant 0 : index
        %get3A_331 = tpu.vector_load %arg18[%get3A_328, %get3A_329, %get3A_330] {strides = array<i32>} : memref<2x80x128xf32, #tpu.memory_space<vmem>>, vector<1x1x16xf32>,
        %get3A_332 = vector.shape_cast %get3A_331 : vector<1x1x16xf32> to vector<16xf32>
        %add3A_333 = arith.addf %get3A_326, %get3A_332 : vector<16xf32>
        %get3A_334 = arith.constant 1 : i32
        %get3A_335 = arith.index_cast %get3A_334 : i32 to index
        %get3A_336 = arith.index_cast %add3A_320 : i32 to index
        %get3A_337 = arith.constant 0 : index
        %get3A_338 = tpu.vector_load %arg19[%get3A_335, %get3A_336, %get3A_337] {strides = array<i32>} : memref<2x80x128xf32, #tpu.memory_space<vmem>>, vector<1x1x16xf32>,
        %get3A_339 = vector.shape_cast %get3A_338 : vector<1x1x16xf32> to vector<16xf32>
        %add3A_340 = arith.addf %add3A_333, %get3A_339 : vector<16xf32>
        %mul3A_341 = arith.mulf %add3A_340, %add3A_340 : vector<16xf32>
        %get3A_342 = arith.constant 1 : i32
        %get3A_343 = arith.index_cast %get3A_342 : i32 to index
        %get3A_344 = arith.index_cast %add3A_320 : i32 to index
        %get3A_345 = arith.constant 16 : index
        %get3A_346 = tpu.vector_load %arg17[%get3A_343, %get3A_344, %get3A_345] {strides = array<i32>} : memref<2x80x128xf32, #tpu.memory_space<vmem>>, vector<1x1x16xf32>,
        %get3A_347 = vector.shape_cast %get3A_346 : vector<1x1x16xf32> to vector<16xf32>
        %get3A_348 = arith.constant 1 : i32
        %get3A_349 = arith.index_cast %get3A_348 : i32 to index
        %get3A_350 = arith.index_cast %add3A_320 : i32 to index
        %get3A_351 = arith.constant 16 : index
        %get3A_352 = tpu.vector_load %arg18[%get3A_349, %get3A_350, %get3A_351] {strides = array<i32>} : memref<2x80x128xf32, #tpu.memory_space<vmem>>, vector<1x1x16xf32>,
        %get3A_353 = vector.shape_cast %get3A_352 : vector<1x1x16xf32> to vector<16xf32>
        %add3A_354 = arith.addf %get3A_347, %get3A_353 : vector<16xf32>
        %get3A_355 = arith.constant 1 : i32
        %get3A_356 = arith.index_cast %get3A_355 : i32 to index
        %get3A_357 = arith.index_cast %add3A_320 : i32 to index
        %get3A_358 = arith.constant 16 : index
        %get3A_359 = tpu.vector_load %arg19[%get3A_356, %get3A_357, %get3A_358] {strides = array<i32>} : memref<2x80x128xf32, #tpu.memory_space<vmem>>, vector<1x1x16xf32>,
        %get3A_360 = vector.shape_cast %get3A_359 : vector<1x1x16xf32> to vector<16xf32>
        %add3A_361 = arith.addf %add3A_354, %get3A_360 : vector<16xf32>
        %add3A_362 = arith.addf %add3A_340, %add3A_361 : vector<16xf32>
        %mul3A_363 = arith.mulf %add3A_361, %add3A_361 : vector<16xf32>
        %add3A_364 = arith.addf %mul3A_341, %mul3A_363 : vector<16xf32>
        %get3A_365 = arith.constant 1 : i32
        %get3A_366 = arith.index_cast %get3A_365 : i32 to index
        %get3A_367 = arith.index_cast %add3A_320 : i32 to index
        %get3A_368 = arith.constant 32 : index
        %get3A_369 = tpu.vector_load %arg17[%get3A_366, %get3A_367, %get3A_368] {strides = array<i32>} : memref<2x80x128xf32, #tpu.memory_space<vmem>>, vector<1x1x16xf32>,
        %get3A_370 = vector.shape_cast %get3A_369 : vector<1x1x16xf32> to vector<16xf32>
        %get3A_371 = arith.constant 1 : i32
        %get3A_372 = arith.index_cast %get3A_371 : i32 to index
        %get3A_373 = arith.index_cast %add3A_320 : i32 to index
        %get3A_374 = arith.constant 32 : index
        %get3A_375 = tpu.vector_load %arg18[%get3A_372, %get3A_373, %get3A_374] {strides = array<i32>} : memref<2x80x128xf32, #tpu.memory_space<vmem>>, vector<1x1x16xf32>,
        %get3A_376 = vector.shape_cast %get3A_375 : vector<1x1x16xf32> to vector<16xf32>
        %add3A_377 = arith.addf %get3A_370, %get3A_376 : vector<16xf32>
        %get3A_378 = arith.constant 1 : i32
        %get3A_379 = arith.index_cast %get3A_378 : i32 to index
        %get3A_380 = arith.index_cast %add3A_320 : i32 to index
        %get3A_381 = arith.constant 32 : index
        %get3A_382 = tpu.vector_load %arg19[%get3A_379, %get3A_380, %get3A_381] {strides = array<i32>} : memref<2x80x128xf32, #tpu.memory_space<vmem>>, vector<1x1x16xf32>,
        %get3A_383 = vector.shape_cast %get3A_382 : vector<1x1x16xf32> to vector<16xf32>
        %add3A_384 = arith.addf %add3A_377, %get3A_383 : vector<16xf32>
        %add3A_385 = arith.addf %add3A_362, %add3A_384 : vector<16xf32>
        %mul3A_386 = arith.mulf %add3A_384, %add3A_384 : vector<16xf32>
        %add3A_387 = arith.addf %add3A_364, %mul3A_386 : vector<16xf32>
        %get3A_388 = arith.constant 1 : i32
        %get3A_389 = arith.index_cast %get3A_388 : i32 to index
        %get3A_390 = arith.index_cast %add3A_320 : i32 to index
        %get3A_391 = arith.constant 48 : index
        %get3A_392 = tpu.vector_load %arg17[%get3A_389, %get3A_390, %get3A_391] {strides = array<i32>} : memref<2x80x128xf32, #tpu.memory_space<vmem>>, vector<1x1x16xf32>,
        %get3A_393 = vector.shape_cast %get3A_392 : vector<1x1x16xf32> to vector<16xf32>
        %get3A_394 = arith.constant 1 : i32
        %get3A_395 = arith.index_cast %get3A_394 : i32 to index
        %get3A_396 = arith.index_cast %add3A_320 : i32 to index
        %get3A_397 = arith.constant 48 : index
        %get3A_398 = tpu.vector_load %arg18[%get3A_395, %get3A_396, %get3A_397] {strides = array<i32>} : memref<2x80x128xf32, #tpu.memory_space<vmem>>, vector<1x1x16xf32>,
        %get3A_399 = vector.shape_cast %get3A_398 : vector<1x1x16xf32> to vector<16xf32>
        %add3A_400 = arith.addf %get3A_393, %get3A_399 : vector<16xf32>
        %get3A_401 = arith.constant 1 : i32
        %get3A_402 = arith.index_cast %get3A_401 : i32 to index
        %get3A_403 = arith.index_cast %add3A_320 : i32 to index
        %get3A_404 = arith.constant 48 : index
        %get3A_405 = tpu.vector_load %arg19[%get3A_402, %get3A_403, %get3A_404] {strides = array<i32>} : memref<2x80x128xf32, #tpu.memory_space<vmem>>, vector<1x1x16xf32>,
        %get3A_406 = vector.shape_cast %get3A_405 : vector<1x1x16xf32> to vector<16xf32>
        %add3A_407 = arith.addf %add3A_400, %get3A_406 : vector<16xf32>
        %add3A_408 = arith.addf %add3A_385, %add3A_407 : vector<16xf32>
        %mul3A_409 = arith.mulf %add3A_407, %add3A_407 : vector<16xf32>
        %add3A_410 = arith.addf %add3A_387, %mul3A_409 : vector<16xf32>
        %get3A_411 = arith.constant 1 : i32
        %get3A_412 = arith.index_cast %get3A_411 : i32 to index
        %get3A_413 = arith.index_cast %add3A_320 : i32 to index
        %get3A_414 = arith.constant 64 : index
        %get3A_415 = tpu.vector_load %arg17[%get3A_412, %get3A_413, %get3A_414] {strides = array<i32>} : memref<2x80x128xf32, #tpu.memory_space<vmem>>, vector<1x1x16xf32>,
        %get3A_416 = vector.shape_cast %get3A_415 : vector<1x1x16xf32> to vector<16xf32>
        %get3A_417 = arith.constant 1 : i32
        %get3A_418 = arith.index_cast %get3A_417 : i32 to index
        %get3A_419 = arith.index_cast %add3A_320 : i32 to index
        %get3A_420 = arith.constant 64 : index
        %get3A_421 = tpu.vector_load %arg18[%get3A_418, %get3A_419, %get3A_420] {strides = array<i32>} : memref<2x80x128xf32, #tpu.memory_space<vmem>>, vector<1x1x16xf32>,
        %get3A_422 = vector.shape_cast %get3A_421 : vector<1x1x16xf32> to vector<16xf32>
        %add3A_423 = arith.addf %get3A_416, %get3A_422 : vector<16xf32>
        %get3A_424 = arith.constant 1 : i32
        %get3A_425 = arith.index_cast %get3A_424 : i32 to index
        %get3A_426 = arith.index_cast %add3A_320 : i32 to index
        %get3A_427 = arith.constant 64 : index
        %get3A_428 = tpu.vector_load %arg19[%get3A_425, %get3A_426, %get3A_427] {strides = array<i32>} : memref<2x80x128xf32, #tpu.memory_space<vmem>>, vector<1x1x16xf32>,
        %get3A_429 = vector.shape_cast %get3A_428 : vector<1x1x16xf32> to vector<16xf32>
        %add3A_430 = arith.addf %add3A_423, %get3A_429 : vector<16xf32>
        %add3A_431 = arith.addf %add3A_408, %add3A_430 : vector<16xf32>
        %mul3A_432 = arith.mulf %add3A_430, %add3A_430 : vector<16xf32>
        %add3A_433 = arith.addf %add3A_410, %mul3A_432 : vector<16xf32>
        %get3A_434 = arith.constant 1 : i32
        %get3A_435 = arith.index_cast %get3A_434 : i32 to index
        %get3A_436 = arith.index_cast %add3A_320 : i32 to index
        %get3A_437 = arith.constant 80 : index
        %get3A_438 = tpu.vector_load %arg17[%get3A_435, %get3A_436, %get3A_437] {strides = array<i32>} : memref<2x80x128xf32, #tpu.memory_space<vmem>>, vector<1x1x16xf32>,
        %get3A_439 = vector.shape_cast %get3A_438 : vector<1x1x16xf32> to vector<16xf32>
        %get3A_440 = arith.constant 1 : i32
        %get3A_441 = arith.index_cast %get3A_440 : i32 to index
        %get3A_442 = arith.index_cast %add3A_320 : i32 to index
        %get3A_443 = arith.constant 80 : index
        %get3A_444 = tpu.vector_load %arg18[%get3A_441, %get3A_442, %get3A_443] {strides = array<i32>} : memref<2x80x128xf32, #tpu.memory_space<vmem>>, vector<1x1x16xf32>,
        %get3A_445 = vector.shape_cast %get3A_444 : vector<1x1x16xf32> to vector<16xf32>
        %add3A_446 = arith.addf %get3A_439, %get3A_445 : vector<16xf32>
        %get3A_447 = arith.constant 1 : i32
        %get3A_448 = arith.index_cast %get3A_447 : i32 to index
        %get3A_449 = arith.index_cast %add3A_320 : i32 to index
        %get3A_450 = arith.constant 80 : index
        %get3A_451 = tpu.vector_load %arg19[%get3A_448, %get3A_449, %get3A_450] {strides = array<i32>} : memref<2x80x128xf32, #tpu.memory_space<vmem>>, vector<1x1x16xf32>,
        %get3A_452 = vector.shape_cast %get3A_451 : vector<1x1x16xf32> to vector<16xf32>
        %add3A_453 = arith.addf %add3A_446, %get3A_452 : vector<16xf32>
        %add3A_454 = arith.addf %add3A_431, %add3A_453 : vector<16xf32>
        %mul3A_455 = arith.mulf %add3A_453, %add3A_453 : vector<16xf32>
        %add3A_456 = arith.addf %add3A_433, %mul3A_455 : vector<16xf32>
        %get3A_457 = arith.constant 1 : i32
        %get3A_458 = arith.index_cast %get3A_457 : i32 to index
        %get3A_459 = arith.index_cast %add3A_320 : i32 to index
        %get3A_460 = arith.constant 96 : index
        %get3A_461 = tpu.vector_load %arg17[%get3A_458, %get3A_459, %get3A_460] {strides = array<i32>} : memref<2x80x128xf32, #tpu.memory_space<vmem>>, vector<1x1x16xf32>,
        %get3A_462 = vector.shape_cast %get3A_461 : vector<1x1x16xf32> to vector<16xf32>
        %get3A_463 = arith.constant 1 : i32
        %get3A_464 = arith.index_cast %get3A_463 : i32 to index
        %get3A_465 = arith.index_cast %add3A_320 : i32 to index
        %get3A_466 = arith.constant 96 : index
        %get3A_467 = tpu.vector_load %arg18[%get3A_464, %get3A_465, %get3A_466] {strides = array<i32>} : memref<2x80x128xf32, #tpu.memory_space<vmem>>, vector<1x1x16xf32>,
        %get3A_468 = vector.shape_cast %get3A_467 : vector<1x1x16xf32> to vector<16xf32>
        %add3A_469 = arith.addf %get3A_462, %get3A_468 : vector<16xf32>
        %get3A_470 = arith.constant 1 : i32
        %get3A_471 = arith.index_cast %get3A_470 : i32 to index
        %get3A_472 = arith.index_cast %add3A_320 : i32 to index
        %get3A_473 = arith.constant 96 : index
        %get3A_474 = tpu.vector_load %arg19[%get3A_471, %get3A_472, %get3A_473] {strides = array<i32>} : memref<2x80x128xf32, #tpu.memory_space<vmem>>, vector<1x1x16xf32>,
        %get3A_475 = vector.shape_cast %get3A_474 : vector<1x1x16xf32> to vector<16xf32>
        %add3A_476 = arith.addf %add3A_469, %get3A_475 : vector<16xf32>
        %add3A_477 = arith.addf %add3A_454, %add3A_476 : vector<16xf32>
        %mul3A_478 = arith.mulf %add3A_476, %add3A_476 : vector<16xf32>
        %add3A_479 = arith.addf %add3A_456, %mul3A_478 : vector<16xf32>
        %get3A_480 = arith.constant 1 : i32
        %get3A_481 = arith.index_cast %get3A_480 : i32 to index
        %get3A_482 = arith.index_cast %add3A_320 : i32 to index
        %get3A_483 = arith.constant 112 : index
        %get3A_484 = tpu.vector_load %arg17[%get3A_481, %get3A_482, %get3A_483] {strides = array<i32>} : memref<2x80x128xf32, #tpu.memory_space<vmem>>, vector<1x1x16xf32>,
        %get3A_485 = vector.shape_cast %get3A_484 : vector<1x1x16xf32> to vector<16xf32>
        %get3A_486 = arith.constant 1 : i32
        %get3A_487 = arith.index_cast %get3A_486 : i32 to index
        %get3A_488 = arith.index_cast %add3A_320 : i32 to index
        %get3A_489 = arith.constant 112 : index
        %get3A_490 = tpu.vector_load %arg18[%get3A_487, %get3A_488, %get3A_489] {strides = array<i32>} : memref<2x80x128xf32, #tpu.memory_space<vmem>>, vector<1x1x16xf32>,
        %get3A_491 = vector.shape_cast %get3A_490 : vector<1x1x16xf32> to vector<16xf32>
        %add3A_492 = arith.addf %get3A_485, %get3A_491 : vector<16xf32>
        %get3A_493 = arith.constant 1 : i32
        %get3A_494 = arith.index_cast %get3A_493 : i32 to index
        %get3A_495 = arith.index_cast %add3A_320 : i32 to index
        %get3A_496 = arith.constant 112 : index
        %get3A_497 = tpu.vector_load %arg19[%get3A_494, %get3A_495, %get3A_496] {strides = array<i32>} : memref<2x80x128xf32, #tpu.memory_space<vmem>>, vector<1x1x16xf32>,
        %get3A_498 = vector.shape_cast %get3A_497 : vector<1x1x16xf32> to vector<16xf32>
        %add3A_499 = arith.addf %add3A_492, %get3A_498 : vector<16xf32>
        %add3A_500 = arith.addf %add3A_477, %add3A_499 : vector<16xf32>
        %mul3A_501 = arith.mulf %add3A_499, %add3A_499 : vector<16xf32>
        %add3A_502 = arith.addf %add3A_479, %mul3A_501 : vector<16xf32>
        %broadcast_in_dim3A = vector.shape_cast %xor3A_65 : vector<16xi32> to vector<16x1xi32>
        %gather3A = vector.shape_cast %broadcast_in_dim3A : vector<16x1xi32> to vector<16xi32>
        %gather3A_503 = tpu.dynamic_gather %add3A_500[%gather3A] in [0] : vector<16xf32>, vector<16xi32> -> vector<16xf32>
        %add3A_504 = arith.addf %add3A_500, %gather3A_503 : vector<16xf32>
        %broadcast_in_dim3A_505 = vector.shape_cast %xor3A_68 : vector<16xi32> to vector<16x1xi32>
        %gather3A_506 = vector.shape_cast %broadcast_in_dim3A_505 : vector<16x1xi32> to vector<16xi32>
        %gather3A_507 = tpu.dynamic_gather %add3A_504[%gather3A_506] in [0] : vector<16xf32>, vector<16xi32> -> vector<16xf32>
        %add3A_508 = arith.addf %add3A_504, %gather3A_507 : vector<16xf32>
        %broadcast_in_dim3A_509 = vector.shape_cast %xor3A_71 : vector<16xi32> to vector<16x1xi32>
        %gather3A_510 = vector.shape_cast %broadcast_in_dim3A_509 : vector<16x1xi32> to vector<16xi32>
        %gather3A_511 = tpu.dynamic_gather %add3A_508[%gather3A_510] in [0] : vector<16xf32>, vector<16xi32> -> vector<16xf32>
        %add3A_512 = arith.addf %add3A_508, %gather3A_511 : vector<16xf32>
        %broadcast_in_dim3A_513 = vector.shape_cast %xor3A_74 : vector<16xi32> to vector<16x1xi32>
        %gather3A_514 = vector.shape_cast %broadcast_in_dim3A_513 : vector<16x1xi32> to vector<16xi32>
        %gather3A_515 = tpu.dynamic_gather %add3A_512[%gather3A_514] in [0] : vector<16xf32>, vector<16xi32> -> vector<16xf32>
        %add3A_516 = arith.addf %add3A_512, %gather3A_515 : vector<16xf32>
        %mul3A_517 = arith.constant 7.812500e-03 : f32
        %mul3A_518 = vector.broadcast %mul3A_517 : f32 to vector<16xf32>
        %mul3A_519 = arith.mulf %add3A_516, %mul3A_518 : vector<16xf32>
        %broadcast_in_dim3A_520 = vector.shape_cast %xor3A_65 : vector<16xi32> to vector<16x1xi32>
        %gather3A_521 = vector.shape_cast %broadcast_in_dim3A_520 : vector<16x1xi32> to vector<16xi32>
        %gather3A_522 = tpu.dynamic_gather %add3A_502[%gather3A_521] in [0] : vector<16xf32>, vector<16xi32> -> vector<16xf32>
        %add3A_523 = arith.addf %add3A_502, %gather3A_522 : vector<16xf32>
        %broadcast_in_dim3A_524 = vector.shape_cast %xor3A_68 : vector<16xi32> to vector<16x1xi32>
        %gather3A_525 = vector.shape_cast %broadcast_in_dim3A_524 : vector<16x1xi32> to vector<16xi32>
        %gather3A_526 = tpu.dynamic_gather %add3A_523[%gather3A_525] in [0] : vector<16xf32>, vector<16xi32> -> vector<16xf32>
        %add3A_527 = arith.addf %add3A_523, %gather3A_526 : vector<16xf32>
        %broadcast_in_dim3A_528 = vector.shape_cast %xor3A_71 : vector<16xi32> to vector<16x1xi32>
        %gather3A_529 = vector.shape_cast %broadcast_in_dim3A_528 : vector<16x1xi32> to vector<16xi32>
        %gather3A_530 = tpu.dynamic_gather %add3A_527[%gather3A_529] in [0] : vector<16xf32>, vector<16xi32> -> vector<16xf32>
        %add3A_531 = arith.addf %add3A_527, %gather3A_530 : vector<16xf32>
        %broadcast_in_dim3A_532 = vector.shape_cast %xor3A_74 : vector<16xi32> to vector<16x1xi32>
        %gather3A_533 = vector.shape_cast %broadcast_in_dim3A_532 : vector<16x1xi32> to vector<16xi32>
        %gather3A_534 = tpu.dynamic_gather %add3A_531[%gather3A_533] in [0] : vector<16xf32>, vector<16xi32> -> vector<16xf32>
        %add3A_535 = arith.addf %add3A_531, %gather3A_534 : vector<16xf32>
        %mul3A_536 = arith.constant 7.812500e-03 : f32
        %mul3A_537 = vector.broadcast %mul3A_536 : f32 to vector<16xf32>
        %mul3A_538 = arith.mulf %add3A_535, %mul3A_537 : vector<16xf32>
        %mul3A_539 = arith.mulf %mul3A_519, %mul3A_519 : vector<16xf32>
        %sub3A = arith.subf %mul3A_538, %mul3A_539 : vector<16xf32>
        %add3A_540 = arith.constant 9.99999997E-7 : f32
        %add3A_541 = vector.broadcast %add3A_540 : f32 to vector<16xf32>
        %add3A_542 = arith.addf %sub3A, %add3A_541 : vector<16xf32>
        %bitcast_convert_type3A = tpu.bitcast %add3A_542 : vector<16xf32> -> vector<16xi32>
        %shift_right_logical3A = arith.constant 1 : i32
        %shift_right_logical3A_543 = vector.broadcast %shift_right_logical3A : i32 to vector<16xi32>
        %shift_right_logical3A_544 = arith.shrui %bitcast_convert_type3A, %shift_right_logical3A_543 : vector<16xi32>
        %sub3A_545 = arith.constant 1597463174 : i32
        %sub3A_546 = vector.broadcast %sub3A_545 : i32 to vector<16xi32>
        %sub3A_547 = arith.subi %sub3A_546, %shift_right_logical3A_544 : vector<16xi32>
        %bitcast_convert_type3A_548 = tpu.bitcast %sub3A_547 : vector<16xi32> -> vector<16xf32>
        %mul3A_549 = arith.constant 5.000000e-01 : f32
        %mul3A_550 = vector.broadcast %mul3A_549 : f32 to vector<16xf32>
        %mul3A_551 = arith.mulf %mul3A_550, %add3A_542 : vector<16xf32>
        %mul3A_552 = arith.mulf %mul3A_551, %bitcast_convert_type3A_548 : vector<16xf32>
        %mul3A_553 = arith.mulf %mul3A_552, %bitcast_convert_type3A_548 : vector<16xf32>
        %sub3A_554 = arith.constant 1.500000e+00 : f32
        %sub3A_555 = vector.broadcast %sub3A_554 : f32 to vector<16xf32>
        %sub3A_556 = arith.subf %sub3A_555, %mul3A_553 : vector<16xf32>
        %mul3A_557 = arith.mulf %bitcast_convert_type3A_548, %sub3A_556 : vector<16xf32>
        %mul3A_558 = arith.constant 5.000000e-01 : f32
        %mul3A_559 = vector.broadcast %mul3A_558 : f32 to vector<16xf32>
        %mul3A_560 = arith.mulf %mul3A_559, %add3A_542 : vector<16xf32>
        %mul3A_561 = arith.mulf %mul3A_560, %mul3A_557 : vector<16xf32>
        %mul3A_562 = arith.mulf %mul3A_561, %mul3A_557 : vector<16xf32>
        %sub3A_563 = arith.constant 1.500000e+00 : f32
        %sub3A_564 = vector.broadcast %sub3A_563 : f32 to vector<16xf32>
        %sub3A_565 = arith.subf %sub3A_564, %mul3A_562 : vector<16xf32>
        %mul3A_566 = arith.mulf %mul3A_557, %sub3A_565 : vector<16xf32>
        %sub3A_567 = arith.subf %add3A_340, %mul3A_519 : vector<16xf32>
        %mul3A_568 = arith.mulf %sub3A_567, %mul3A_566 : vector<16xf32>
        %mul3A_569 = arith.mulf %mul3A_568, %get3A_18 : vector<16xf32>
        %add3A_570 = arith.addf %mul3A_569, %get3A_42 : vector<16xf32>
        %swap3A = arith.constant 1 : i32
        %swap3A_571 = arith.index_cast %swap3A : i32 to index
        %swap3A_572 = arith.index_cast %add3A_320 : i32 to index
        %swap3A_573 = arith.constant 0 : index
        %swap3A_574 = tpu.vector_load %arg20[%swap3A_571, %swap3A_572, %swap3A_573] {strides = array<i32>} : memref<2x80x128xf32, #tpu.memory_space<vmem>>, vector<1x1x16xf32>,
        %swap3A_575 = vector.shape_cast %swap3A_574 : vector<1x1x16xf32> to vector<16xf32>
        %swap3A_576 = vector.shape_cast %add3A_570 : vector<16xf32> to vector<1x1x16xf32>
        tpu.vector_store %arg20[%swap3A_571, %swap3A_572, %swap3A_573], %swap3A_576 {strides = array<i32>} : memref<2x80x128xf32, #tpu.memory_space<vmem>>, vector<1x1x16xf32>,
        %sub3A_577 = arith.subf %add3A_361, %mul3A_519 : vector<16xf32>
        %mul3A_578 = arith.mulf %sub3A_577, %mul3A_566 : vector<16xf32>
        %mul3A_579 = arith.mulf %mul3A_578, %get3A_21 : vector<16xf32>
        %add3A_580 = arith.addf %mul3A_579, %get3A_45 : vector<16xf32>
        %swap3A_581 = arith.constant 1 : i32
        %swap3A_582 = arith.index_cast %swap3A_581 : i32 to index
        %swap3A_583 = arith.index_cast %add3A_320 : i32 to index
        %swap3A_584 = arith.constant 16 : index
        %swap3A_585 = tpu.vector_load %arg20[%swap3A_582, %swap3A_583, %swap3A_584] {strides = array<i32>} : memref<2x80x128xf32, #tpu.memory_space<vmem>>, vector<1x1x16xf32>,
        %swap3A_586 = vector.shape_cast %swap3A_585 : vector<1x1x16xf32> to vector<16xf32>
        %swap3A_587 = vector.shape_cast %add3A_580 : vector<16xf32> to vector<1x1x16xf32>
        tpu.vector_store %arg20[%swap3A_582, %swap3A_583, %swap3A_584], %swap3A_587 {strides = array<i32>} : memref<2x80x128xf32, #tpu.memory_space<vmem>>, vector<1x1x16xf32>,
        %sub3A_588 = arith.subf %add3A_384, %mul3A_519 : vector<16xf32>
        %mul3A_589 = arith.mulf %sub3A_588, %mul3A_566 : vector<16xf32>
        %mul3A_590 = arith.mulf %mul3A_589, %get3A_24 : vector<16xf32>
        %add3A_591 = arith.addf %mul3A_590, %get3A_48 : vector<16xf32>
        %swap3A_592 = arith.constant 1 : i32
        %swap3A_593 = arith.index_cast %swap3A_592 : i32 to index
        %swap3A_594 = arith.index_cast %add3A_320 : i32 to index
        %swap3A_595 = arith.constant 32 : index
        %swap3A_596 = tpu.vector_load %arg20[%swap3A_593, %swap3A_594, %swap3A_595] {strides = array<i32>} : memref<2x80x128xf32, #tpu.memory_space<vmem>>, vector<1x1x16xf32>,
        %swap3A_597 = vector.shape_cast %swap3A_596 : vector<1x1x16xf32> to vector<16xf32>
        %swap3A_598 = vector.shape_cast %add3A_591 : vector<16xf32> to vector<1x1x16xf32>
        tpu.vector_store %arg20[%swap3A_593, %swap3A_594, %swap3A_595], %swap3A_598 {strides = array<i32>} : memref<2x80x128xf32, #tpu.memory_space<vmem>>, vector<1x1x16xf32>,
        %sub3A_599 = arith.subf %add3A_407, %mul3A_519 : vector<16xf32>
        %mul3A_600 = arith.mulf %sub3A_599, %mul3A_566 : vector<16xf32>
        %mul3A_601 = arith.mulf %mul3A_600, %get3A_27 : vector<16xf32>
        %add3A_602 = arith.addf %mul3A_601, %get3A_51 : vector<16xf32>
        %swap3A_603 = arith.constant 1 : i32
        %swap3A_604 = arith.index_cast %swap3A_603 : i32 to index
        %swap3A_605 = arith.index_cast %add3A_320 : i32 to index
        %swap3A_606 = arith.constant 48 : index
        %swap3A_607 = tpu.vector_load %arg20[%swap3A_604, %swap3A_605, %swap3A_606] {strides = array<i32>} : memref<2x80x128xf32, #tpu.memory_space<vmem>>, vector<1x1x16xf32>,
        %swap3A_608 = vector.shape_cast %swap3A_607 : vector<1x1x16xf32> to vector<16xf32>
        %swap3A_609 = vector.shape_cast %add3A_602 : vector<16xf32> to vector<1x1x16xf32>
        tpu.vector_store %arg20[%swap3A_604, %swap3A_605, %swap3A_606], %swap3A_609 {strides = array<i32>} : memref<2x80x128xf32, #tpu.memory_space<vmem>>, vector<1x1x16xf32>,
        %sub3A_610 = arith.subf %add3A_430, %mul3A_519 : vector<16xf32>
        %mul3A_611 = arith.mulf %sub3A_610, %mul3A_566 : vector<16xf32>
        %mul3A_612 = arith.mulf %mul3A_611, %get3A_30 : vector<16xf32>
        %add3A_613 = arith.addf %mul3A_612, %get3A_54 : vector<16xf32>
        %swap3A_614 = arith.constant 1 : i32
        %swap3A_615 = arith.index_cast %swap3A_614 : i32 to index
        %swap3A_616 = arith.index_cast %add3A_320 : i32 to index
        %swap3A_617 = arith.constant 64 : index
        %swap3A_618 = tpu.vector_load %arg20[%swap3A_615, %swap3A_616, %swap3A_617] {strides = array<i32>} : memref<2x80x128xf32, #tpu.memory_space<vmem>>, vector<1x1x16xf32>,
        %swap3A_619 = vector.shape_cast %swap3A_618 : vector<1x1x16xf32> to vector<16xf32>
        %swap3A_620 = vector.shape_cast %add3A_613 : vector<16xf32> to vector<1x1x16xf32>
        tpu.vector_store %arg20[%swap3A_615, %swap3A_616, %swap3A_617], %swap3A_620 {strides = array<i32>} : memref<2x80x128xf32, #tpu.memory_space<vmem>>, vector<1x1x16xf32>,
        %sub3A_621 = arith.subf %add3A_453, %mul3A_519 : vector<16xf32>
        %mul3A_622 = arith.mulf %sub3A_621, %mul3A_566 : vector<16xf32>
        %mul3A_623 = arith.mulf %mul3A_622, %get3A_33 : vector<16xf32>
        %add3A_624 = arith.addf %mul3A_623, %get3A_57 : vector<16xf32>
        %swap3A_625 = arith.constant 1 : i32
        %swap3A_626 = arith.index_cast %swap3A_625 : i32 to index
        %swap3A_627 = arith.index_cast %add3A_320 : i32 to index
        %swap3A_628 = arith.constant 80 : index
        %swap3A_629 = tpu.vector_load %arg20[%swap3A_626, %swap3A_627, %swap3A_628] {strides = array<i32>} : memref<2x80x128xf32, #tpu.memory_space<vmem>>, vector<1x1x16xf32>,
        %swap3A_630 = vector.shape_cast %swap3A_629 : vector<1x1x16xf32> to vector<16xf32>
        %swap3A_631 = vector.shape_cast %add3A_624 : vector<16xf32> to vector<1x1x16xf32>
        tpu.vector_store %arg20[%swap3A_626, %swap3A_627, %swap3A_628], %swap3A_631 {strides = array<i32>} : memref<2x80x128xf32, #tpu.memory_space<vmem>>, vector<1x1x16xf32>,
        %sub3A_632 = arith.subf %add3A_476, %mul3A_519 : vector<16xf32>
        %mul3A_633 = arith.mulf %sub3A_632, %mul3A_566 : vector<16xf32>
        %mul3A_634 = arith.mulf %mul3A_633, %get3A_36 : vector<16xf32>
        %add3A_635 = arith.addf %mul3A_634, %get3A_60 : vector<16xf32>
        %swap3A_636 = arith.constant 1 : i32
        %swap3A_637 = arith.index_cast %swap3A_636 : i32 to index
        %swap3A_638 = arith.index_cast %add3A_320 : i32 to index
        %swap3A_639 = arith.constant 96 : index
        %swap3A_640 = tpu.vector_load %arg20[%swap3A_637, %swap3A_638, %swap3A_639] {strides = array<i32>} : memref<2x80x128xf32, #tpu.memory_space<vmem>>, vector<1x1x16xf32>,
        %swap3A_641 = vector.shape_cast %swap3A_640 : vector<1x1x16xf32> to vector<16xf32>
        %swap3A_642 = vector.shape_cast %add3A_635 : vector<16xf32> to vector<1x1x16xf32>
        tpu.vector_store %arg20[%swap3A_637, %swap3A_638, %swap3A_639], %swap3A_642 {strides = array<i32>} : memref<2x80x128xf32, #tpu.memory_space<vmem>>, vector<1x1x16xf32>,
        %sub3A_643 = arith.subf %add3A_499, %mul3A_519 : vector<16xf32>
        %mul3A_644 = arith.mulf %sub3A_643, %mul3A_566 : vector<16xf32>
        %mul3A_645 = arith.mulf %mul3A_644, %get3A_39 : vector<16xf32>
        %add3A_646 = arith.addf %mul3A_645, %get3A_63 : vector<16xf32>
        %swap3A_647 = arith.constant 1 : i32
        %swap3A_648 = arith.index_cast %swap3A_647 : i32 to index
        %swap3A_649 = arith.index_cast %add3A_320 : i32 to index
        %swap3A_650 = arith.constant 112 : index
        %swap3A_651 = tpu.vector_load %arg20[%swap3A_648, %swap3A_649, %swap3A_650] {strides = array<i32>} : memref<2x80x128xf32, #tpu.memory_space<vmem>>, vector<1x1x16xf32>,
        %swap3A_652 = vector.shape_cast %swap3A_651 : vector<1x1x16xf32> to vector<16xf32>
        %swap3A_653 = vector.shape_cast %add3A_646 : vector<16xf32> to vector<1x1x16xf32>
        tpu.vector_store %arg20[%swap3A_648, %swap3A_649, %swap3A_650], %swap3A_653 {strides = array<i32>} : memref<2x80x128xf32, #tpu.memory_space<vmem>>, vector<1x1x16xf32>,
        %mul3A_654 = arith.constant 2 : i32
        %mul3A_655 = arith.muli %scan3A_316, %mul3A_654 : i32
        %add3A_656 = arith.constant 1 : i32
        %add3A_657 = arith.addi %mul3A_655, %add3A_656 : i32
        %get3A_658 = arith.constant 1 : i32
        %get3A_659 = arith.index_cast %get3A_658 : i32 to index
        %get3A_660 = arith.index_cast %add3A_657 : i32 to index
        %get3A_661 = arith.constant 0 : index
        %get3A_662 = tpu.vector_load %arg17[%get3A_659, %get3A_660, %get3A_661] {strides = array<i32>} : memref<2x80x128xf32, #tpu.memory_space<vmem>>, vector<1x1x16xf32>,
        %get3A_663 = vector.shape_cast %get3A_662 : vector<1x1x16xf32> to vector<16xf32>
        %get3A_664 = arith.constant 1 : i32
        %get3A_665 = arith.index_cast %get3A_664 : i32 to index
        %get3A_666 = arith.index_cast %add3A_657 : i32 to index
        %get3A_667 = arith.constant 0 : index
        %get3A_668 = tpu.vector_load %arg18[%get3A_665, %get3A_666, %get3A_667] {strides = array<i32>} : memref<2x80x128xf32, #tpu.memory_space<vmem>>, vector<1x1x16xf32>,
        %get3A_669 = vector.shape_cast %get3A_668 : vector<1x1x16xf32> to vector<16xf32>
        %add3A_670 = arith.addf %get3A_663, %get3A_669 : vector<16xf32>
        %get3A_671 = arith.constant 1 : i32
        %get3A_672 = arith.index_cast %get3A_671 : i32 to index
        %get3A_673 = arith.index_cast %add3A_657 : i32 to index
        %get3A_674 = arith.constant 0 : index
        %get3A_675 = tpu.vector_load %arg19[%get3A_672, %get3A_673, %get3A_674] {strides = array<i32>} : memref<2x80x128xf32, #tpu.memory_space<vmem>>, vector<1x1x16xf32>,
        %get3A_676 = vector.shape_cast %get3A_675 : vector<1x1x16xf32> to vector<16xf32>
        %add3A_677 = arith.addf %add3A_670, %get3A_676 : vector<16xf32>
        %mul3A_678 = arith.mulf %add3A_677, %add3A_677 : vector<16xf32>
        %get3A_679 = arith.constant 1 : i32
        %get3A_680 = arith.index_cast %get3A_679 : i32 to index
        %get3A_681 = arith.index_cast %add3A_657 : i32 to index
        %get3A_682 = arith.constant 16 : index
        %get3A_683 = tpu.vector_load %arg17[%get3A_680, %get3A_681, %get3A_682] {strides = array<i32>} : memref<2x80x128xf32, #tpu.memory_space<vmem>>, vector<1x1x16xf32>,
        %get3A_684 = vector.shape_cast %get3A_683 : vector<1x1x16xf32> to vector<16xf32>
        %get3A_685 = arith.constant 1 : i32
        %get3A_686 = arith.index_cast %get3A_685 : i32 to index
        %get3A_687 = arith.index_cast %add3A_657 : i32 to index
        %get3A_688 = arith.constant 16 : index
        %get3A_689 = tpu.vector_load %arg18[%get3A_686, %get3A_687, %get3A_688] {strides = array<i32>} : memref<2x80x128xf32, #tpu.memory_space<vmem>>, vector<1x1x16xf32>,
        %get3A_690 = vector.shape_cast %get3A_689 : vector<1x1x16xf32> to vector<16xf32>
        %add3A_691 = arith.addf %get3A_684, %get3A_690 : vector<16xf32>
        %get3A_692 = arith.constant 1 : i32
        %get3A_693 = arith.index_cast %get3A_692 : i32 to index
        %get3A_694 = arith.index_cast %add3A_657 : i32 to index
        %get3A_695 = arith.constant 16 : index
        %get3A_696 = tpu.vector_load %arg19[%get3A_693, %get3A_694, %get3A_695] {strides = array<i32>} : memref<2x80x128xf32, #tpu.memory_space<vmem>>, vector<1x1x16xf32>,
        %get3A_697 = vector.shape_cast %get3A_696 : vector<1x1x16xf32> to vector<16xf32>
        %add3A_698 = arith.addf %add3A_691, %get3A_697 : vector<16xf32>
        %add3A_699 = arith.addf %add3A_677, %add3A_698 : vector<16xf32>
        %mul3A_700 = arith.mulf %add3A_698, %add3A_698 : vector<16xf32>
        %add3A_701 = arith.addf %mul3A_678, %mul3A_700 : vector<16xf32>
        %get3A_702 = arith.constant 1 : i32
        %get3A_703 = arith.index_cast %get3A_702 : i32 to index
        %get3A_704 = arith.index_cast %add3A_657 : i32 to index
        %get3A_705 = arith.constant 32 : index
        %get3A_706 = tpu.vector_load %arg17[%get3A_703, %get3A_704, %get3A_705] {strides = array<i32>} : memref<2x80x128xf32, #tpu.memory_space<vmem>>, vector<1x1x16xf32>,
        %get3A_707 = vector.shape_cast %get3A_706 : vector<1x1x16xf32> to vector<16xf32>
        %get3A_708 = arith.constant 1 : i32
        %get3A_709 = arith.index_cast %get3A_708 : i32 to index
        %get3A_710 = arith.index_cast %add3A_657 : i32 to index
        %get3A_711 = arith.constant 32 : index
        %get3A_712 = tpu.vector_load %arg18[%get3A_709, %get3A_710, %get3A_711] {strides = array<i32>} : memref<2x80x128xf32, #tpu.memory_space<vmem>>, vector<1x1x16xf32>,
        %get3A_713 = vector.shape_cast %get3A_712 : vector<1x1x16xf32> to vector<16xf32>
        %add3A_714 = arith.addf %get3A_707, %get3A_713 : vector<16xf32>
        %get3A_715 = arith.constant 1 : i32
        %get3A_716 = arith.index_cast %get3A_715 : i32 to index
        %get3A_717 = arith.index_cast %add3A_657 : i32 to index
        %get3A_718 = arith.constant 32 : index
        %get3A_719 = tpu.vector_load %arg19[%get3A_716, %get3A_717, %get3A_718] {strides = array<i32>} : memref<2x80x128xf32, #tpu.memory_space<vmem>>, vector<1x1x16xf32>,
        %get3A_720 = vector.shape_cast %get3A_719 : vector<1x1x16xf32> to vector<16xf32>
        %add3A_721 = arith.addf %add3A_714, %get3A_720 : vector<16xf32>
        %add3A_722 = arith.addf %add3A_699, %add3A_721 : vector<16xf32>
        %mul3A_723 = arith.mulf %add3A_721, %add3A_721 : vector<16xf32>
        %add3A_724 = arith.addf %add3A_701, %mul3A_723 : vector<16xf32>
        %get3A_725 = arith.constant 1 : i32
        %get3A_726 = arith.index_cast %get3A_725 : i32 to index
        %get3A_727 = arith.index_cast %add3A_657 : i32 to index
        %get3A_728 = arith.constant 48 : index
        %get3A_729 = tpu.vector_load %arg17[%get3A_726, %get3A_727, %get3A_728] {strides = array<i32>} : memref<2x80x128xf32, #tpu.memory_space<vmem>>, vector<1x1x16xf32>,
        %get3A_730 = vector.shape_cast %get3A_729 : vector<1x1x16xf32> to vector<16xf32>
        %get3A_731 = arith.constant 1 : i32
        %get3A_732 = arith.index_cast %get3A_731 : i32 to index
        %get3A_733 = arith.index_cast %add3A_657 : i32 to index
        %get3A_734 = arith.constant 48 : index
        %get3A_735 = tpu.vector_load %arg18[%get3A_732, %get3A_733, %get3A_734] {strides = array<i32>} : memref<2x80x128xf32, #tpu.memory_space<vmem>>, vector<1x1x16xf32>,
        %get3A_736 = vector.shape_cast %get3A_735 : vector<1x1x16xf32> to vector<16xf32>
        %add3A_737 = arith.addf %get3A_730, %get3A_736 : vector<16xf32>
        %get3A_738 = arith.constant 1 : i32
        %get3A_739 = arith.index_cast %get3A_738 : i32 to index
        %get3A_740 = arith.index_cast %add3A_657 : i32 to index
        %get3A_741 = arith.constant 48 : index
        %get3A_742 = tpu.vector_load %arg19[%get3A_739, %get3A_740, %get3A_741] {strides = array<i32>} : memref<2x80x128xf32, #tpu.memory_space<vmem>>, vector<1x1x16xf32>,
        %get3A_743 = vector.shape_cast %get3A_742 : vector<1x1x16xf32> to vector<16xf32>
        %add3A_744 = arith.addf %add3A_737, %get3A_743 : vector<16xf32>
        %add3A_745 = arith.addf %add3A_722, %add3A_744 : vector<16xf32>
        %mul3A_746 = arith.mulf %add3A_744, %add3A_744 : vector<16xf32>
        %add3A_747 = arith.addf %add3A_724, %mul3A_746 : vector<16xf32>
        %get3A_748 = arith.constant 1 : i32
        %get3A_749 = arith.index_cast %get3A_748 : i32 to index
        %get3A_750 = arith.index_cast %add3A_657 : i32 to index
        %get3A_751 = arith.constant 64 : index
        %get3A_752 = tpu.vector_load %arg17[%get3A_749, %get3A_750, %get3A_751] {strides = array<i32>} : memref<2x80x128xf32, #tpu.memory_space<vmem>>, vector<1x1x16xf32>,
        %get3A_753 = vector.shape_cast %get3A_752 : vector<1x1x16xf32> to vector<16xf32>
        %get3A_754 = arith.constant 1 : i32
        %get3A_755 = arith.index_cast %get3A_754 : i32 to index
        %get3A_756 = arith.index_cast %add3A_657 : i32 to index
        %get3A_757 = arith.constant 64 : index
        %get3A_758 = tpu.vector_load %arg18[%get3A_755, %get3A_756, %get3A_757] {strides = array<i32>} : memref<2x80x128xf32, #tpu.memory_space<vmem>>, vector<1x1x16xf32>,
        %get3A_759 = vector.shape_cast %get3A_758 : vector<1x1x16xf32> to vector<16xf32>
        %add3A_760 = arith.addf %get3A_753, %get3A_759 : vector<16xf32>
        %get3A_761 = arith.constant 1 : i32
        %get3A_762 = arith.index_cast %get3A_761 : i32 to index
        %get3A_763 = arith.index_cast %add3A_657 : i32 to index
        %get3A_764 = arith.constant 64 : index
        %get3A_765 = tpu.vector_load %arg19[%get3A_762, %get3A_763, %get3A_764] {strides = array<i32>} : memref<2x80x128xf32, #tpu.memory_space<vmem>>, vector<1x1x16xf32>,
        %get3A_766 = vector.shape_cast %get3A_765 : vector<1x1x16xf32> to vector<16xf32>
        %add3A_767 = arith.addf %add3A_760, %get3A_766 : vector<16xf32>
        %add3A_768 = arith.addf %add3A_745, %add3A_767 : vector<16xf32>
        %mul3A_769 = arith.mulf %add3A_767, %add3A_767 : vector<16xf32>
        %add3A_770 = arith.addf %add3A_747, %mul3A_769 : vector<16xf32>
        %get3A_771 = arith.constant 1 : i32
        %get3A_772 = arith.index_cast %get3A_771 : i32 to index
        %get3A_773 = arith.index_cast %add3A_657 : i32 to index
        %get3A_774 = arith.constant 80 : index
        %get3A_775 = tpu.vector_load %arg17[%get3A_772, %get3A_773, %get3A_774] {strides = array<i32>} : memref<2x80x128xf32, #tpu.memory_space<vmem>>, vector<1x1x16xf32>,
        %get3A_776 = vector.shape_cast %get3A_775 : vector<1x1x16xf32> to vector<16xf32>
        %get3A_777 = arith.constant 1 : i32
        %get3A_778 = arith.index_cast %get3A_777 : i32 to index
        %get3A_779 = arith.index_cast %add3A_657 : i32 to index
        %get3A_780 = arith.constant 80 : index
        %get3A_781 = tpu.vector_load %arg18[%get3A_778, %get3A_779, %get3A_780] {strides = array<i32>} : memref<2x80x128xf32, #tpu.memory_space<vmem>>, vector<1x1x16xf32>,
        %get3A_782 = vector.shape_cast %get3A_781 : vector<1x1x16xf32> to vector<16xf32>
        %add3A_783 = arith.addf %get3A_776, %get3A_782 : vector<16xf32>
        %get3A_784 = arith.constant 1 : i32
        %get3A_785 = arith.index_cast %get3A_784 : i32 to index
        %get3A_786 = arith.index_cast %add3A_657 : i32 to index
        %get3A_787 = arith.constant 80 : index
        %get3A_788 = tpu.vector_load %arg19[%get3A_785, %get3A_786, %get3A_787] {strides = array<i32>} : memref<2x80x128xf32, #tpu.memory_space<vmem>>, vector<1x1x16xf32>,
        %get3A_789 = vector.shape_cast %get3A_788 : vector<1x1x16xf32> to vector<16xf32>
        %add3A_790 = arith.addf %add3A_783, %get3A_789 : vector<16xf32>
        %add3A_791 = arith.addf %add3A_768, %add3A_790 : vector<16xf32>
        %mul3A_792 = arith.mulf %add3A_790, %add3A_790 : vector<16xf32>
        %add3A_793 = arith.addf %add3A_770, %mul3A_792 : vector<16xf32>
        %get3A_794 = arith.constant 1 : i32
        %get3A_795 = arith.index_cast %get3A_794 : i32 to index
        %get3A_796 = arith.index_cast %add3A_657 : i32 to index
        %get3A_797 = arith.constant 96 : index
        %get3A_798 = tpu.vector_load %arg17[%get3A_795, %get3A_796, %get3A_797] {strides = array<i32>} : memref<2x80x128xf32, #tpu.memory_space<vmem>>, vector<1x1x16xf32>,
        %get3A_799 = vector.shape_cast %get3A_798 : vector<1x1x16xf32> to vector<16xf32>
        %get3A_800 = arith.constant 1 : i32
        %get3A_801 = arith.index_cast %get3A_800 : i32 to index
        %get3A_802 = arith.index_cast %add3A_657 : i32 to index
        %get3A_803 = arith.constant 96 : index
        %get3A_804 = tpu.vector_load %arg18[%get3A_801, %get3A_802, %get3A_803] {strides = array<i32>} : memref<2x80x128xf32, #tpu.memory_space<vmem>>, vector<1x1x16xf32>,
        %get3A_805 = vector.shape_cast %get3A_804 : vector<1x1x16xf32> to vector<16xf32>
        %add3A_806 = arith.addf %get3A_799, %get3A_805 : vector<16xf32>
        %get3A_807 = arith.constant 1 : i32
        %get3A_808 = arith.index_cast %get3A_807 : i32 to index
        %get3A_809 = arith.index_cast %add3A_657 : i32 to index
        %get3A_810 = arith.constant 96 : index
        %get3A_811 = tpu.vector_load %arg19[%get3A_808, %get3A_809, %get3A_810] {strides = array<i32>} : memref<2x80x128xf32, #tpu.memory_space<vmem>>, vector<1x1x16xf32>,
        %get3A_812 = vector.shape_cast %get3A_811 : vector<1x1x16xf32> to vector<16xf32>
        %add3A_813 = arith.addf %add3A_806, %get3A_812 : vector<16xf32>
        %add3A_814 = arith.addf %add3A_791, %add3A_813 : vector<16xf32>
        %mul3A_815 = arith.mulf %add3A_813, %add3A_813 : vector<16xf32>
        %add3A_816 = arith.addf %add3A_793, %mul3A_815 : vector<16xf32>
        %get3A_817 = arith.constant 1 : i32
        %get3A_818 = arith.index_cast %get3A_817 : i32 to index
        %get3A_819 = arith.index_cast %add3A_657 : i32 to index
        %get3A_820 = arith.constant 112 : index
        %get3A_821 = tpu.vector_load %arg17[%get3A_818, %get3A_819, %get3A_820] {strides = array<i32>} : memref<2x80x128xf32, #tpu.memory_space<vmem>>, vector<1x1x16xf32>,
        %get3A_822 = vector.shape_cast %get3A_821 : vector<1x1x16xf32> to vector<16xf32>
        %get3A_823 = arith.constant 1 : i32
        %get3A_824 = arith.index_cast %get3A_823 : i32 to index
        %get3A_825 = arith.index_cast %add3A_657 : i32 to index
        %get3A_826 = arith.constant 112 : index
        %get3A_827 = tpu.vector_load %arg18[%get3A_824, %get3A_825, %get3A_826] {strides = array<i32>} : memref<2x80x128xf32, #tpu.memory_space<vmem>>, vector<1x1x16xf32>,
        %get3A_828 = vector.shape_cast %get3A_827 : vector<1x1x16xf32> to vector<16xf32>
        %add3A_829 = arith.addf %get3A_822, %get3A_828 : vector<16xf32>
        %get3A_830 = arith.constant 1 : i32
        %get3A_831 = arith.index_cast %get3A_830 : i32 to index
        %get3A_832 = arith.index_cast %add3A_657 : i32 to index
        %get3A_833 = arith.constant 112 : index
        %get3A_834 = tpu.vector_load %arg19[%get3A_831, %get3A_832, %get3A_833] {strides = array<i32>} : memref<2x80x128xf32, #tpu.memory_space<vmem>>, vector<1x1x16xf32>,
        %get3A_835 = vector.shape_cast %get3A_834 : vector<1x1x16xf32> to vector<16xf32>
        %add3A_836 = arith.addf %add3A_829, %get3A_835 : vector<16xf32>
        %add3A_837 = arith.addf %add3A_814, %add3A_836 : vector<16xf32>
        %mul3A_838 = arith.mulf %add3A_836, %add3A_836 : vector<16xf32>
        %add3A_839 = arith.addf %add3A_816, %mul3A_838 : vector<16xf32>
        %broadcast_in_dim3A_840 = vector.shape_cast %xor3A_65 : vector<16xi32> to vector<16x1xi32>
        %gather3A_841 = vector.shape_cast %broadcast_in_dim3A_840 : vector<16x1xi32> to vector<16xi32>
        %gather3A_842 = tpu.dynamic_gather %add3A_837[%gather3A_841] in [0] : vector<16xf32>, vector<16xi32> -> vector<16xf32>
        %add3A_843 = arith.addf %add3A_837, %gather3A_842 : vector<16xf32>
        %broadcast_in_dim3A_844 = vector.shape_cast %xor3A_68 : vector<16xi32> to vector<16x1xi32>
        %gather3A_845 = vector.shape_cast %broadcast_in_dim3A_844 : vector<16x1xi32> to vector<16xi32>
        %gather3A_846 = tpu.dynamic_gather %add3A_843[%gather3A_845] in [0] : vector<16xf32>, vector<16xi32> -> vector<16xf32>
        %add3A_847 = arith.addf %add3A_843, %gather3A_846 : vector<16xf32>
        %broadcast_in_dim3A_848 = vector.shape_cast %xor3A_71 : vector<16xi32> to vector<16x1xi32>
        %gather3A_849 = vector.shape_cast %broadcast_in_dim3A_848 : vector<16x1xi32> to vector<16xi32>
        %gather3A_850 = tpu.dynamic_gather %add3A_847[%gather3A_849] in [0] : vector<16xf32>, vector<16xi32> -> vector<16xf32>
        %add3A_851 = arith.addf %add3A_847, %gather3A_850 : vector<16xf32>
        %broadcast_in_dim3A_852 = vector.shape_cast %xor3A_74 : vector<16xi32> to vector<16x1xi32>
        %gather3A_853 = vector.shape_cast %broadcast_in_dim3A_852 : vector<16x1xi32> to vector<16xi32>
        %gather3A_854 = tpu.dynamic_gather %add3A_851[%gather3A_853] in [0] : vector<16xf32>, vector<16xi32> -> vector<16xf32>
        %add3A_855 = arith.addf %add3A_851, %gather3A_854 : vector<16xf32>
        %mul3A_856 = arith.constant 7.812500e-03 : f32
        %mul3A_857 = vector.broadcast %mul3A_856 : f32 to vector<16xf32>
        %mul3A_858 = arith.mulf %add3A_855, %mul3A_857 : vector<16xf32>
        %broadcast_in_dim3A_859 = vector.shape_cast %xor3A_65 : vector<16xi32> to vector<16x1xi32>
        %gather3A_860 = vector.shape_cast %broadcast_in_dim3A_859 : vector<16x1xi32> to vector<16xi32>
        %gather3A_861 = tpu.dynamic_gather %add3A_839[%gather3A_860] in [0] : vector<16xf32>, vector<16xi32> -> vector<16xf32>
        %add3A_862 = arith.addf %add3A_839, %gather3A_861 : vector<16xf32>
        %broadcast_in_dim3A_863 = vector.shape_cast %xor3A_68 : vector<16xi32> to vector<16x1xi32>
        %gather3A_864 = vector.shape_cast %broadcast_in_dim3A_863 : vector<16x1xi32> to vector<16xi32>
        %gather3A_865 = tpu.dynamic_gather %add3A_862[%gather3A_864] in [0] : vector<16xf32>, vector<16xi32> -> vector<16xf32>
        %add3A_866 = arith.addf %add3A_862, %gather3A_865 : vector<16xf32>
        %broadcast_in_dim3A_867 = vector.shape_cast %xor3A_71 : vector<16xi32> to vector<16x1xi32>
        %gather3A_868 = vector.shape_cast %broadcast_in_dim3A_867 : vector<16x1xi32> to vector<16xi32>
        %gather3A_869 = tpu.dynamic_gather %add3A_866[%gather3A_868] in [0] : vector<16xf32>, vector<16xi32> -> vector<16xf32>
        %add3A_870 = arith.addf %add3A_866, %gather3A_869 : vector<16xf32>
        %broadcast_in_dim3A_871 = vector.shape_cast %xor3A_74 : vector<16xi32> to vector<16x1xi32>
        %gather3A_872 = vector.shape_cast %broadcast_in_dim3A_871 : vector<16x1xi32> to vector<16xi32>
        %gather3A_873 = tpu.dynamic_gather %add3A_870[%gather3A_872] in [0] : vector<16xf32>, vector<16xi32> -> vector<16xf32>
        %add3A_874 = arith.addf %add3A_870, %gather3A_873 : vector<16xf32>
        %mul3A_875 = arith.constant 7.812500e-03 : f32
        %mul3A_876 = vector.broadcast %mul3A_875 : f32 to vector<16xf32>
        %mul3A_877 = arith.mulf %add3A_874, %mul3A_876 : vector<16xf32>
        %mul3A_878 = arith.mulf %mul3A_858, %mul3A_858 : vector<16xf32>
        %sub3A_879 = arith.subf %mul3A_877, %mul3A_878 : vector<16xf32>
        %add3A_880 = arith.constant 9.99999997E-7 : f32
        %add3A_881 = vector.broadcast %add3A_880 : f32 to vector<16xf32>
        %add3A_882 = arith.addf %sub3A_879, %add3A_881 : vector<16xf32>
        %bitcast_convert_type3A_883 = tpu.bitcast %add3A_882 : vector<16xf32> -> vector<16xi32>
        %shift_right_logical3A_884 = arith.constant 1 : i32
        %shift_right_logical3A_885 = vector.broadcast %shift_right_logical3A_884 : i32 to vector<16xi32>
        %shift_right_logical3A_886 = arith.shrui %bitcast_convert_type3A_883, %shift_right_logical3A_885 : vector<16xi32>
        %sub3A_887 = arith.constant 1597463174 : i32
        %sub3A_888 = vector.broadcast %sub3A_887 : i32 to vector<16xi32>
        %sub3A_889 = arith.subi %sub3A_888, %shift_right_logical3A_886 : vector<16xi32>
        %bitcast_convert_type3A_890 = tpu.bitcast %sub3A_889 : vector<16xi32> -> vector<16xf32>
        %mul3A_891 = arith.constant 5.000000e-01 : f32
        %mul3A_892 = vector.broadcast %mul3A_891 : f32 to vector<16xf32>
        %mul3A_893 = arith.mulf %mul3A_892, %add3A_882 : vector<16xf32>
        %mul3A_894 = arith.mulf %mul3A_893, %bitcast_convert_type3A_890 : vector<16xf32>
        %mul3A_895 = arith.mulf %mul3A_894, %bitcast_convert_type3A_890 : vector<16xf32>
        %sub3A_896 = arith.constant 1.500000e+00 : f32
        %sub3A_897 = vector.broadcast %sub3A_896 : f32 to vector<16xf32>
        %sub3A_898 = arith.subf %sub3A_897, %mul3A_895 : vector<16xf32>
        %mul3A_899 = arith.mulf %bitcast_convert_type3A_890, %sub3A_898 : vector<16xf32>
        %mul3A_900 = arith.constant 5.000000e-01 : f32
        %mul3A_901 = vector.broadcast %mul3A_900 : f32 to vector<16xf32>
        %mul3A_902 = arith.mulf %mul3A_901, %add3A_882 : vector<16xf32>
        %mul3A_903 = arith.mulf %mul3A_902, %mul3A_899 : vector<16xf32>
        %mul3A_904 = arith.mulf %mul3A_903, %mul3A_899 : vector<16xf32>
        %sub3A_905 = arith.constant 1.500000e+00 : f32
        %sub3A_906 = vector.broadcast %sub3A_905 : f32 to vector<16xf32>
        %sub3A_907 = arith.subf %sub3A_906, %mul3A_904 : vector<16xf32>
        %mul3A_908 = arith.mulf %mul3A_899, %sub3A_907 : vector<16xf32>
        %sub3A_909 = arith.subf %add3A_677, %mul3A_858 : vector<16xf32>
        %mul3A_910 = arith.mulf %sub3A_909, %mul3A_908 : vector<16xf32>
        %mul3A_911 = arith.mulf %mul3A_910, %get3A_18 : vector<16xf32>
        %add3A_912 = arith.addf %mul3A_911, %get3A_42 : vector<16xf32>
        %swap3A_913 = arith.constant 1 : i32
        %swap3A_914 = arith.index_cast %swap3A_913 : i32 to index
        %swap3A_915 = arith.index_cast %add3A_657 : i32 to index
        %swap3A_916 = arith.constant 0 : index
        %swap3A_917 = tpu.vector_load %arg20[%swap3A_914, %swap3A_915, %swap3A_916] {strides = array<i32>} : memref<2x80x128xf32, #tpu.memory_space<vmem>>, vector<1x1x16xf32>,
        %swap3A_918 = vector.shape_cast %swap3A_917 : vector<1x1x16xf32> to vector<16xf32>
        %swap3A_919 = vector.shape_cast %add3A_912 : vector<16xf32> to vector<1x1x16xf32>
        tpu.vector_store %arg20[%swap3A_914, %swap3A_915, %swap3A_916], %swap3A_919 {strides = array<i32>} : memref<2x80x128xf32, #tpu.memory_space<vmem>>, vector<1x1x16xf32>,
        %sub3A_920 = arith.subf %add3A_698, %mul3A_858 : vector<16xf32>
        %mul3A_921 = arith.mulf %sub3A_920, %mul3A_908 : vector<16xf32>
        %mul3A_922 = arith.mulf %mul3A_921, %get3A_21 : vector<16xf32>
        %add3A_923 = arith.addf %mul3A_922, %get3A_45 : vector<16xf32>
        %swap3A_924 = arith.constant 1 : i32
        %swap3A_925 = arith.index_cast %swap3A_924 : i32 to index
        %swap3A_926 = arith.index_cast %add3A_657 : i32 to index
        %swap3A_927 = arith.constant 16 : index
        %swap3A_928 = tpu.vector_load %arg20[%swap3A_925, %swap3A_926, %swap3A_927] {strides = array<i32>} : memref<2x80x128xf32, #tpu.memory_space<vmem>>, vector<1x1x16xf32>,
        %swap3A_929 = vector.shape_cast %swap3A_928 : vector<1x1x16xf32> to vector<16xf32>
        %swap3A_930 = vector.shape_cast %add3A_923 : vector<16xf32> to vector<1x1x16xf32>
        tpu.vector_store %arg20[%swap3A_925, %swap3A_926, %swap3A_927], %swap3A_930 {strides = array<i32>} : memref<2x80x128xf32, #tpu.memory_space<vmem>>, vector<1x1x16xf32>,
        %sub3A_931 = arith.subf %add3A_721, %mul3A_858 : vector<16xf32>
        %mul3A_932 = arith.mulf %sub3A_931, %mul3A_908 : vector<16xf32>
        %mul3A_933 = arith.mulf %mul3A_932, %get3A_24 : vector<16xf32>
        %add3A_934 = arith.addf %mul3A_933, %get3A_48 : vector<16xf32>
        %swap3A_935 = arith.constant 1 : i32
        %swap3A_936 = arith.index_cast %swap3A_935 : i32 to index
        %swap3A_937 = arith.index_cast %add3A_657 : i32 to index
        %swap3A_938 = arith.constant 32 : index
        %swap3A_939 = tpu.vector_load %arg20[%swap3A_936, %swap3A_937, %swap3A_938] {strides = array<i32>} : memref<2x80x128xf32, #tpu.memory_space<vmem>>, vector<1x1x16xf32>,
        %swap3A_940 = vector.shape_cast %swap3A_939 : vector<1x1x16xf32> to vector<16xf32>
        %swap3A_941 = vector.shape_cast %add3A_934 : vector<16xf32> to vector<1x1x16xf32>
        tpu.vector_store %arg20[%swap3A_936, %swap3A_937, %swap3A_938], %swap3A_941 {strides = array<i32>} : memref<2x80x128xf32, #tpu.memory_space<vmem>>, vector<1x1x16xf32>,
        %sub3A_942 = arith.subf %add3A_744, %mul3A_858 : vector<16xf32>
        %mul3A_943 = arith.mulf %sub3A_942, %mul3A_908 : vector<16xf32>
        %mul3A_944 = arith.mulf %mul3A_943, %get3A_27 : vector<16xf32>
        %add3A_945 = arith.addf %mul3A_944, %get3A_51 : vector<16xf32>
        %swap3A_946 = arith.constant 1 : i32
        %swap3A_947 = arith.index_cast %swap3A_946 : i32 to index
        %swap3A_948 = arith.index_cast %add3A_657 : i32 to index
        %swap3A_949 = arith.constant 48 : index
        %swap3A_950 = tpu.vector_load %arg20[%swap3A_947, %swap3A_948, %swap3A_949] {strides = array<i32>} : memref<2x80x128xf32, #tpu.memory_space<vmem>>, vector<1x1x16xf32>,
        %swap3A_951 = vector.shape_cast %swap3A_950 : vector<1x1x16xf32> to vector<16xf32>
        %swap3A_952 = vector.shape_cast %add3A_945 : vector<16xf32> to vector<1x1x16xf32>
        tpu.vector_store %arg20[%swap3A_947, %swap3A_948, %swap3A_949], %swap3A_952 {strides = array<i32>} : memref<2x80x128xf32, #tpu.memory_space<vmem>>, vector<1x1x16xf32>,
        %sub3A_953 = arith.subf %add3A_767, %mul3A_858 : vector<16xf32>
        %mul3A_954 = arith.mulf %sub3A_953, %mul3A_908 : vector<16xf32>
        %mul3A_955 = arith.mulf %mul3A_954, %get3A_30 : vector<16xf32>
        %add3A_956 = arith.addf %mul3A_955, %get3A_54 : vector<16xf32>
        %swap3A_957 = arith.constant 1 : i32
        %swap3A_958 = arith.index_cast %swap3A_957 : i32 to index
        %swap3A_959 = arith.index_cast %add3A_657 : i32 to index
        %swap3A_960 = arith.constant 64 : index
        %swap3A_961 = tpu.vector_load %arg20[%swap3A_958, %swap3A_959, %swap3A_960] {strides = array<i32>} : memref<2x80x128xf32, #tpu.memory_space<vmem>>, vector<1x1x16xf32>,
        %swap3A_962 = vector.shape_cast %swap3A_961 : vector<1x1x16xf32> to vector<16xf32>
        %swap3A_963 = vector.shape_cast %add3A_956 : vector<16xf32> to vector<1x1x16xf32>
        tpu.vector_store %arg20[%swap3A_958, %swap3A_959, %swap3A_960], %swap3A_963 {strides = array<i32>} : memref<2x80x128xf32, #tpu.memory_space<vmem>>, vector<1x1x16xf32>,
        %sub3A_964 = arith.subf %add3A_790, %mul3A_858 : vector<16xf32>
        %mul3A_965 = arith.mulf %sub3A_964, %mul3A_908 : vector<16xf32>
        %mul3A_966 = arith.mulf %mul3A_965, %get3A_33 : vector<16xf32>
        %add3A_967 = arith.addf %mul3A_966, %get3A_57 : vector<16xf32>
        %swap3A_968 = arith.constant 1 : i32
        %swap3A_969 = arith.index_cast %swap3A_968 : i32 to index
        %swap3A_970 = arith.index_cast %add3A_657 : i32 to index
        %swap3A_971 = arith.constant 80 : index
        %swap3A_972 = tpu.vector_load %arg20[%swap3A_969, %swap3A_970, %swap3A_971] {strides = array<i32>} : memref<2x80x128xf32, #tpu.memory_space<vmem>>, vector<1x1x16xf32>,
        %swap3A_973 = vector.shape_cast %swap3A_972 : vector<1x1x16xf32> to vector<16xf32>
        %swap3A_974 = vector.shape_cast %add3A_967 : vector<16xf32> to vector<1x1x16xf32>
        tpu.vector_store %arg20[%swap3A_969, %swap3A_970, %swap3A_971], %swap3A_974 {strides = array<i32>} : memref<2x80x128xf32, #tpu.memory_space<vmem>>, vector<1x1x16xf32>,
        %sub3A_975 = arith.subf %add3A_813, %mul3A_858 : vector<16xf32>
        %mul3A_976 = arith.mulf %sub3A_975, %mul3A_908 : vector<16xf32>
        %mul3A_977 = arith.mulf %mul3A_976, %get3A_36 : vector<16xf32>
        %add3A_978 = arith.addf %mul3A_977, %get3A_60 : vector<16xf32>
        %swap3A_979 = arith.constant 1 : i32
        %swap3A_980 = arith.index_cast %swap3A_979 : i32 to index
        %swap3A_981 = arith.index_cast %add3A_657 : i32 to index
        %swap3A_982 = arith.constant 96 : index
        %swap3A_983 = tpu.vector_load %arg20[%swap3A_980, %swap3A_981, %swap3A_982] {strides = array<i32>} : memref<2x80x128xf32, #tpu.memory_space<vmem>>, vector<1x1x16xf32>,
        %swap3A_984 = vector.shape_cast %swap3A_983 : vector<1x1x16xf32> to vector<16xf32>
        %swap3A_985 = vector.shape_cast %add3A_978 : vector<16xf32> to vector<1x1x16xf32>
        tpu.vector_store %arg20[%swap3A_980, %swap3A_981, %swap3A_982], %swap3A_985 {strides = array<i32>} : memref<2x80x128xf32, #tpu.memory_space<vmem>>, vector<1x1x16xf32>,
        %sub3A_986 = arith.subf %add3A_836, %mul3A_858 : vector<16xf32>
        %mul3A_987 = arith.mulf %sub3A_986, %mul3A_908 : vector<16xf32>
        %mul3A_988 = arith.mulf %mul3A_987, %get3A_39 : vector<16xf32>
        %add3A_989 = arith.addf %mul3A_988, %get3A_63 : vector<16xf32>
        %swap3A_990 = arith.constant 1 : i32
        %swap3A_991 = arith.index_cast %swap3A_990 : i32 to index
        %swap3A_992 = arith.index_cast %add3A_657 : i32 to index
        %swap3A_993 = arith.constant 112 : index
        %swap3A_994 = tpu.vector_load %arg20[%swap3A_991, %swap3A_992, %swap3A_993] {strides = array<i32>} : memref<2x80x128xf32, #tpu.memory_space<vmem>>, vector<1x1x16xf32>,
        %swap3A_995 = vector.shape_cast %swap3A_994 : vector<1x1x16xf32> to vector<16xf32>
        %swap3A_996 = vector.shape_cast %add3A_989 : vector<16xf32> to vector<1x1x16xf32>
        tpu.vector_store %arg20[%swap3A_991, %swap3A_992, %swap3A_993], %swap3A_996 {strides = array<i32>} : memref<2x80x128xf32, #tpu.memory_space<vmem>>, vector<1x1x16xf32>,
      }
      %scan3A_299 = arith.constant 40 : i32
      %mul3A_300 = arith.constant 80 : i32
      %mul3A_301 = arith.muli %add3A_252, %mul3A_300 : i32
      %add3A_302 = arith.addi %mul3A_2, %mul3A_301 : i32
      %dma_start3A_303 = arith.constant 1 : i32
      %dma_start3A_304 = arith.constant 0 : i32
      %dma_start3A_305 = arith.constant 0 : i32
      %dma_start3A_306 = tpu.memref_slice %arg20[%dma_start3A_303, %dma_start3A_304, %dma_start3A_305] : memref<2x80x128xf32, #tpu.memory_space<vmem>> -> memref<1x80x128xf32, #tpu.memory_space<vmem>>
      %dma_start3A_307 = tpu.memref_squeeze %dma_start3A_306 : memref<1x80x128xf32, #tpu.memory_space<vmem>> -> memref<80x128xf32, #tpu.memory_space<vmem>>
      %dma_start3A_308 = arith.constant 0 : i32
      %dma_start3A_309 = tpu.memref_slice %arg11[%add3A_302, %dma_start3A_308] : memref<204800x128xf32, #tpu.memory_space<hbm>> -> memref<80x128xf32, #tpu.memory_space<hbm>>
      %dma_start3A_310 = arith.constant 0 : i32
      %dma_start3A_311 = tpu.memref_slice %arg11[%add3A_302, %dma_start3A_310] : memref<204800x128xf32, #tpu.memory_space<hbm>> -> memref<80x128xf32, #tpu.memory_space<hbm>>
      %dma_start3A_312 = arith.constant 0 : i32
      %dma_start3A_313 = arith.constant 0 : i32
      %dma_start3A_314 = tpu.memref_slice %arg20[%dma_start3A_303, %dma_start3A_312, %dma_start3A_313] : memref<2x80x128xf32, #tpu.memory_space<vmem>> -> memref<1x80x128xf32, #tpu.memory_space<vmem>>
      %dma_start3A_315 = tpu.memref_squeeze %dma_start3A_314 : memref<1x80x128xf32, #tpu.memory_space<vmem>> -> memref<80x128xf32, #tpu.memory_space<vmem>>
      tpu.enqueue_dma source(%dma_start3A_315 : memref<80x128xf32, #tpu.memory_space<vmem>>) target(%dma_start3A_311 : memref<80x128xf32, #tpu.memory_space<hbm>>) target_semaphore(%arg27 : memref<!tpu.dma_semaphore, #tpu.memory_space<semaphore_mem>>)
    }
    %scan3A_117 = arith.constant 40 : i32
    %add3A_118 = arith.constant 6240 : i32
    %add3A_119 = arith.addi %mul3A_2, %add3A_118 : i32
    %dma_wait3A_120 = arith.constant 0 : i32
    %dma_wait3A_121 = arith.constant 0 : i32
    %dma_wait3A_122 = arith.constant 0 : i32
    %dma_wait3A_123 = tpu.memref_slice %arg20[%dma_wait3A_120, %dma_wait3A_121, %dma_wait3A_122] : memref<2x80x128xf32, #tpu.memory_space<vmem>> -> memref<1x80x128xf32, #tpu.memory_space<vmem>>
    %dma_wait3A_124 = tpu.memref_squeeze %dma_wait3A_123 : memref<1x80x128xf32, #tpu.memory_space<vmem>> -> memref<80x128xf32, #tpu.memory_space<vmem>>
    %dma_wait3A_125 = arith.constant 0 : i32
    %dma_wait3A_126 = tpu.memref_slice %arg11[%add3A_119, %dma_wait3A_125] : memref<204800x128xf32, #tpu.memory_space<hbm>> -> memref<80x128xf32, #tpu.memory_space<hbm>>
    %dma_wait3A_127 = arith.constant 0 : i32
    %dma_wait3A_128 = tpu.memref_slice %arg11[%add3A_119, %dma_wait3A_127] : memref<204800x128xf32, #tpu.memory_space<hbm>> -> memref<80x128xf32, #tpu.memory_space<hbm>>
    %dma_wait3A_129 = arith.constant 0 : i32
    %dma_wait3A_130 = arith.constant 0 : i32
    %dma_wait3A_131 = tpu.memref_slice %arg20[%dma_wait3A_120, %dma_wait3A_129, %dma_wait3A_130] : memref<2x80x128xf32, #tpu.memory_space<vmem>> -> memref<1x80x128xf32, #tpu.memory_space<vmem>>
    %dma_wait3A_132 = tpu.memref_squeeze %dma_wait3A_131 : memref<1x80x128xf32, #tpu.memory_space<vmem>> -> memref<80x128xf32, #tpu.memory_space<vmem>>
    tpu.wait_dma2 semaphore(%arg26 : memref<!tpu.dma_semaphore, #tpu.memory_space<semaphore_mem>>) src(%dma_wait3A_132 : memref<80x128xf32, #tpu.memory_space<vmem>>) dst(%dma_wait3A_128 : memref<80x128xf32, #tpu.memory_space<hbm>>)
    %add3A_133 = arith.constant 6320 : i32
    %add3A_134 = arith.addi %mul3A_2, %add3A_133 : i32
    %dma_wait3A_135 = arith.constant 1 : i32
    %dma_wait3A_136 = arith.constant 0 : i32
    %dma_wait3A_137 = arith.constant 0 : i32
    %dma_wait3A_138 = tpu.memref_slice %arg20[%dma_wait3A_135, %dma_wait3A_136, %dma_wait3A_137] : memref<2x80x128xf32, #tpu.memory_space<vmem>> -> memref<1x80x128xf32, #tpu.memory_space<vmem>>
    %dma_wait3A_139 = tpu.memref_squeeze %dma_wait3A_138 : memref<1x80x128xf32, #tpu.memory_space<vmem>> -> memref<80x128xf32, #tpu.memory_space<vmem>>
    %dma_wait3A_140 = arith.constant 0 : i32
    %dma_wait3A_141 = tpu.memref_slice %arg11[%add3A_134, %dma_wait3A_140] : memref<204800x128xf32, #tpu.memory_space<hbm>> -> memref<80x128xf32, #tpu.memory_space<hbm>>
    %dma_wait3A_142 = arith.constant 0 : i32
    %dma_wait3A_143 = tpu.memref_slice %arg11[%add3A_134, %dma_wait3A_142] : memref<204800x128xf32, #tpu.memory_space<hbm>> -> memref<80x128xf32, #tpu.memory_space<hbm>>
    %dma_wait3A_144 = arith.constant 0 : i32
    %dma_wait3A_145 = arith.constant 0 : i32
    %dma_wait3A_146 = tpu.memref_slice %arg20[%dma_wait3A_135, %dma_wait3A_144, %dma_wait3A_145] : memref<2x80x128xf32, #tpu.memory_space<vmem>> -> memref<1x80x128xf32, #tpu.memory_space<vmem>>
    %dma_wait3A_147 = tpu.memref_squeeze %dma_wait3A_146 : memref<1x80x128xf32, #tpu.memory_space<vmem>> -> memref<80x128xf32, #tpu.memory_space<vmem>>
    tpu.wait_dma2 semaphore(%arg27 : memref<!tpu.dma_semaphore, #tpu.memory_space<semaphore_mem>>) src(%dma_wait3A_147 : memref<80x128xf32, #tpu.memory_space<vmem>>) dst(%dma_wait3A_143 : memref<80x128xf32, #tpu.memory_space<hbm>>)
    return
  }
}

</mosaic_0001>

<sc_bundles>
// kernel: kernel.3.cloned.1.call-start
scs
__scs_entry_jumppad:
0x0: {  	(pc) =	sbr.rel $0x88, $3  }
0x1: {  	(tag) =	ssettag $0x0;
	lr =	simm.s32 $0x1  }
0x2: {  	[smem:$0x3F97] =	sst lr;
	_ =	strace $0xD0000000  }
0x3: {  	_ = 	snop  }
0x4: {  	_ = 	snop  }
0x5: {  	_ = 	snop  }
0x6: {  	_ = 	snop  }
0x7: {  	_ = 	snop  }
__scs_overlays_trampoline_lowered:
0x8: {  	[smem:$0x3FA6] =	sst s0  }
0x9: {  	[smem:$0x3FA7] =	sst s1  }
0xa: {  	[smem:$0x3FA8] =	sst s2  }
0xb: {  	[smem:$0x3FA9] =	sst s3  }
0xc: {  	[smem:$0x3FAA] =	sst s4  }
0xd: {  	[smem:$0x3FAB] =	sst s5  }
0xe: {  	[smem:$0x3FAC] =	sst s6  }
0xf: {  	[smem:$0x3FAD] =	sst s7  }
0x10: {  	[smem:$0x3FAE] =	sst s8  }
0x11: {  	[smem:$0x3FAF] =	sst s9;
	s0 =	simm.s32 @!p0 $0x0  }
0x12: {  	s1 =	sld [smem:$0x3F95];
	s0 =	simm.s32 @p0 $0x1  }
0x13: {  	[smem:$0x3FB0] =	sst s0;
	s0 =	simm.s32 @!p1 $0x0  }
0x14: {  	s2 =	sld [smem:$0x3F94];
	s0 =	simm.s32 @p1 $0x1  }
0x15: {  	[smem:$0x3FB1] =	sst s0;
	s0 =	simm.s32 @!p2 $0x0  }
0x16: {  	s3 =	sld [smem:$0x3FDB];
	s0 =	simm.s32 @p2 $0x1  }
0x17: {  	s4 =	simm.s32 $0x1BF5;
	[smem:$0x3FB3] =	sst s0  }
0x18: {  	s0 =	sld [smem:$0x3F96];
	_ =	swait.ge [sflag:s4], $0x0  }
0x19: {  	s7 =	sld [smem:$0x3F97]  }
0x1a: {  	s8 =	sadd.s32 $0xFFFFE003, lr  }
0x1b: {  	s9 =	sadd.s32 $0xFFFFFEF7, lr;
	s5 =	simm.s32 $0xFFFFFFFF;
	p2 =	slt.u32 s8, $0xFFFFF086  }
0x1c: {  	p1 =	slt.u32 s9, $0xF7A;
	s5 =	simm.s32 @!p2 $0x0  }
0x1d: {  	s5 =	simm.s32 @p1 $0x1;
	p0 =	seq.s32 s7, s2  }
0x1e: {  	s7 =	smul.u32 @!p0 $0xF7A, s2;
	p2 =	seq.s32 @!p0 s5, $0x0  }
0x1f: {  	s9 =	smul.u32 $0xF7A, s1;
	s8 =	simm.s32 @!p0 $0x1BF5;
	p2 =	por !p2, p0  }
0x20: {  	[sflag:s8] =	ssyncset.s32 @!p0 $0xFFFFF086;
	s6 =	sadd.s32 @!p0 s3, s7;
	s7 =	simm.s32 @!p0 $0x108  }
0x21: {  	s3 =	sadd.s32 s3, s9;
	s6 =	sadd.s32 @!p0 $0x88, s6;
	s7 =	simm.s32 @p2 $0x1082  }
0x22: {  	[simem:s7], [sflag:s8] =	dma.local @!p0 [hbm:s6], $0xF7A  }
0x23: {  	s9 =	sor.u32 $0xD0000000, s2;
	s6 =	simm.s32 $0x108;
	_ =	swait.ge @!p0 [sflag:s8], $0x0  }
0x24: {  	s3 =	sadd.s32 $0x88, s3;
	s6 =	simm.s32 @!p1 $0x1082;
	[sflag:s4] =	ssyncset.s32 $0xFFFFF086  }
0x25: {  	[simem:s6], [sflag:s4] =	dma.local [hbm:s3], $0xF7A  }
0x26: {  	[smem:$0x3F97] =	sst s1;
	(tag) =	ssettag s2;
	_ =	strace s9  }
0x27: {  	s1 =	sld [smem:$0x3FA7]  }
0x28: {  	s2 =	sld [smem:$0x3FA8]  }
0x29: {  	s4 =	sld [smem:$0x3FAA]  }
0x2a: {  	p0 =	seq.s32 s5, $0x0;
	s5 =	sld [smem:$0x3FAB]  }
0x2b: {  	s6 =	sld [smem:$0x3FAC]  }
0x2c: {  	s7 =	sld [smem:$0x3FAD]  }
0x2d: {  	s3 =	simm.s32 $0x108;
	s8 =	sld [smem:$0x3FAE]  }
0x2e: {  	s3 =	simm.s32 @!p0 $0x1082;
	s9 =	sld [smem:$0x3FAF]  }
0x2f: {  	lr =	sadd.s32 s0, s3;
	s0 =	sld [smem:$0x3FA6]  }
0x30: {  	s3 =	sld [smem:$0x3FA9]  }
0x31: {  	[smem:$0x3FB2] =	sst s10  }
0x32: {  	s10 =	sld [smem:$0x3FB0];
	_ =	sdelay $0x3  }
0x33: {  	p0 =	seq.s32 s10, $0x1;
	s10 =	sld [smem:$0x3FB2];
	_ =	sdelay $0x3  }
0x34: {  	[smem:$0x3FB2] =	sst s10  }
0x35: {  	s10 =	sld [smem:$0x3FB1];
	_ =	sdelay $0x3  }
0x36: {  	p1 =	seq.s32 s10, $0x1;
	s10 =	sld [smem:$0x3FB2];
	_ =	sdelay $0x3  }
0x37: {  	[smem:$0x3FB2] =	sst s10  }
0x38: {  	s10 =	sld [smem:$0x3FB3]  }
0x39: {  	_ = 	snop;
	(pc) =	sbr.ind lr, $3  }
0x3a: {  	_ = 	snop  }
0x3b: {  	_ = 	snop  }
0x3c: {  	p2 =	seq.s32 s10, $0x1;
	s10 =	sld [smem:$0x3FB2]  }
0x3d: {  	_ =	shalt  }
0x3e: {  	_ =	shalt  }
0x3f: {  	_ =	shalt  }
0x40: {  	_ =	shalt  }
0x41: {  	_ =	shalt  }
0x42: {  	_ =	shalt  }
0x43: {  	_ =	shalt  }
0x44: {  	_ =	shalt  }
0x45: {  	_ =	shalt  }
0x46: {  	_ =	shalt  }
0x47: {  	_ =	shalt  }
0x48: {  	_ =	shalt  }
0x49: {  	_ =	shalt  }
0x4a: {  	_ =	shalt  }
0x4b: {  	_ =	shalt  }
0x4c: {  	_ =	shalt  }
0x4d: {  	_ =	shalt  }
0x4e: {  	_ =	shalt  }
0x4f: {  	_ =	shalt  }
0x50: {  	_ =	shalt  }
0x51: {  	_ =	shalt  }
0x52: {  	_ =	shalt  }
0x53: {  	_ =	shalt  }
0x54: {  	_ =	shalt  }
0x55: {  	_ =	shalt  }
0x56: {  	_ =	shalt  }
0x57: {  	_ =	shalt  }
0x58: {  	_ =	shalt  }
0x59: {  	_ =	shalt  }
0x5a: {  	_ =	shalt  }
0x5b: {  	_ =	shalt  }
0x5c: {  	_ =	shalt  }
0x5d: {  	_ =	shalt  }
0x5e: {  	_ =	shalt  }
0x5f: {  	_ =	shalt  }
0x60: {  	_ =	shalt  }
0x61: {  	_ =	shalt  }
0x62: {  	_ =	shalt  }
0x63: {  	_ =	shalt  }
0x64: {  	_ =	shalt  }
0x65: {  	_ =	shalt  }
0x66: {  	_ =	shalt  }
0x67: {  	_ =	shalt  }
0x68: {  	_ =	shalt  }
0x69: {  	_ =	shalt  }
0x6a: {  	_ =	shalt  }
0x6b: {  	_ =	shalt  }
0x6c: {  	_ =	shalt  }
0x6d: {  	_ =	shalt  }
0x6e: {  	_ =	shalt  }
0x6f: {  	_ =	shalt  }
0x70: {  	_ =	shalt  }
0x71: {  	_ =	shalt  }
0x72: {  	_ =	shalt  }
0x73: {  	_ =	shalt  }
0x74: {  	_ =	shalt  }
0x75: {  	_ =	shalt  }
0x76: {  	_ =	shalt  }
0x77: {  	_ =	shalt  }
0x78: {  	_ =	shalt  }
0x79: {  	_ =	shalt  }
0x7a: {  	_ =	shalt  }
0x7b: {  	_ =	shalt  }
0x7c: {  	_ =	shalt  }
0x7d: {  	_ =	shalt  }
0x7e: {  	_ =	shalt  }
0x7f: {  	_ =	shalt  }
0x80: {  	_ =	shalt  }
0x81: {  	_ =	shalt  }
0x82: {  	_ =	shalt  }
0x83: {  	_ =	shalt  }
0x84: {  	_ =	shalt  }
0x85: {  	_ =	shalt  }
0x86: {  	_ =	shalt  }
0x87: {  	_ =	shalt  }
.Lfunc_end0:
.L_simem_size_0:
called_computation_lowered:
.L_overlay_start_0:
0x88: {  	s2 =	sld [smem:$0x3FD9]  }
0x89: {  	s3 =	sld [smem:$0x3FFE];
	_ =	sdelay $0x1  }
0x8a: {  	s1 =	srdreg.scid  }
0x8b: {  	s0 =	sand.u32 $0x1, s1  }
0x8c: {  	s17 =	sshll.u32 s0, $0xA;
	s2 =	sadd.s32 s3, s2  }
0x8d: {  	s2 =	sadd.s32 s2, s17  }
0x8e: {  	[smem:$0x3FBE] =	sst s2  }
0x8f: {  	_ = 	snop  }
0x90: {  	s2 =	sld [smem:$0x3FC5]  }
0x91: {  	s18 =	sld [smem:$0x3FC4]  }
0x92: {  	s4 =	sld [smem:$0x3FC1]  }
0x93: {  	s5 =	sld [smem:$0x3FC0]  }
0x94: {  	s6 =	sld [smem:$0x3FD0];
	(tm) =	ssettm $0x1  }
0x95: {  	s7 =	sld [smem:$0x3FFB];
	_ =	sdelay $0x3  }
0x96: {  	_ =	strace s7  }
0x97: {  	s7 =	sld [smem:$0x3FFC];
	_ =	sdelay $0x3  }
0x98: {  	_ =	strace s7  }
0x99: {  	s7 =	sld [smem:$0x3FFD];
	_ =	sdelay $0x3  }
0x9a: {  	_ =	strace s7  }
0x9b: {  	_ =	strace $0x8FFFFFFF  }
0x9c: {  	s19 =	sld [smem:$0x3FDB];
	_ =	sdelay $0x1  }
0x9d: {  	s8 =	simm.s32 $_scs_section_size  }
0x9e: {  	s9 =	simm.s32 $_size__tile_overlayer_lowered;
	s10 =	simm.s32 $_tile_overlayer_lowered  }
0x9f: {  	s22 =	simm.s32 $0x1BFF;
	s21 =	sshll.u32 s10, $0x1;
	s7 =	sadd.s32 s8, s19  }
0xa0: {  	s11 =	simm.s32 $0x0;
	s20 =	sshll.u32 s9, $0x1;
	s9 =	sadd.s32 s21, s7  }
0xa1: {  	[timem:s11], [sflag:s22] =	dma.local [hbm:s9], s20  }
0xa2: {  	_ =	swait.ge [sflag:s22], s20  }
0xa3: {  	s8 =	ssub.s32 $0x0, s20;
	[sflag:s22] =	ssyncset.done $0x0  }
0xa4: {  	[sflag:s22] =	ssyncadd.s32 s8;
	_ =	sdelay $0x1  }
0xa5: {  	s23 =	simm.s32 $0x1B8B  }
0xa6: {  	_ =	swait.ge [sflag:s23], $0x1  }
0xa7: {  	[sflag:s23] =	ssyncset.done $0x0  }
0xa8: {  	s25 =	simm.s32 $0x1B8E;
	s24 =	sld [smem:$0x3FFE];
	[sflag:s23] =	ssyncadd.s32 $0xFFFFFFFF  }
0xa9: {  	s26 =	simm.s32 $execute0_lowered;
	[smem:$0x3FD2] =	sst s25  }
0xaa: {  	s9 =	sshll.u32 s26, $0x1;
	_ =	strace $0x80000046;
	[dreg:$0x1] =	wrdreg $0xFFFFFFFF  }
0xab: {  	s28 =	simm.s32 $_size_execute0_lowered;
	s7 =	sadd.s32 s7, s9;
	[dreg:$0x0] =	wrdreg $0x0  }
0xac: {  	s9 =	sshll.u32 s28, $0x1;
	[dreg:$0x2] =	wrdreg s7  }
0xad: {  	[dreg:$0x3] =	wrdreg s9  }
0xae: {  	[dreg:$0x4] =	wrdreg $0xC0  }
0xaf: {  	_ =	task [dreg:s11], $0x5FFFF  }
0xb0: {  	[dreg:$0x1] =	wrdreg $0xFFFFFFFF  }
0xb1: {  	[dreg:$0x0] =	wrdreg $0x60  }
0xb2: {  	[dreg:$0x2] =	wrdreg s24  }
0xb3: {  	[dreg:$0x3] =	wrdreg s2  }
0xb4: {  	[dreg:$0x4] =	wrdreg s18  }
0xb5: {  	[dreg:$0x5] =	wrdreg s4  }
0xb6: {  	[dreg:$0x6] =	wrdreg s5  }
0xb7: {  	[dreg:$0x7] =	wrdreg s6  }
0xb8: {  	[dreg:$0x8] =	wrdreg $0x9  }
0xb9: {  	_ =	task.clear_ibuf [dreg:s11], $0x9FFFF;
	_ =	strace $0x90000046  }
0xba: {  	s29 =	simm.s32 $0x9;
	_ =	strace $0x80000048  }
0xbb: {  	_ =	swait.ge [sflag:s29], $0x1  }
0xbc: {  	[sflag:s29] =	ssyncadd.s32 $0xFFFFFFFF  }
0xbd: {  	_ =	strace $0x90000048  }
0xbe: {  	_ =	sfence  }
0xbf: {  	s30 =	sld [smem:$0x0];
	_ =	sdelay $0x2  }
0xc0: {  	s31 =	sshll.u32 s1, $0xD;
	s1 =	sshrl.u32 s1, $0x2  }
0xc1: {  	s3 =	sand.u32 $0x4000, s31;
	s1 =	sadd.s32 s1, s30  }
0xc2: {  	s0 =	sor.u32 s3, s0;
	s1 =	sshll.u32 s1, $0x11  }
0xc3: {  	s0 =	sor.u32 s1, s0  }
0xc4: {  	s0 =	sadd.s32 $0x8F2B, s0  }
0xc5: {  	[sflag:s0] =	ssyncadd.remote.s32 $0x1  }
0xc6: {  	_ =	sfence.sel $0xFFFF  }
0xc7: {  	[dreg:$0x0] =	wrdreg $0xFFFFFFFF;
	(pc) =	sbr.abs _section_cstart, $3  }
0xc8: {  	[dreg:$0x1] =	wrdreg $0xFFFFFFFF  }
0xc9: {  	_ =	task.clear_ibuf [dreg:s11], $0x2FFFF;
	_ =	strace $0x9FFFFFFF  }
0xca: {  	(tm) =	ssettm $0x7FFFFFFF  }
0xcb: {  	_ =	shalt  }
tec
execute0_lowered:
.L_overlay_start_1:
0x0: {  	(tag) =	ssettag $0x1  }
0x1: {  	s0 =	rddreg [dreg:$0x0]  }
0x2: {  	s1 =	rddreg [dreg:$0x1]  }
0x3: {  	s2 =	rddreg [dreg:$0x2];
	s3 =	srdreg.scid;
	v0 =	vimm.s32 $0xFEDCBA98  }
0x4: {  	s4 =	stileid.u32;
	s6 =	rddreg [dreg:$0x5];
	v1 =	vimm.s32 $0x76543210;
	v2 =	vimm.s32 $0xBA98FEDC;
	v3 =	vimm.s32 $0x32107654  }
0x5: {  	s7 =	simm.s32 $0x0;
	v4 =	vimm.s32 $0xDCFE98BA;
	s16 =	simm.s32 $0x6;
	v5 =	vimm.s32 $0x54761032;
	v6 =	vimm.s32 $0xEFCDAB89;
	s21 =	simm.s32 $0x1  }
0x6: {  	v7 =	vimm.s32 $0x67452301;
	s22 =	simm.s32 $0x50;
	s28 =	simm.s32 $0x8D00;
	s29 =	simm.s32 $0xDD00  }
0x7: {  	s30 =	simm.s32 $0x6480;
	s3 =	sand.u32 $0x1, s3;
	s4 =	sshll.u32 s4, $0x1;
	v0 =	vunpack.c.l.s4.s8 v0;
	v1 =	vunpack.c.l.s4.s8 v1;
	v2 =	vunpack.c.l.s4.s8 v2  }
0x8: {  	s31 =	simm.s32 $0x12D00;
	s14 =	simm.s32 $0x4;
	v3 =	vunpack.c.l.s4.s8 v3;
	v4 =	vunpack.c.l.s4.s8 v4;
	v5 =	vunpack.c.l.s4.s8 v5;
	s4 =	sor.u32 s3, s4  }
0x9: {  	s17 =	simm.s32 $0x5;
	s19 =	simm.s32 $0x0;
	v6 =	vunpack.c.l.s4.s8 v6;
	v7 =	vunpack.c.l.s4.s8 v7;
	s8 =	smul.u32 $0x1900, s4;
	v0 =	vunpack.c.0.s8.s32 v0  }
0xa: {  	[smem:$0x7FF] =	sst s7;
	s9 =	sadd.s32 $0x19400, s0;
	s26 =	ssub.s32 $0x2, s3;
	v2 =	vunpack.c.0.s8.s32 v2;
	v3 =	vunpack.c.0.s8.s32 v3;
	v4 =	vunpack.c.0.s8.s32 v4  }
0xb: {  	_ =	strace $0x80000047;
	s3 =	sshrl.u32 s26, $0x1;
	v5 =	vunpack.c.0.s8.s32 v5;
	v6 =	vunpack.c.0.s8.s32 v6;
	v7 =	vunpack.c.0.s8.s32 v7;
	s4 =	sshrl.u32 s8, $0x3  }
0xc: {  	v1 =	vunpack.c.0.s8.s32 v1;
	v2 =	vcombine.low v3, v2;
	s4 =	sadd.s32 s4, s0;
	s0 =	ssub.s32 s26, s3;
	s3 =	simm.s32 $0x3  }
0xd: {  	v3 =	vcombine.low v5, v4;
	v4 =	vcombine.low v7, v6;
	v0 =	vand.u32 $0xF, v0;
	s5 =	sadd.s32 $0x400, s4;
	s11 =	sadd.s32 $0x13000, s4;
	s12 =	sadd.s32 $0xCC00, s4  }
0xe: {  	v0 =	vcombine.low v0, v1;
	s13 =	sadd.s32 $0x6800, s4;
	s15 =	smax.u32 s0, $0x1;
	s4 =	simm.s32 $0x2  }
0xf: {  	s0 =	simm.s32 $0x15500;
	v1 =	vand.u32 $0xF, v2;
	v2 =	vand.u32 $0xF, v3;
	v3 =	vand.u32 $0xF, v4;
	[dreg:$0x7] =	wrdreg s5;
	s5 =	simm.s32 $0x17D00  }
.LBB2_1:
0x10: {  	s10 =	rddreg [dreg:$0x3];
	s18 =	simm.s32 $0x1A500  }
0x11: {  	[tilespmem:s18], [sflag:$0x6] =	stream.linear.gather [hbm4b:s10+s7], $0x80, $0x38;
	[tilespmem:$0x1A600] =	vst v63  }
0x12: {  	_ =	swait.ge [sflag:s16], $0x80  }
0x13: {  	[sflag:s16] =	ssyncset.done $0x0  }
0x14: {  	[sflag:s16] =	ssyncadd.s32 $0xFFFFFF80  }
0x15: {  	s23 =	simm.s32 $0x1A580;
	s20 =	rddreg [dreg:$0x4]  }
0x16: {  	[tilespmem:s23], [sflag:$0x6] =	stream.linear.gather [hbm4b:s20+s7], $0x80, $0x38;
	[tilespmem:$0x1A600] =	vst v63  }
0x17: {  	_ =	swait.ge [sflag:s16], $0x80  }
0x18: {  	[sflag:s16] =	ssyncset.done $0x0  }
0x19: {  	s24 =	rddreg [dreg:$0x7];
	[sflag:s16] =	ssyncadd.s32 $0xFFFFFF80  }
0x1a: {  	[tilespmem:s7], [sflag:$0x1] =	stream.linear.gather [hbm4b:s24+s7], $0x1900, $0x38;
	[tilespmem:$0x1A600] =	vst v63  }
0x1b: {  	s25 =	simm.s32 $0x1900  }
0x1c: {  	[tilespmem:s25], [sflag:$0x1] =	stream.linear.gather [hbm4b:s11+s7], $0x1900, $0x38;
	[tilespmem:$0x1A600] =	vst v63  }
0x1d: {  	s26 =	simm.s32 $0x3200  }
0x1e: {  	[tilespmem:s26], [sflag:$0x1] =	stream.linear.gather [hbm4b:s12+s7], $0x1900, $0x38;
	[tilespmem:$0x1A600] =	vst v63  }
0x1f: {  	s20 =	simm.s32 $0x4B00  }
0x20: {  	[tilespmem:s20], [sflag:$0x1] =	stream.linear.gather [hbm4b:s13+s7], $0x1900, $0x38;
	[tilespmem:$0x1A600] =	vst v63  }
0x21: {  	_ =	swait.ge [sflag:s21], $0x1900  }
0x22: {  	[sflag:s21] =	ssyncset.done $0x0  }
0x23: {  	[sflag:s21] =	ssyncadd.s32 $0xFFFFE700  }
0x24: {  	_ =	swait.ge [sflag:s21], $0x1900  }
0x25: {  	[sflag:s21] =	ssyncset.done $0x0  }
0x26: {  	[sflag:s21] =	ssyncadd.s32 $0xFFFFE700  }
0x27: {  	_ =	swait.ge [sflag:s21], $0x1900  }
0x28: {  	[sflag:s21] =	ssyncset.done $0x0  }
0x29: {  	[sflag:s21] =	ssyncadd.s32 $0xFFFFE700  }
0x2a: {  	_ =	swait.ge [sflag:s21], $0x1900  }
0x2b: {  	[sflag:s21] =	ssyncset.done $0x0  }
0x2c: {  	[sflag:s21] =	ssyncadd.s32 $0xFFFFE700  }
0x2d: {  	v4 =	vld [tilespmem:$0x1A500]  }
0x2e: {  	v5 =	vld [tilespmem:$0x1A510]  }
0x2f: {  	v6 =	vld [tilespmem:$0x1A520]  }
0x30: {  	v7 =	vld [tilespmem:$0x1A530]  }
0x31: {  	v8 =	vld [tilespmem:$0x1A540]  }
0x32: {  	v9 =	vld [tilespmem:$0x1A550]  }
0x33: {  	v10 =	vld [tilespmem:$0x1A560]  }
0x34: {  	v11 =	vld [tilespmem:$0x1A570]  }
0x35: {  	v12 =	vld [tilespmem:$0x1A580]  }
0x36: {  	v14 =	vld [tilespmem:$0x4B00]  }
0x37: {  	v15 =	vld [tilespmem:$0x3200]  }
0x38: {  	v16 =	vld [tilespmem:$0x4B10]  }
0x39: {  	v17 =	vld [tilespmem:$0x3210]  }
0x3a: {  	v18 =	vld [tilespmem:$0x4B20]  }
0x3b: {  	v19 =	vld [tilespmem:$0x3220]  }
0x3c: {  	v20 =	vld [tilespmem:$0x4B30]  }
0x3d: {  	v21 =	vld [tilespmem:$0x3230]  }
0x3e: {  	v22 =	vld [tilespmem:$0x4B40]  }
0x3f: {  	v23 =	vld [tilespmem:$0x3240];
	v14 =	vshll.u32 v14, $0x1  }
0x40: {  	v13 =	vld [tilespmem:$0x1A590];
	v16 =	vshll.u32 v16, $0x1;
	v15 =	vadd.s32 v15, v14  }
0x41: {  	v14 =	vld [tilespmem:$0x1A5A0];
	v16 =	vadd.s32 v17, v16;
	v17 =	vshll.u32 v18, $0x1;
	[tilespmem:$0x6400] =	vst v15  }
0x42: {  	v18 =	vshll.u32 v20, $0x1;
	v15 =	vld [tilespmem:$0x1A5B0];
	[tilespmem:$0x6410] =	vst v16;
	v17 =	vadd.s32 v19, v17  }
0x43: {  	v20 =	vshll.u32 v22, $0x1;
	v16 =	vld [tilespmem:$0x1A5C0];
	v19 =	vadd.s32 v21, v18;
	[tilespmem:$0x6420] =	vst v17  }
0x44: {  	v18 =	vld [tilespmem:$0x1A5E0];
	v20 =	vadd.s32 v23, v20;
	[tilespmem:$0x6430] =	vst v19  }
0x45: {  	s23 =	simm.s32 $0x6500;
	v17 =	vld [tilespmem:$0x1A5D0];
	[tilespmem:$0x6440] =	vst v20  }
0x46: {  	v19 =	vld [tilespmem:$0x1A5F0];
	[tilespmem:s23], [sflag:$0x2] =	stream.indirect.gather [hbm4b:s1+s22], $0x80, s7, s22, $0xb8  }
0x47: {  	s24 =	simm.s32 $0xB500  }
0x48: {  	[tilespmem:s24], [sflag:$0x2] =	stream.indirect.gather [hbm4b:s2+s22], $0x80, s25, s22, $0xb8;
	[tilespmem:$0x1A600] =	vst v63  }
0x49: {  	s26 =	simm.s32 $0x10500;
	s20 =	simm.s32 $0x0;
	s25 =	simm.s32 $0x6400  }
0x4a: {  	[tilespmem:s26], [sflag:$0x2] =	stream.indirect.gather [hbm4b:s9+s22], $0x80, s25, s22, $0xb8;
	[tilespmem:$0x1A600] =	vst v63  }
.LBB2_2:
0x4b: {  	s24 =	smul.u32 $0xA0, s20;
	_ =	sdelay $0x1  }
0x4c: {  	v20 =	vld [tilespmem:s24+$0x4B50]  }
0x4d: {  	v21 =	vld [tilespmem:s24+$0x3250];
	_ =	sdelay $0x3  }
0x4e: {  	v20 =	vshll.u32 v20, $0x1  }
0x4f: {  	v20 =	vadd.s32 v21, v20  }
0x50: {  	[tilespmem:$0x6480] =	vst v20  }
0x51: {  	v20 =	vld [tilespmem:s24+$0x4B60]  }
0x52: {  	v21 =	vld [tilespmem:s24+$0x3260];
	_ =	sdelay $0x3  }
0x53: {  	v20 =	vshll.u32 v20, $0x1  }
0x54: {  	v20 =	vadd.s32 v21, v20  }
0x55: {  	[tilespmem:$0x6490] =	vst v20  }
0x56: {  	v20 =	vld [tilespmem:s24+$0x4B70]  }
0x57: {  	v21 =	vld [tilespmem:s24+$0x3270];
	_ =	sdelay $0x3  }
0x58: {  	v20 =	vshll.u32 v20, $0x1  }
0x59: {  	v20 =	vadd.s32 v21, v20  }
0x5a: {  	[tilespmem:$0x64A0] =	vst v20  }
0x5b: {  	v20 =	vld [tilespmem:s24+$0x4B80]  }
0x5c: {  	v21 =	vld [tilespmem:s24+$0x3280];
	_ =	sdelay $0x3  }
0x5d: {  	v20 =	vshll.u32 v20, $0x1  }
0x5e: {  	v20 =	vadd.s32 v21, v20  }
0x5f: {  	[tilespmem:$0x64B0] =	vst v20  }
0x60: {  	v20 =	vld [tilespmem:s24+$0x4B90]  }
0x61: {  	v21 =	vld [tilespmem:s24+$0x3290];
	_ =	sdelay $0x3  }
0x62: {  	v20 =	vshll.u32 v20, $0x1  }
0x63: {  	v20 =	vadd.s32 v21, v20  }
0x64: {  	s23 =	sadd.s32 $0x50, s24;
	[tilespmem:$0x64C0] =	vst v20  }
0x65: {  	[tilespmem:s28], [sflag:$0x3] =	stream.indirect.gather [hbm4b:s1+s22], $0x80, s23, s22, $0xb8;
	[tilespmem:$0x1A600] =	vst v63  }
0x66: {  	s10 =	sadd.s32 $0x1950, s24  }
0x67: {  	[tilespmem:s29], [sflag:$0x3] =	stream.indirect.gather [hbm4b:s2+s22], $0x80, s10, s22, $0xb8;
	[tilespmem:$0x1A600] =	vst v63  }
0x68: {  	_ = 	snop  }
0x69: {  	[tilespmem:s31], [sflag:$0x3] =	stream.indirect.gather [hbm4b:s9+s22], $0x80, s30, s22, $0xb8;
	[tilespmem:$0x1A600] =	vst v63  }
0x6a: {  	_ =	swait.ge [sflag:s4], $0x2800  }
0x6b: {  	[sflag:s4] =	ssyncset.done $0x0  }
0x6c: {  	[sflag:s4] =	ssyncadd.s32 $0xFFFFD800  }
0x6d: {  	_ =	swait.ge [sflag:s4], $0x2800  }
0x6e: {  	[sflag:s4] =	ssyncset.done $0x0  }
0x6f: {  	[sflag:s4] =	ssyncadd.s32 $0xFFFFD800  }
0x70: {  	_ =	swait.ge [sflag:s4], $0x2800  }
0x71: {  	p0 =	seq.s32 s20, $0x0;
	[sflag:s4] =	ssyncset.done $0x0  }
0x72: {  	s10 =	simm.s32 @!p0 $0x4;
	[sflag:s4] =	ssyncadd.s32 $0xFFFFD800  }
0x73: {  	_ =	swait.ge @!p0 [sflag:s10], $0x2800  }
0x74: {  	[sflag:s10] =	ssyncset.done @!p0 $0x0  }
0x75: {  	s25 =	simm.s32 $0xF0;
	[sflag:s10] =	ssyncadd.s32 @!p0 $0xFFFFD800  }
0x76: {  	v26 =	vld [tilespmem:s25+$0x104F0]  }
0x77: {  	v25 =	vld [tilespmem:s25+$0x104E0]  }
0x78: {  	v24 =	vld [tilespmem:s25+$0x104D0]  }
0x79: {  	v23 =	vld [tilespmem:s25+$0x104C0]  }
0x7a: {  	v21 =	vld [tilespmem:s25+$0x104B0]  }
0x7b: {  	v27 =	vld [tilespmem:s25+$0x64C0]  }
0x7c: {  	v20 =	vld [tilespmem:s25+$0x10490]  }
0x7d: {  	v22 =	vld [tilespmem:s25+$0x64B0]  }
0x7e: {  	v28 =	vld [tilespmem:s25+$0x6490]  }
0x7f: {  	v29 =	vld [tilespmem:s25+$0xB490]  }
0x80: {  	v30 =	vld [tilespmem:s25+$0x64A0]  }
0x81: {  	v31 =	vld [tilespmem:s25+$0xB4A0]  }
0x82: {  	v32 =	vld [tilespmem:s25+$0xB4B0]  }
0x83: {  	v33 =	vld [tilespmem:s25+$0x104A0]  }
0x84: {  	v34 =	vld [tilespmem:s25+$0xB4C0]  }
0x85: {  	v35 =	vld [tilespmem:s25+$0x64D0]  }
0x86: {  	v28 =	vadd.f32 v29, v28;
	v29 =	vadd.f32 v31, v30;
	v30 =	vld [tilespmem:s25+$0xB4D0]  }
0x87: {  	v48 =	vld [tilespmem:s25+$0x64E0];
	v31 =	vadd.f32 v32, v22  }
0x88: {  	v22 =	vadd.f32 v20, v28;
	v20 =	vadd.f32 v33, v29;
	v28 =	vld [tilespmem:s25+$0xB4E0]  }
0x89: {  	v36 =	vld [tilespmem:s25+$0xB4F0];
	v27 =	vadd.f32 v34, v27;
	v21 =	vadd.f32 v21, v31  }
0x8a: {  	v29 =	vld [tilespmem:s25+$0x64F0];
	v31 =	vmul.f32 v22, v22;
	v33 =	vadd.f32 v20, v22;
	v49 =	vmul.f32 v20, v20  }
0x8b: {  	v51 =	vld [tilespmem:s25+$0xB500];
	v23 =	vadd.f32 v23, v27;
	v27 =	vadd.f32 v30, v35  }
0x8c: {  	v50 =	vmul.f32 v21, v21;
	v30 =	vld [tilespmem:s25+$0x6500];
	v31 =	vadd.f32 v49, v31;
	v33 =	vadd.f32 v21, v33  }
0x8d: {  	v37 =	vld [tilespmem:s25+$0x6410];
	v24 =	vadd.f32 v24, v27;
	v27 =	vadd.f32 v28, v48  }
0x8e: {  	v53 =	vld [tilespmem:s25+$0x10500];
	v52 =	vmul.f32 v23, v23;
	v28 =	vadd.f32 v50, v31;
	v31 =	vadd.f32 v23, v33  }
0x8f: {  	v54 =	vld [tilespmem:s25+$0xB410];
	v25 =	vadd.f32 v25, v27;
	v27 =	vadd.f32 v36, v29  }
0x90: {  	v56 =	vld [tilespmem:s25+$0xB420];
	v55 =	vmul.f32 v24, v24;
	v28 =	vadd.f32 v52, v28;
	v31 =	vadd.f32 v24, v31  }
0x91: {  	v58 =	vld [tilespmem:s25+$0x10420];
	v26 =	vadd.f32 v26, v27;
	v27 =	vadd.f32 v51, v30  }
0x92: {  	v59 =	vld [tilespmem:s25+$0x6430];
	v57 =	vmul.f32 v25, v25;
	v28 =	vadd.f32 v55, v28;
	v31 =	vadd.f32 v25, v31  }
0x93: {  	v38 =	vld [tilespmem:s25+$0xB430];
	v27 =	vadd.f32 v53, v27  }
0x94: {  	v29 =	vld [tilespmem:s25+$0x6420];
	v60 =	vmul.f32 v26, v26;
	v28 =	vadd.f32 v57, v28;
	v31 =	vadd.f32 v26, v31  }
0x95: {  	v39 =	vld [tilespmem:s25+$0x10430]  }
0x96: {  	v30 =	vld [tilespmem:s25+$0x10410];
	v61 =	vmul.f32 v27, v27;
	v28 =	vadd.f32 v60, v28;
	v31 =	vadd.f32 v27, v31  }
0x97: {  	v62 =	vld [tilespmem:s25+$0x6440]  }
0x98: {  	v63 =	vld [tilespmem:s25+$0xB440];
	v28 =	vadd.f32 v61, v28;
	v48 =	vperm.xlane v31, v0  }
0x99: {  	v41 =	vld [tilespmem:s25+$0xB450];
	v34 =	vadd.f32 v54, v37;
	v29 =	vadd.f32 v56, v29  }
0x9a: {  	v43 =	vld [tilespmem:s25+$0x10450];
	v33 =	vadd.f32 v38, v59;
	v31 =	vadd.f32 v31, v48;
	v49 =	vperm.xlane v28, v0  }
0x9b: {  	v34 =	vadd.f32 v30, v34;
	v35 =	vadd.f32 v58, v29;
	v29 =	vld [tilespmem:s25+$0x10440]  }
0x9c: {  	v30 =	vld [tilespmem:s25+$0x6450];
	v44 =	vperm.xlane v31, v1;
	v28 =	vadd.f32 v49, v28  }
0x9d: {  	v54 =	vld [tilespmem:s25+$0xB460];
	v47 =	vadd.f32 v39, v33;
	v50 =	vadd.f32 v35, v34  }
0x9e: {  	v52 =	vld [tilespmem:s25+$0x6460];
	v51 =	vadd.f32 v63, v62;
	v31 =	vadd.f32 v31, v44;
	v55 =	vperm.xlane v28, v1  }
0x9f: {  	v59 =	vld [tilespmem:s25+$0xB470];
	v40 =	vmul.f32 v34, v34;
	v42 =	vmul.f32 v35, v35;
	v38 =	vadd.f32 v47, v50  }
0xa0: {  	v48 =	vadd.f32 v29, v51;
	v29 =	vld [tilespmem:s25+$0x10460];
	v58 =	vperm.xlane v31, v2;
	v28 =	vadd.f32 v55, v28  }
0xa1: {  	v56 =	vmul.f32 v47, v47;
	v57 =	vld [tilespmem:s25+$0x6470];
	v53 =	vadd.f32 v42, v40;
	v30 =	vadd.f32 v41, v30  }
0xa2: {  	v63 =	vld [tilespmem:s25+$0x6480];
	v38 =	vadd.f32 v48, v38;
	v31 =	vadd.f32 v31, v58;
	v62 =	vperm.xlane v28, v2  }
0xa3: {  	v61 =	vld [tilespmem:s25+$0x10470];
	v43 =	vadd.f32 v43, v30;
	v30 =	vadd.f32 v54, v52  }
0xa4: {  	v36 =	vadd.f32 v56, v53;
	v44 =	vld [tilespmem:s25+$0xB480];
	v45 =	vperm.xlane v31, v3;
	v28 =	vadd.f32 v62, v28  }
0xa5: {  	v60 =	vmul.f32 v48, v48;
	v38 =	vadd.f32 v43, v38;
	v49 =	vadd.f32 v29, v30  }
0xa6: {  	v29 =	vld [tilespmem:s25+$0x10480];
	v30 =	vadd.f32 v59, v57;
	v31 =	vadd.f32 v31, v45;
	v51 =	vperm.xlane v28, v3  }
0xa7: {  	v36 =	vadd.f32 v60, v36;
	v46 =	vmul.f32 v43, v43;
	v38 =	vadd.f32 v49, v38  }
0xa8: {  	v50 =	vadd.f32 v61, v30;
	v40 =	vmul.f32 $7.812500000e-03, v31;
	v28 =	vadd.f32 v51, v28  }
0xa9: {  	v36 =	vadd.f32 v46, v36;
	v52 =	vmul.f32 v49, v49;
	v30 =	vadd.f32 v44, v63  }
0xaa: {  	v54 =	vadd.f32 v50, v38;
	v28 =	vmul.f32 $7.812500000e-03, v28;
	v53 =	vmul.f32 v40, v40  }
0xab: {  	v55 =	vmul.f32 v50, v50;
	v38 =	vadd.f32 v29, v30;
	v31 =	vadd.f32 v52, v36  }
0xac: {  	v28 =	vsub.f32 v28, v53  }
0xad: {  	v30 =	vadd.f32 v38, v54;
	v29 =	vadd.f32 v55, v31;
	v31 =	vmul.f32 v38, v38  }
0xae: {  	v28 =	vadd.f32 $9.999999970e-07, v28  }
0xaf: {  	v29 =	vadd.f32 v31, v29;
	v31 =	vperm.xlane v30, v0  }
0xb0: {  	v56 =	vshrl.u32 v28, $0x1;
	v28 =	vmul.f32 $5.000000000e-01, v28  }
0xb1: {  	v30 =	vadd.f32 v30, v31;
	v31 =	vperm.xlane v29, v0;
	v32 =	vsub.s32 $0x5F375A86, v56  }
0xb2: {  	v57 =	vmul.f32 v32, v28  }
0xb3: {  	v58 =	vperm.xlane v30, v1;
	v29 =	vadd.f32 v31, v29  }
0xb4: {  	v31 =	vmul.f32 v32, v57  }
0xb5: {  	v30 =	vadd.f32 v30, v58;
	v59 =	vperm.xlane v29, v1  }
0xb6: {  	v31 =	vsub.f32 $1.500000000e+00, v31  }
0xb7: {  	v36 =	vperm.xlane v30, v2;
	v29 =	vadd.f32 v59, v29  }
0xb8: {  	v32 =	vmul.f32 v32, v31  }
0xb9: {  	v30 =	vadd.f32 v30, v36;
	v31 =	vperm.xlane v29, v2  }
0xba: {  	v28 =	vmul.f32 v32, v28  }
0xbb: {  	s26 =	simm.s32 $0x1F0;
	v22 =	vsub.f32 v22, v40;
	v60 =	vperm.xlane v30, v3;
	v61 =	vadd.f32 v31, v29  }
0xbc: {  	v37 =	vld [tilespmem:s26+$0x104F0];
	v51 =	vsub.f32 v20, v40;
	v52 =	vsub.f32 v21, v40;
	v20 =	vmul.f32 v28, v32  }
0xbd: {  	v39 =	vld [tilespmem:s26+$0x104E0];
	v31 =	vsub.f32 v23, v40;
	v21 =	vadd.f32 v30, v60;
	v23 =	vperm.xlane v61, v3  }
0xbe: {  	v33 =	vld [tilespmem:s26+$0x10490];
	v30 =	vsub.f32 v24, v40;
	v20 =	vsub.f32 $1.500000000e+00, v20  }
0xbf: {  	v42 =	vld [tilespmem:s26+$0x104D0];
	v29 =	vsub.f32 v25, v40;
	v21 =	vmul.f32 $7.812500000e-03, v21;
	v23 =	vadd.f32 v23, v61  }
0xc0: {  	v41 =	vld [tilespmem:s26+$0xB490];
	v28 =	vsub.f32 v26, v40;
	v32 =	vmul.f32 v20, v32;
	v20 =	vsub.f32 v27, v40  }
0xc1: {  	v46 =	vld [tilespmem:s26+$0x64C0];
	v24 =	vmul.f32 v21, v21;
	v26 =	vsub.f32 v35, v21;
	v23 =	vmul.f32 $7.812500000e-03, v23  }
0xc2: {  	v44 =	vld [tilespmem:s26+$0x104C0];
	v25 =	vsub.f32 v47, v21;
	v27 =	vsub.f32 v34, v21;
	v20 =	vmul.f32 v32, v20  }
0xc3: {  	v45 =	vld [tilespmem:s26+$0x104B0];
	v62 =	vsub.f32 v23, v24;
	v24 =	vsub.f32 v48, v21;
	v34 =	vmul.f32 v32, v22  }
0xc4: {  	v35 =	vld [tilespmem:s26+$0x64B0];
	v23 =	vsub.f32 v43, v21;
	v22 =	vsub.f32 v49, v21;
	v63 =	vmul.f32 v20, v11  }
0xc5: {  	v47 =	vld [tilespmem:s26+$0x64A0];
	v36 =	vmul.f32 v32, v51;
	v49 =	vadd.f32 $9.999999970e-07, v62;
	v20 =	vsub.f32 v50, v21  }
0xc6: {  	s18 =	simm.s32 $0xBC0;
	v40 =	vld [tilespmem:s26+$0x6490];
	v21 =	vsub.f32 v38, v21;
	v38 =	vmul.f32 v32, v52;
	v43 =	vadd.f32 v63, v19  }
.LBB2_3:
0xc7: {  	p1 =	sne.s32 s18, $0x9FC0;
	v48 =	vld [tilespmem:s26+$0xB4A0];
	v50 =	vshrl.u32 v49, $0x1;
	v49 =	vmul.f32 $5.000000000e-01, v49;
	v31 =	vmul.f32 v32, v31  }
0xc8: {  	v30 =	vmul.f32 v32, v30;
	v52 =	vmul.f32 v32, v29;
	v51 =	vld [tilespmem:s26+$0xB4B0];
	v50 =	vsub.s32 $0x5F375A86, v50;
	[tilespmem:s25+$0x15500] =	vst v43  }
0xc9: {  	v53 =	vmul.f32 v32, v28;
	v29 =	vld [tilespmem:s26+$0x104A0];
	v43 =	vmul.f32 v50, v49  }
0xca: {  	v55 =	vmul.f32 v34, v4;
	v32 =	vmul.f32 v36, v5;
	v54 =	vld [tilespmem:s26+$0xB4C0]  }
0xcb: {  	v36 =	vmul.f32 v38, v6;
	v56 =	vld [tilespmem:s26+$0x64D0];
	v28 =	vmul.f32 v50, v43  }
0xcc: {  	v34 =	vmul.f32 v31, v7;
	v38 =	vadd.f32 v41, v40;
	v40 =	vadd.f32 v48, v47;
	v41 =	vld [tilespmem:s26+$0xB4D0]  }
0xcd: {  	v43 =	vadd.f32 v51, v35;
	v47 =	vld [tilespmem:s26+$0x64E0];
	v48 =	vsub.f32 $1.500000000e+00, v28;
	v35 =	vmul.f32 v30, v8  }
0xce: {  	v31 =	vadd.f32 v33, v38;
	v33 =	vmul.f32 v52, v9;
	v29 =	vadd.f32 v29, v40;
	v38 =	vld [tilespmem:s26+$0xB4E0]  }
0xcf: {  	v28 =	vadd.f32 v45, v43;
	v30 =	vadd.f32 v54, v46;
	v40 =	vld [tilespmem:s26+$0x64F0];
	v43 =	vmul.f32 v50, v48  }
0xd0: {  	v45 =	vmul.f32 v31, v31;
	v46 =	vadd.f32 v29, v31;
	v48 =	vmul.f32 v29, v29;
	v50 =	vld [tilespmem:s26+$0xB4F0]  }
0xd1: {  	v30 =	vadd.f32 v44, v30;
	v41 =	vadd.f32 v41, v56;
	v44 =	vld [tilespmem:s26+$0x6500];
	v49 =	vmul.f32 v43, v49  }
0xd2: {  	v45 =	vadd.f32 v48, v45;
	v46 =	vadd.f32 v28, v46;
	v48 =	vmul.f32 v28, v28;
	v51 =	vld [tilespmem:s26+$0xB500]  }
0xd3: {  	v52 =	vld [tilespmem:s26+$0x6410];
	v42 =	vadd.f32 v42, v41;
	v38 =	vadd.f32 v38, v47;
	v41 =	vmul.f32 v49, v43  }
0xd4: {  	v47 =	vmul.f32 v30, v30;
	v45 =	vadd.f32 v48, v45;
	v46 =	vadd.f32 v30, v46;
	v48 =	vld [tilespmem:s26+$0x10500]  }
0xd5: {  	v49 =	vld [tilespmem:s26+$0xB410];
	v39 =	vadd.f32 v39, v38;
	v40 =	vadd.f32 v50, v40;
	v38 =	vmul.f32 v53, v10  }
0xd6: {  	v50 =	vld [tilespmem:s26+$0x6420];
	v45 =	vadd.f32 v47, v45;
	v46 =	vadd.f32 v42, v46;
	v47 =	vmul.f32 v42, v42  }
0xd7: {  	v53 =	vld [tilespmem:s26+$0xB420];
	v37 =	vadd.f32 v37, v40;
	v40 =	vadd.f32 v51, v44  }
0xd8: {  	v44 =	vld [tilespmem:s26+$0x10410];
	v45 =	vadd.f32 v47, v45;
	v46 =	vadd.f32 v39, v46;
	v47 =	vmul.f32 v39, v39  }
0xd9: {  	v41 =	vsub.f32 $1.500000000e+00, v41;
	v51 =	vld [tilespmem:s26+$0x10420];
	v40 =	vadd.f32 v48, v40  }
0xda: {  	v48 =	vld [tilespmem:s26+$0x6430];
	v45 =	vadd.f32 v47, v45;
	v46 =	vadd.f32 v37, v46;
	v47 =	vmul.f32 v37, v37  }
0xdb: {  	v54 =	vadd.f32 v55, v12;
	v43 =	vmul.f32 v41, v43;
	v49 =	vadd.f32 v49, v52;
	v52 =	vld [tilespmem:s26+$0xB430]  }
0xdc: {  	v55 =	vld [tilespmem:s26+$0x10430];
	v45 =	vadd.f32 v47, v45;
	v46 =	vadd.f32 v40, v46;
	v47 =	vmul.f32 v40, v40  }
0xdd: {  	v27 =	vmul.f32 v43, v27;
	v41 =	vadd.f32 v44, v49;
	v44 =	vadd.f32 v53, v50;
	v49 =	vld [tilespmem:s26+$0x6440];
	[tilespmem:s25+$0x15490] =	vst v54  }
0xde: {  	v53 =	vmul.f32 v43, v26;
	v50 =	vld [tilespmem:s26+$0xB440];
	v45 =	vadd.f32 v47, v45;
	v47 =	vperm.xlane v46, v0  }
0xdf: {  	v25 =	vmul.f32 v43, v25;
	v54 =	vmul.f32 v41, v41;
	v26 =	vadd.f32 v51, v44;
	v44 =	vld [tilespmem:s26+$0x10440]  }
0xe0: {  	v48 =	vadd.f32 v52, v48;
	v51 =	vld [tilespmem:s26+$0x6450];
	v46 =	vadd.f32 v46, v47;
	v47 =	vperm.xlane v45, v0  }
0xe1: {  	v58 =	vmul.f32 v43, v24;
	v52 =	vadd.f32 v26, v41;
	v56 =	vmul.f32 v26, v26;
	v57 =	vld [tilespmem:s26+$0xB450]  }
0xe2: {  	v24 =	vadd.f32 v55, v48;
	v48 =	vld [tilespmem:s26+$0x10450];
	v55 =	vperm.xlane v46, v1;
	v45 =	vadd.f32 v47, v45  }
0xe3: {  	v47 =	vadd.f32 v56, v54;
	v49 =	vadd.f32 v50, v49;
	v50 =	vld [tilespmem:s26+$0x6460];
	v54 =	vmul.f32 v43, v23  }
0xe4: {  	v52 =	vadd.f32 v24, v52;
	v56 =	vld [tilespmem:s26+$0xB460];
	v46 =	vadd.f32 v46, v55;
	v55 =	vperm.xlane v45, v1  }
0xe5: {  	v59 =	vmul.f32 v24, v24;
	v23 =	vadd.f32 v44, v49;
	v44 =	vld [tilespmem:s26+$0x10460];
	v49 =	vmul.f32 v43, v22  }
0xe6: {  	v22 =	vadd.f32 v57, v51;
	v51 =	vld [tilespmem:s26+$0x6470];
	v57 =	vperm.xlane v46, v2;
	v45 =	vadd.f32 v55, v45  }
0xe7: {  	v47 =	vadd.f32 v59, v47;
	v52 =	vadd.f32 v23, v52;
	v55 =	vmul.f32 v23, v23;
	v59 =	vld [tilespmem:s26+$0xB470]  }
0xe8: {  	v22 =	vadd.f32 v48, v22;
	v48 =	vld [tilespmem:s26+$0x10470];
	v46 =	vadd.f32 v46, v57;
	v57 =	vperm.xlane v45, v2  }
0xe9: {  	v47 =	vadd.f32 v55, v47;
	v50 =	vadd.f32 v56, v50;
	v55 =	vld [tilespmem:s26+$0x6480];
	v56 =	vmul.f32 v43, v20  }
0xea: {  	v52 =	vadd.f32 v22, v52;
	v60 =	vld [tilespmem:s26+$0xB480];
	v61 =	vperm.xlane v46, v3;
	v45 =	vadd.f32 v57, v45  }
0xeb: {  	v57 =	vmul.f32 v22, v22;
	v20 =	vadd.f32 v44, v50;
	v44 =	vld [tilespmem:s26+$0x10480];
	v50 =	vmul.f32 v43, v21  }
0xec: {  	v21 =	vadd.f32 v59, v51;
	v43 =	vadd.f32 v46, v61;
	v46 =	vperm.xlane v45, v3  }
0xed: {  	v47 =	vadd.f32 v57, v47;
	v51 =	vadd.f32 v20, v52;
	v52 =	vmul.f32 v20, v20  }
0xee: {  	v21 =	vadd.f32 v48, v21;
	v48 =	vmul.f32 $7.812500000e-03, v43;
	v43 =	vadd.f32 v46, v45  }
0xef: {  	v27 =	vmul.f32 v27, v4;
	v45 =	vadd.f32 v52, v47;
	v46 =	vadd.f32 v60, v55  }
0xf0: {  	v47 =	vadd.f32 v21, v51;
	v51 =	vmul.f32 $7.812500000e-03, v43;
	v52 =	vmul.f32 v48, v48  }
0xf1: {  	v55 =	vmul.f32 v21, v21;
	v57 =	vsub.f32 v31, v48;
	v43 =	vadd.f32 v44, v46  }
0xf2: {  	v44 =	vmul.f32 v53, v5;
	v31 =	vsub.f32 v51, v52;
	v51 =	vsub.f32 v29, v48  }
0xf3: {  	v29 =	vadd.f32 v55, v45;
	v45 =	vadd.f32 v43, v47;
	v46 =	vmul.f32 v43, v43  }
0xf4: {  	v25 =	vmul.f32 v25, v6;
	v52 =	vsub.f32 v28, v48;
	v47 =	vadd.f32 $9.999999970e-07, v31  }
0xf5: {  	v31 =	vsub.f32 v30, v48;
	v46 =	vadd.f32 v46, v29;
	v28 =	vperm.xlane v45, v0  }
0xf6: {  	v30 =	vsub.f32 v42, v48;
	v29 =	vshrl.u32 v47, $0x1;
	v47 =	vmul.f32 $5.000000000e-01, v47  }
0xf7: {  	v42 =	vadd.f32 v45, v28;
	v45 =	vperm.xlane v46, v0;
	v53 =	vsub.s32 $0x5F375A86, v29  }
0xf8: {  	v29 =	vsub.f32 v39, v48;
	v28 =	vsub.f32 v37, v48;
	v55 =	vmul.f32 v53, v47  }
0xf9: {  	v37 =	vperm.xlane v42, v1;
	v39 =	vadd.f32 v45, v46;
	v45 =	vmul.f32 v58, v7  }
0xfa: {  	v27 =	vadd.f32 v27, v12;
	v54 =	vmul.f32 v54, v8;
	v46 =	vmul.f32 v53, v55  }
0xfb: {  	v49 =	vmul.f32 v49, v9;
	v37 =	vadd.f32 v42, v37;
	v42 =	vperm.xlane v39, v1  }
0xfc: {  	v50 =	vmul.f32 v50, v11;
	v46 =	vsub.f32 $1.500000000e+00, v46;
	[tilespmem:s25+$0x15410] =	vst v27;
	v27 =	vmul.f32 v56, v10  }
0xfd: {  	v55 =	vperm.xlane v37, v2;
	v39 =	vadd.f32 v42, v39;
	v42 =	vadd.f32 v44, v13  }
0xfe: {  	v25 =	vadd.f32 v25, v14;
	v44 =	vadd.f32 v45, v15;
	v46 =	vmul.f32 v53, v46  }
0xff: {  	v45 =	vadd.f32 v37, v55;
	v37 =	vperm.xlane v39, v2;
	[tilespmem:s25+$0x15420] =	vst v42;
	v42 =	vadd.f32 v54, v16  }
0x100: {  	v27 =	vadd.f32 v27, v18;
	v47 =	vmul.f32 v46, v47;
	[tilespmem:s25+$0x15430] =	vst v25;
	v25 =	vadd.f32 v49, v17  }
0x101: {  	s10 =	sshra.s32 s18, $0x2;
	v50 =	vadd.f32 v50, v19;
	v49 =	vperm.xlane v45, v3;
	v53 =	vadd.f32 v37, v39;
	[tilespmem:s25+$0x15440] =	vst v44  }
0x102: {  	v36 =	vadd.f32 v36, v14;
	v37 =	vld [tilespmem:s10+$0x104F0];
	v44 =	vmul.f32 v47, v46;
	[tilespmem:s25+$0x15450] =	vst v42;
	v47 =	vadd.f32 v32, v13  }
0x103: {  	v34 =	vadd.f32 v34, v15;
	v39 =	vld [tilespmem:s10+$0x104E0];
	v32 =	vadd.f32 v45, v49;
	v45 =	vperm.xlane v53, v3;
	[tilespmem:s25+$0x15460] =	vst v25  }
0x104: {  	v49 =	vadd.f32 v35, v16;
	v42 =	vld [tilespmem:s10+$0x104D0];
	v25 =	vsub.f32 $1.500000000e+00, v44;
	[tilespmem:s25+$0x15470] =	vst v27  }
0x105: {  	v44 =	vld [tilespmem:s10+$0x104C0];
	v54 =	vmul.f32 $7.812500000e-03, v32;
	v27 =	vadd.f32 v45, v53;
	[tilespmem:s25+$0x15480] =	vst v50;
	v50 =	vadd.f32 v33, v17  }
0x106: {  	v38 =	vadd.f32 v38, v18;
	v35 =	vsub.f32 v40, v48;
	v45 =	vld [tilespmem:s10+$0x104B0];
	v32 =	vmul.f32 v25, v46;
	[tilespmem:s25+$0x154A0] =	vst v47  }
0x107: {  	v46 =	vld [tilespmem:s10+$0x64C0];
	v40 =	vmul.f32 $7.812500000e-03, v27;
	v47 =	vmul.f32 v54, v54;
	v27 =	vsub.f32 v41, v54;
	[tilespmem:s25+$0x154B0] =	vst v36  }
.Ltmp0:
0x108: {  	v26 =	vsub.f32 v26, v54;
	v25 =	vsub.f32 v24, v54;
	v33 =	vld [tilespmem:s10+$0x10490];
	v36 =	vmul.f32 v32, v35;
	[tilespmem:s25+$0x154C0] =	vst v34;
	(pc) =	sbr.rel @p1 .LBB2_3-.Ltmp0, $4  }
0x109: {  	v24 =	vsub.f32 v23, v54;
	v34 =	vmul.f32 v32, v57;
	v35 =	vld [tilespmem:s10+$0x64B0];
	v47 =	vsub.f32 v40, v47;
	[tilespmem:s25+$0x154D0] =	vst v49  }
0x10a: {  	v23 =	vsub.f32 v22, v54;
	v22 =	vsub.f32 v20, v54;
	v40 =	vld [tilespmem:s10+$0x6490];
	v48 =	vmul.f32 v36, v11;
	[tilespmem:s25+$0x154E0] =	vst v50  }
0x10b: {  	v20 =	vsub.f32 v21, v54;
	v36 =	vmul.f32 v32, v51;
	v41 =	vld [tilespmem:s10+$0xB490];
	v49 =	vadd.f32 $9.999999970e-07, v47;
	[tilespmem:s25+$0x154F0] =	vst v38;
	s25 =	smov.u32 s26;
	s26 =	smov.u32 s10  }
0x10c: {  	s18 =	sadd.s32 $0x400, s18;
	v21 =	vsub.f32 v43, v54;
	v38 =	vmul.f32 v32, v52;
	v47 =	vld [tilespmem:s26+$0x64A0];
	v43 =	vadd.f32 v48, v19  }
0x10d: {  	v48 =	vld [tilespmem:s26+$0xB4A0]  }
0x10e: {  	v50 =	vld [tilespmem:s26+$0xB4B0];
	[tilespmem:s25+$0x15500] =	vst v43  }
0x10f: {  	v51 =	vld [tilespmem:s26+$0x104A0]  }
0x110: {  	v52 =	vld [tilespmem:s26+$0xB4C0]  }
0x111: {  	v53 =	vld [tilespmem:s26+$0x64D0]  }
0x112: {  	v54 =	vld [tilespmem:s26+$0xB4D0]  }
0x113: {  	v55 =	vld [tilespmem:s26+$0x64E0]  }
0x114: {  	v56 =	vld [tilespmem:s26+$0xB4E0]  }
0x115: {  	v57 =	vld [tilespmem:s26+$0x64F0]  }
0x116: {  	v58 =	vld [tilespmem:s26+$0xB4F0]  }
0x117: {  	v59 =	vld [tilespmem:s26+$0x6500]  }
0x118: {  	v60 =	vld [tilespmem:s26+$0xB500]  }
0x119: {  	v61 =	vld [tilespmem:s26+$0x6410];
	v40 =	vadd.f32 v41, v40  }
0x11a: {  	v62 =	vld [tilespmem:s26+$0x10500];
	v47 =	vadd.f32 v48, v47;
	v35 =	vadd.f32 v50, v35  }
0x11b: {  	v50 =	vld [tilespmem:s26+$0xB410];
	v43 =	vadd.f32 v33, v40  }
0x11c: {  	v34 =	vmul.f32 v34, v4;
	v33 =	vld [tilespmem:s26+$0x6420];
	v41 =	vadd.f32 v51, v47;
	v40 =	vadd.f32 v45, v35  }
0x11d: {  	v35 =	vld [tilespmem:s26+$0xB420];
	v45 =	vadd.f32 v52, v46;
	v52 =	vadd.f32 v54, v53  }
0x11e: {  	v34 =	vadd.f32 v34, v12;
	v46 =	vmul.f32 v43, v43;
	v51 =	vld [tilespmem:s26+$0x10410];
	v63 =	vadd.f32 v41, v43  }
0x11f: {  	v53 =	vld [tilespmem:s26+$0x10420];
	v47 =	vmul.f32 v41, v41;
	v44 =	vadd.f32 v44, v45;
	v45 =	vadd.f32 v42, v52  }
0x120: {  	v54 =	vld [tilespmem:s26+$0x6430];
	v52 =	vadd.f32 v56, v55;
	v61 =	vadd.f32 v50, v61  }
0x121: {  	v42 =	vld [tilespmem:s26+$0xB430];
	v46 =	vadd.f32 v47, v46;
	v47 =	vadd.f32 v40, v63;
	v63 =	vmul.f32 v40, v40  }
0x122: {  	v55 =	vld [tilespmem:s26+$0x10430];
	v50 =	vadd.f32 v60, v59;
	v33 =	vadd.f32 v35, v33  }
0x123: {  	v56 =	vmul.f32 v44, v44;
	v46 =	vadd.f32 v63, v46;
	v48 =	vadd.f32 v44, v47;
	v63 =	vld [tilespmem:s26+$0x6440];
	[tilespmem:s25+$0x15490] =	vst v34  }
0x124: {  	v47 =	vadd.f32 v39, v52;
	v39 =	vadd.f32 v58, v57;
	v52 =	vld [tilespmem:s26+$0xB440]  }
0x125: {  	v57 =	vld [tilespmem:s26+$0x6450];
	v33 =	vadd.f32 v53, v33;
	v34 =	vadd.f32 v56, v46;
	v56 =	vmul.f32 v45, v45  }
0x126: {  	v46 =	vadd.f32 v45, v48;
	v48 =	vadd.f32 v37, v39;
	v39 =	vld [tilespmem:s26+$0x10440]  }
0x127: {  	v56 =	vadd.f32 v56, v34;
	v34 =	vadd.f32 v51, v61;
	v51 =	vld [tilespmem:s26+$0xB450]  }
0x128: {  	v61 =	vadd.f32 v42, v54;
	v42 =	vld [tilespmem:s26+$0x10450]  }
0x129: {  	v60 =	vmul.f32 v47, v47;
	v37 =	vadd.f32 v62, v50;
	v58 =	vmul.f32 v33, v33;
	v54 =	vld [tilespmem:s26+$0x6460]  }
0x12a: {  	v50 =	vmul.f32 v34, v34;
	v35 =	vadd.f32 v55, v61;
	v52 =	vadd.f32 v52, v63;
	v55 =	vld [tilespmem:s26+$0xB460]  }
0x12b: {  	v53 =	vadd.f32 v60, v56;
	v56 =	vmul.f32 v48, v48;
	v59 =	vadd.f32 v33, v34;
	v60 =	vld [tilespmem:s26+$0x10460]  }
0x12c: {  	v50 =	vadd.f32 v58, v50;
	v61 =	vmul.f32 v35, v35;
	v39 =	vadd.f32 v39, v52;
	v52 =	vld [tilespmem:s26+$0x6470]  }
0x12d: {  	v59 =	vadd.f32 v35, v59;
	v51 =	vadd.f32 v51, v57;
	v57 =	vld [tilespmem:s26+$0xB470]  }
0x12e: {  	v63 =	vmul.f32 v37, v37;
	v53 =	vadd.f32 v56, v53;
	v58 =	vld [tilespmem:s26+$0x10470];
	v50 =	vadd.f32 v61, v50  }
0x12f: {  	v62 =	vmul.f32 v39, v39;
	v59 =	vadd.f32 v39, v59;
	v42 =	vadd.f32 v42, v51;
	v51 =	vld [tilespmem:s26+$0x6480]  }
0x130: {  	v56 =	vshrl.u32 v49, $0x1;
	v61 =	vadd.f32 v47, v46;
	v54 =	vadd.f32 v55, v54;
	v55 =	vld [tilespmem:s26+$0xB480]  }
0x131: {  	v49 =	vmul.f32 $5.000000000e-01, v49;
	v50 =	vadd.f32 v62, v50;
	v59 =	vadd.f32 v42, v59  }
0x132: {  	v46 =	vadd.f32 v60, v54;
	v54 =	vmul.f32 v42, v42;
	v52 =	vadd.f32 v57, v52;
	v57 =	vld [tilespmem:s26+$0x10480]  }
0x133: {  	v56 =	vsub.s32 $0x5F375A86, v56;
	v60 =	vmul.f32 v32, v31;
	v31 =	vadd.f32 v48, v61  }
0x134: {  	v50 =	vadd.f32 v54, v50;
	v54 =	vadd.f32 v46, v59;
	v59 =	vmul.f32 v46, v46  }
0x135: {  	v61 =	vmul.f32 v32, v30;
	v30 =	vadd.f32 v58, v52;
	v51 =	vadd.f32 v55, v51  }
0x136: {  	v62 =	vmul.f32 v56, v49;
	v52 =	vadd.f32 v37, v31;
	v50 =	vadd.f32 v59, v50  }
0x137: {  	v54 =	vadd.f32 v30, v54;
	v58 =	vmul.f32 v30, v30;
	v31 =	vadd.f32 v57, v51  }
0x138: {  	v53 =	vadd.f32 v63, v53;
	v63 =	vperm.xlane v52, v0;
	v51 =	vmul.f32 v56, v62  }
0x139: {  	v50 =	vadd.f32 v58, v50;
	v54 =	vadd.f32 v31, v54;
	v57 =	vmul.f32 v31, v31  }
0x13a: {  	v29 =	vmul.f32 v32, v29;
	v55 =	vperm.xlane v53, v0;
	v52 =	vadd.f32 v52, v63  }
0x13b: {  	v51 =	vsub.f32 $1.500000000e+00, v51;
	v50 =	vadd.f32 v57, v50;
	v62 =	vperm.xlane v54, v0  }
0x13c: {  	v28 =	vmul.f32 v32, v28;
	v53 =	vadd.f32 v55, v53;
	v63 =	vperm.xlane v52, v1  }
0x13d: {  	v51 =	vmul.f32 v56, v51;
	v32 =	vadd.f32 v54, v62;
	v62 =	vperm.xlane v50, v0  }
0x13e: {  	v36 =	vmul.f32 v36, v5;
	v55 =	vperm.xlane v53, v1;
	v52 =	vadd.f32 v52, v63  }
0x13f: {  	v49 =	vmul.f32 v51, v49;
	v63 =	vperm.xlane v32, v1;
	v50 =	vadd.f32 v62, v50  }
0x140: {  	v29 =	vmul.f32 v29, v9;
	v53 =	vadd.f32 v55, v53;
	v59 =	vperm.xlane v52, v2  }
0x141: {  	v49 =	vmul.f32 v49, v51;
	v32 =	vadd.f32 v32, v63;
	v62 =	vperm.xlane v50, v1  }
0x142: {  	v56 =	vmul.f32 v60, v7;
	v52 =	vadd.f32 v52, v59;
	v63 =	vperm.xlane v53, v2  }
0x143: {  	v49 =	vsub.f32 $1.500000000e+00, v49;
	v60 =	vperm.xlane v32, v2;
	v50 =	vadd.f32 v62, v50  }
0x144: {  	v28 =	vmul.f32 v28, v10;
	v62 =	vperm.xlane v52, v3;
	v53 =	vadd.f32 v63, v53  }
0x145: {  	v49 =	vmul.f32 v49, v51;
	v32 =	vadd.f32 v32, v60;
	v63 =	vperm.xlane v50, v2  }
0x146: {  	v54 =	vmul.f32 v61, v8;
	v60 =	vadd.f32 v52, v62;
	v61 =	vperm.xlane v53, v3  }
0x147: {  	v27 =	vmul.f32 v49, v27;
	v62 =	vperm.xlane v32, v3;
	v50 =	vadd.f32 v63, v50  }
0x148: {  	v26 =	vmul.f32 v49, v26;
	v25 =	vmul.f32 v49, v25;
	v52 =	vadd.f32 v61, v53  }
0x149: {  	v51 =	vmul.f32 $7.812500000e-03, v60;
	v32 =	vadd.f32 v32, v62;
	v63 =	vperm.xlane v50, v3  }
0x14a: {  	v24 =	vmul.f32 v49, v24;
	v52 =	vmul.f32 $7.812500000e-03, v52  }
0x14b: {  	v57 =	vmul.f32 v51, v51;
	v32 =	vmul.f32 $7.812500000e-03, v32;
	v50 =	vadd.f32 v63, v50  }
0x14c: {  	v23 =	vmul.f32 v49, v23;
	v22 =	vmul.f32 v49, v22  }
0x14d: {  	v52 =	vsub.f32 v52, v57;
	v50 =	vmul.f32 $7.812500000e-03, v50;
	v58 =	vmul.f32 v32, v32  }
0x14e: {  	v29 =	vadd.f32 v29, v17;
	v20 =	vmul.f32 v49, v20;
	v21 =	vmul.f32 v49, v21  }
0x14f: {  	v27 =	vmul.f32 v27, v4;
	v52 =	vadd.f32 $9.999999970e-07, v52;
	v59 =	vsub.f32 v50, v58  }
0x150: {  	v28 =	vadd.f32 v28, v18;
	v26 =	vmul.f32 v26, v5;
	v25 =	vmul.f32 v25, v6  }
0x151: {  	v60 =	vshrl.u32 v52, $0x1;
	v52 =	vmul.f32 $5.000000000e-01, v52;
	v49 =	vadd.f32 $9.999999970e-07, v59  }
0x152: {  	v24 =	vmul.f32 v24, v7;
	v23 =	vmul.f32 v23, v8;
	v50 =	vsub.s32 $0x5F375A86, v60  }
0x153: {  	v61 =	vmul.f32 v50, v52;
	v62 =	vshrl.u32 v49, $0x1;
	v49 =	vmul.f32 $5.000000000e-01, v49  }
0x154: {  	v43 =	vsub.f32 v43, v51;
	v41 =	vsub.f32 v41, v51;
	v55 =	vsub.s32 $0x5F375A86, v62  }
0x155: {  	v40 =	vsub.f32 v40, v51;
	v53 =	vmul.f32 v50, v61;
	v63 =	vmul.f32 v55, v49  }
0x156: {  	v22 =	vmul.f32 v22, v9;
	v44 =	vsub.f32 v44, v51;
	v45 =	vsub.f32 v45, v51  }
0x157: {  	v27 =	vadd.f32 v27, v12;
	v53 =	vsub.f32 $1.500000000e+00, v53;
	v57 =	vmul.f32 v55, v63  }
0x158: {  	v20 =	vmul.f32 v20, v10;
	v47 =	vsub.f32 v47, v51;
	v26 =	vadd.f32 v26, v13  }
0x159: {  	v25 =	vadd.f32 v25, v14;
	[tilespmem:s25+$0x15410] =	vst v27;
	v50 =	vmul.f32 v50, v53;
	v59 =	vsub.f32 $1.500000000e+00, v57  }
0x15a: {  	v21 =	vmul.f32 v21, v11;
	v48 =	vsub.f32 v48, v51;
	v24 =	vadd.f32 v24, v15;
	[tilespmem:s25+$0x15420] =	vst v26  }
0x15b: {  	v23 =	vadd.f32 v23, v16;
	[tilespmem:s25+$0x15430] =	vst v25;
	v52 =	vmul.f32 v50, v52;
	v27 =	vmul.f32 v55, v59  }
0x15c: {  	v38 =	vmul.f32 v38, v6;
	v22 =	vadd.f32 v22, v17;
	v20 =	vadd.f32 v20, v18;
	[tilespmem:s25+$0x15440] =	vst v24  }
0x15d: {  	v21 =	vadd.f32 v21, v19;
	[tilespmem:s25+$0x15450] =	vst v23;
	v26 =	vmul.f32 v52, v50;
	v61 =	vmul.f32 v27, v49  }
0x15e: {  	v25 =	vadd.f32 v36, v13;
	v24 =	vadd.f32 v56, v15;
	[tilespmem:s25+$0x15460] =	vst v22  }
0x15f: {  	[tilespmem:s25+$0x15470] =	vst v20;
	v60 =	vadd.f32 v38, v14;
	v26 =	vsub.f32 $1.500000000e+00, v26;
	v38 =	vmul.f32 v61, v27  }
0x160: {  	v23 =	vadd.f32 v54, v16;
	v22 =	vsub.f32 v37, v51;
	[tilespmem:s25+$0x15480] =	vst v21  }
0x161: {  	v21 =	vsub.f32 v33, v32;
	[tilespmem:s25+$0x154A0] =	vst v25;
	v20 =	vmul.f32 v26, v50;
	v62 =	vsub.f32 $1.500000000e+00, v38  }
0x162: {  	v25 =	vsub.f32 v39, v32;
	[tilespmem:s25+$0x154C0] =	vst v24;
	v24 =	vsub.f32 v30, v32  }
0x163: {  	v26 =	vsub.f32 v34, v32;
	v22 =	vmul.f32 v20, v22;
	v27 =	vmul.f32 v62, v27  }
0x164: {  	[tilespmem:s25+$0x154D0] =	vst v23;
	v23 =	vsub.f32 v31, v32;
	v63 =	vsub.f32 v35, v32;
	v43 =	vmul.f32 v20, v43  }
0x165: {  	v49 =	vsub.f32 v42, v32;
	v22 =	vmul.f32 v22, v11;
	v26 =	vmul.f32 v27, v26  }
0x166: {  	[tilespmem:s25+$0x154E0] =	vst v29;
	v50 =	vsub.f32 v46, v32;
	v30 =	vmul.f32 v43, v4;
	v21 =	vmul.f32 v27, v21  }
0x167: {  	[tilespmem:s25+$0x154F0] =	vst v28;
	v22 =	vadd.f32 v22, v19;
	v25 =	vmul.f32 v27, v25;
	v26 =	vmul.f32 v26, v4  }
0x168: {  	[tilespmem:s25+$0x154B0] =	vst v60;
	v28 =	vadd.f32 v30, v12;
	v24 =	vmul.f32 v27, v24;
	v21 =	vmul.f32 v21, v5  }
0x169: {  	v29 =	vmul.f32 v27, v63;
	[tilespmem:s26+$0x15500] =	vst v22;
	v25 =	vmul.f32 v25, v7;
	v26 =	vadd.f32 v26, v12  }
0x16a: {  	v22 =	vmul.f32 v27, v49;
	[tilespmem:s26+$0x15490] =	vst v28;
	v24 =	vmul.f32 v24, v10;
	v21 =	vadd.f32 v21, v13  }
0x16b: {  	v29 =	vmul.f32 v29, v6;
	v28 =	vmul.f32 v27, v50;
	v25 =	vadd.f32 v25, v15;
	[tilespmem:s26+$0x15410] =	vst v26  }
0x16c: {  	v23 =	vmul.f32 v27, v23;
	v22 =	vmul.f32 v22, v8;
	v24 =	vadd.f32 v24, v18;
	[tilespmem:s26+$0x15420] =	vst v21  }
0x16d: {  	v27 =	vmul.f32 v28, v9;
	v26 =	vadd.f32 v29, v14;
	v21 =	vmul.f32 v20, v41;
	[tilespmem:s26+$0x15440] =	vst v25  }
0x16e: {  	v23 =	vmul.f32 v23, v11;
	v22 =	vadd.f32 v22, v16;
	v25 =	vmul.f32 v20, v44;
	[tilespmem:s26+$0x15470] =	vst v24  }
0x16f: {  	v27 =	vadd.f32 v27, v17;
	[tilespmem:s26+$0x15430] =	vst v26;
	v26 =	vmul.f32 v20, v40;
	v21 =	vmul.f32 v21, v5  }
0x170: {  	v23 =	vadd.f32 v23, v19;
	[tilespmem:s26+$0x15450] =	vst v22;
	v22 =	vmul.f32 v20, v45;
	v25 =	vmul.f32 v25, v7  }
0x171: {  	[tilespmem:s26+$0x15460] =	vst v27;
	v27 =	vmul.f32 v20, v47;
	v26 =	vmul.f32 v26, v6;
	v21 =	vadd.f32 v21, v13  }
0x172: {  	[tilespmem:s26+$0x15480] =	vst v23;
	v20 =	vmul.f32 v20, v48;
	v22 =	vmul.f32 v22, v8;
	v25 =	vadd.f32 v25, v15  }
0x173: {  	v23 =	vmul.f32 v27, v9;
	v24 =	vadd.f32 v26, v14;
	[tilespmem:s26+$0x154A0] =	vst v21  }
0x174: {  	v20 =	vmul.f32 v20, v10;
	v21 =	vadd.f32 v22, v16;
	[tilespmem:s26+$0x154C0] =	vst v25  }
0x175: {  	v22 =	vadd.f32 v23, v17;
	[tilespmem:s26+$0x154B0] =	vst v24  }
0x176: {  	s10 =	sadd.s32 s8, s24;
	v20 =	vadd.f32 v20, v18;
	[tilespmem:s26+$0x154D0] =	vst v21  }
0x177: {  	s10 =	sshll.u32 s10, $0x4;
	[tilespmem:s26+$0x154E0] =	vst v22  }
0x178: {  	p1 =	seq.s32 s20, $0x27;
	s10 =	sadd.s32 s6, s10;
	[tilespmem:s26+$0x154F0] =	vst v20  }
0x179: {  	[hbm4b:s10+s7] =	stream.linear.scatter [tilespmem:s0], [sflag:$0x4], $0x2800, $0x38;
	[tilespmem:$0x1A600] =	vst v63  }
0x17a: {  	v20 =	vld @!p1 [tilespmem:s24+$0x4BA0]  }
0x17b: {  	v21 =	vld @!p1 [tilespmem:s24+$0x32A0];
	_ =	sdelay $0x3  }
0x17c: {  	v20 =	vshll.u32 @!p1 v20, $0x1  }
0x17d: {  	v20 =	vadd.s32 @!p1 v21, v20  }
0x17e: {  	[tilespmem:$0x6400] =	vst @!p1 v20  }
0x17f: {  	v20 =	vld @!p1 [tilespmem:s24+$0x4BB0]  }
0x180: {  	v21 =	vld @!p1 [tilespmem:s24+$0x32B0];
	_ =	sdelay $0x3  }
0x181: {  	v20 =	vshll.u32 @!p1 v20, $0x1  }
0x182: {  	v20 =	vadd.s32 @!p1 v21, v20  }
0x183: {  	[tilespmem:$0x6410] =	vst @!p1 v20  }
0x184: {  	v20 =	vld @!p1 [tilespmem:s24+$0x4BC0]  }
0x185: {  	v21 =	vld @!p1 [tilespmem:s24+$0x32C0];
	_ =	sdelay $0x3  }
0x186: {  	v20 =	vshll.u32 @!p1 v20, $0x1  }
0x187: {  	v20 =	vadd.s32 @!p1 v21, v20  }
0x188: {  	[tilespmem:$0x6420] =	vst @!p1 v20  }
0x189: {  	v20 =	vld @!p1 [tilespmem:s24+$0x4BD0]  }
0x18a: {  	v21 =	vld @!p1 [tilespmem:s24+$0x32D0];
	_ =	sdelay $0x3  }
0x18b: {  	v20 =	vshll.u32 @!p1 v20, $0x1  }
0x18c: {  	v20 =	vadd.s32 @!p1 v21, v20  }
0x18d: {  	[tilespmem:$0x6430] =	vst @!p1 v20  }
0x18e: {  	v20 =	vld @!p1 [tilespmem:s24+$0x4BE0]  }
0x18f: {  	v21 =	vld @!p1 [tilespmem:s24+$0x32E0];
	_ =	sdelay $0x3  }
0x190: {  	v20 =	vshll.u32 @!p1 v20, $0x1  }
0x191: {  	v20 =	vadd.s32 @!p1 v21, v20  }
0x192: {  	s18 =	simm.s32 @!p1 $0x50;
	s25 =	simm.s32 @!p1 $0x6500;
	s10 =	sadd.s32 @!p1 $0xA0, s24;
	[tilespmem:$0x6440] =	vst @!p1 v20  }
0x193: {  	[tilespmem:s25], [sflag:$0x2] =	stream.indirect.gather @!p1 [hbm4b:s1+s18], $0x80, s10, s18, $0xb8;
	[tilespmem:$0x1A600] =	vst v63  }
0x194: {  	s10 =	sadd.s32 @!p1 $0x19A0, s24;
	s24 =	simm.s32 @!p1 $0xB500  }
0x195: {  	[tilespmem:s24], [sflag:$0x2] =	stream.indirect.gather @!p1 [hbm4b:s2+s18], $0x80, s10, s18, $0xb8;
	[tilespmem:$0x1A600] =	vst v63  }
0x196: {  	s10 =	simm.s32 @!p1 $0x6400;
	s24 =	simm.s32 @!p1 $0x10500  }
0x197: {  	[tilespmem:s24], [sflag:$0x2] =	stream.indirect.gather @!p1 [hbm4b:s9+s18], $0x80, s10, s18, $0xb8;
	[tilespmem:$0x1A600] =	vst v63  }
0x198: {  	_ =	swait.ge [sflag:s3], $0x2800  }
0x199: {  	[sflag:s3] =	ssyncset.done $0x0  }
0x19a: {  	[sflag:s3] =	ssyncadd.s32 $0xFFFFD800  }
0x19b: {  	_ =	swait.ge [sflag:s3], $0x2800  }
0x19c: {  	[sflag:s3] =	ssyncset.done $0x0  }
0x19d: {  	[sflag:s3] =	ssyncadd.s32 $0xFFFFD800  }
0x19e: {  	_ =	swait.ge [sflag:s3], $0x2800  }
0x19f: {  	[sflag:s3] =	ssyncset.done $0x0  }
0x1a0: {  	s10 =	simm.s32 @!p0 $0x5;
	[sflag:s3] =	ssyncadd.s32 $0xFFFFD800  }
0x1a1: {  	_ =	swait.ge @!p0 [sflag:s10], $0x2800  }
0x1a2: {  	[sflag:s10] =	ssyncset.done @!p0 $0x0  }
0x1a3: {  	s24 =	simm.s32 $0x0;
	[sflag:s10] =	ssyncadd.s32 @!p0 $0xFFFFD800  }
0x1a4: {  	v26 =	vld [tilespmem:s24+$0x12DE0]  }
0x1a5: {  	v25 =	vld [tilespmem:s24+$0x12DD0]  }
0x1a6: {  	v24 =	vld [tilespmem:s24+$0x12DC0]  }
0x1a7: {  	v23 =	vld [tilespmem:s24+$0x12DB0]  }
0x1a8: {  	v21 =	vld [tilespmem:s24+$0x12DA0]  }
0x1a9: {  	v27 =	vld [tilespmem:s24+$0x8DB0]  }
0x1aa: {  	v20 =	vld [tilespmem:s24+$0x12D80]  }
0x1ab: {  	v22 =	vld [tilespmem:s24+$0x8DA0]  }
0x1ac: {  	v28 =	vld [tilespmem:s24+$0x8D80]  }
0x1ad: {  	v29 =	vld [tilespmem:s24+$0xDD80]  }
0x1ae: {  	v30 =	vld [tilespmem:s24+$0x8D90]  }
0x1af: {  	v31 =	vld [tilespmem:s24+$0xDD90]  }
0x1b0: {  	v51 =	vld [tilespmem:s24+$0xDDA0]  }
0x1b1: {  	v52 =	vld [tilespmem:s24+$0x12D90]  }
0x1b2: {  	v53 =	vld [tilespmem:s24+$0xDDB0]  }
0x1b3: {  	v54 =	vld [tilespmem:s24+$0x8DC0]  }
0x1b4: {  	v28 =	vadd.f32 v29, v28;
	v29 =	vadd.f32 v31, v30;
	v30 =	vld [tilespmem:s24+$0xDDC0]  }
0x1b5: {  	v55 =	vld [tilespmem:s24+$0x8DD0];
	v31 =	vadd.f32 v51, v22  }
0x1b6: {  	v22 =	vadd.f32 v20, v28;
	v20 =	vadd.f32 v52, v29;
	v28 =	vld [tilespmem:s24+$0xDDD0]  }
0x1b7: {  	v57 =	vld [tilespmem:s24+$0xDDE0];
	v27 =	vadd.f32 v53, v27;
	v21 =	vadd.f32 v21, v31  }
0x1b8: {  	v29 =	vld [tilespmem:s24+$0x8DE0];
	v31 =	vmul.f32 v22, v22;
	v33 =	vadd.f32 v20, v22;
	v56 =	vmul.f32 v20, v20  }
0x1b9: {  	v59 =	vld [tilespmem:s24+$0xDDF0];
	v23 =	vadd.f32 v23, v27;
	v27 =	vadd.f32 v30, v54  }
0x1ba: {  	v58 =	vmul.f32 v21, v21;
	v30 =	vld [tilespmem:s24+$0x8DF0];
	v31 =	vadd.f32 v56, v31;
	v33 =	vadd.f32 v21, v33  }
0x1bb: {  	v60 =	vld [tilespmem:s24+$0x8D00];
	v24 =	vadd.f32 v24, v27;
	v27 =	vadd.f32 v28, v55  }
0x1bc: {  	v62 =	vld [tilespmem:s24+$0x12DF0];
	v61 =	vmul.f32 v23, v23;
	v28 =	vadd.f32 v58, v31;
	v31 =	vadd.f32 v23, v33  }
0x1bd: {  	v63 =	vld [tilespmem:s24+$0xDD00];
	v25 =	vadd.f32 v25, v27;
	v27 =	vadd.f32 v57, v29  }
0x1be: {  	v43 =	vld [tilespmem:s24+$0xDD10];
	v42 =	vmul.f32 v24, v24;
	v28 =	vadd.f32 v61, v28;
	v31 =	vadd.f32 v24, v31  }
0x1bf: {  	v45 =	vld [tilespmem:s24+$0x12D10];
	v26 =	vadd.f32 v26, v27;
	v27 =	vadd.f32 v59, v30  }
0x1c0: {  	v46 =	vld [tilespmem:s24+$0x8D20];
	v44 =	vmul.f32 v25, v25;
	v28 =	vadd.f32 v42, v28;
	v31 =	vadd.f32 v25, v31  }
0x1c1: {  	v48 =	vld [tilespmem:s24+$0xDD20];
	v27 =	vadd.f32 v62, v27  }
0x1c2: {  	v29 =	vld [tilespmem:s24+$0x8D10];
	v47 =	vmul.f32 v26, v26;
	v28 =	vadd.f32 v44, v28;
	v31 =	vadd.f32 v26, v31  }
0x1c3: {  	v49 =	vld [tilespmem:s24+$0x12D20]  }
0x1c4: {  	v30 =	vld [tilespmem:s24+$0x12D00];
	v50 =	vmul.f32 v27, v27;
	v28 =	vadd.f32 v47, v28;
	v31 =	vadd.f32 v27, v31  }
0x1c5: {  	v51 =	vld [tilespmem:s24+$0x8D30]  }
0x1c6: {  	v52 =	vld [tilespmem:s24+$0xDD30];
	v28 =	vadd.f32 v50, v28;
	v53 =	vperm.xlane v31, v0  }
0x1c7: {  	v34 =	vadd.f32 v63, v60;
	v57 =	vld [tilespmem:s24+$0xDD40];
	v29 =	vadd.f32 v43, v29  }
0x1c8: {  	v33 =	vadd.f32 v48, v46;
	v59 =	vld [tilespmem:s24+$0x12D40];
	v31 =	vadd.f32 v31, v53;
	v54 =	vperm.xlane v28, v0  }
0x1c9: {  	v34 =	vadd.f32 v30, v34;
	v35 =	vadd.f32 v45, v29;
	v29 =	vld [tilespmem:s24+$0x12D30]  }
0x1ca: {  	v30 =	vld [tilespmem:s24+$0x8D40];
	v60 =	vperm.xlane v31, v1;
	v28 =	vadd.f32 v54, v28  }
0x1cb: {  	v62 =	vld [tilespmem:s24+$0x8D50];
	v47 =	vadd.f32 v49, v33;
	v56 =	vadd.f32 v35, v34  }
0x1cc: {  	v61 =	vadd.f32 v52, v51;
	v45 =	vld [tilespmem:s24+$0xDD50];
	v31 =	vadd.f32 v31, v60;
	v46 =	vperm.xlane v28, v1  }
0x1cd: {  	v55 =	vmul.f32 v34, v34;
	v58 =	vmul.f32 v35, v35;
	v38 =	vadd.f32 v47, v56;
	v53 =	vld [tilespmem:s24+$0x8D60]  }
0x1ce: {  	v48 =	vadd.f32 v29, v61;
	v29 =	vld [tilespmem:s24+$0x12D50];
	v54 =	vperm.xlane v31, v2;
	v28 =	vadd.f32 v46, v28  }
0x1cf: {  	v52 =	vmul.f32 v47, v47;
	v63 =	vadd.f32 v58, v55;
	v55 =	vld [tilespmem:s24+$0xDD60];
	v30 =	vadd.f32 v57, v30  }
0x1d0: {  	v57 =	vld [tilespmem:s24+$0x12D60];
	v38 =	vadd.f32 v48, v38;
	v31 =	vadd.f32 v31, v54;
	v58 =	vperm.xlane v28, v2  }
0x1d1: {  	v43 =	vadd.f32 v59, v30;
	v30 =	vadd.f32 v45, v62;
	v59 =	vld [tilespmem:s24+$0x8D70]  }
0x1d2: {  	v36 =	vadd.f32 v52, v63;
	v60 =	vld [tilespmem:s24+$0xDD70];
	v61 =	vperm.xlane v31, v3;
	v28 =	vadd.f32 v58, v28  }
0x1d3: {  	v56 =	vmul.f32 v48, v48;
	v38 =	vadd.f32 v43, v38;
	v63 =	vadd.f32 v29, v30  }
0x1d4: {  	v29 =	vld [tilespmem:s24+$0x12D70];
	v30 =	vadd.f32 v55, v53;
	v31 =	vadd.f32 v31, v61;
	v45 =	vperm.xlane v28, v3  }
0x1d5: {  	v36 =	vadd.f32 v56, v36;
	v62 =	vmul.f32 v43, v43;
	v38 =	vadd.f32 v63, v38  }
0x1d6: {  	v50 =	vadd.f32 v57, v30;
	v40 =	vmul.f32 $7.812500000e-03, v31;
	v28 =	vadd.f32 v45, v28  }
0x1d7: {  	v36 =	vadd.f32 v62, v36;
	v46 =	vmul.f32 v63, v63;
	v30 =	vadd.f32 v60, v59  }
0x1d8: {  	v52 =	vadd.f32 v50, v38;
	v28 =	vmul.f32 $7.812500000e-03, v28;
	v51 =	vmul.f32 v40, v40  }
0x1d9: {  	v53 =	vmul.f32 v50, v50;
	v38 =	vadd.f32 v29, v30;
	v31 =	vadd.f32 v46, v36  }
0x1da: {  	v28 =	vsub.f32 v28, v51  }
0x1db: {  	v30 =	vadd.f32 v38, v52;
	v29 =	vadd.f32 v53, v31;
	v31 =	vmul.f32 v38, v38  }
0x1dc: {  	v28 =	vadd.f32 $9.999999970e-07, v28  }
0x1dd: {  	v29 =	vadd.f32 v31, v29;
	v31 =	vperm.xlane v30, v0  }
0x1de: {  	v54 =	vshrl.u32 v28, $0x1;
	v28 =	vmul.f32 $5.000000000e-01, v28  }
0x1df: {  	v30 =	vadd.f32 v30, v31;
	v31 =	vperm.xlane v29, v0;
	v32 =	vsub.s32 $0x5F375A86, v54  }
0x1e0: {  	v55 =	vmul.f32 v32, v28  }
0x1e1: {  	v56 =	vperm.xlane v30, v1;
	v29 =	vadd.f32 v31, v29  }
0x1e2: {  	v31 =	vmul.f32 v32, v55  }
0x1e3: {  	v30 =	vadd.f32 v30, v56;
	v57 =	vperm.xlane v29, v1  }
0x1e4: {  	v31 =	vsub.f32 $1.500000000e+00, v31  }
0x1e5: {  	v36 =	vperm.xlane v30, v2;
	v29 =	vadd.f32 v57, v29  }
0x1e6: {  	v32 =	vmul.f32 v32, v31  }
0x1e7: {  	v30 =	vadd.f32 v30, v36;
	v31 =	vperm.xlane v29, v2  }
0x1e8: {  	v28 =	vmul.f32 v32, v28  }
0x1e9: {  	s25 =	simm.s32 $0x100;
	v22 =	vsub.f32 v22, v40;
	v58 =	vperm.xlane v30, v3;
	v59 =	vadd.f32 v31, v29  }
0x1ea: {  	v37 =	vld [tilespmem:s25+$0x12DE0];
	v60 =	vsub.f32 v20, v40;
	v61 =	vsub.f32 v21, v40;
	v20 =	vmul.f32 v28, v32  }
0x1eb: {  	v39 =	vld [tilespmem:s25+$0x12DD0];
	v31 =	vsub.f32 v23, v40;
	v21 =	vadd.f32 v30, v58;
	v23 =	vperm.xlane v59, v3  }
0x1ec: {  	v41 =	vld [tilespmem:s25+$0xDD80];
	v30 =	vsub.f32 v24, v40;
	v20 =	vsub.f32 $1.500000000e+00, v20  }
0x1ed: {  	v42 =	vld [tilespmem:s25+$0x12DC0];
	v29 =	vsub.f32 v25, v40;
	v21 =	vmul.f32 $7.812500000e-03, v21;
	v23 =	vadd.f32 v23, v59  }
0x1ee: {  	v44 =	vld [tilespmem:s25+$0x12DB0];
	v28 =	vsub.f32 v26, v40;
	v32 =	vmul.f32 v20, v32;
	v20 =	vsub.f32 v27, v40  }
0x1ef: {  	v33 =	vld [tilespmem:s25+$0x12D80];
	v24 =	vmul.f32 v21, v21;
	v26 =	vsub.f32 v35, v21;
	v23 =	vmul.f32 $7.812500000e-03, v23  }
0x1f0: {  	v45 =	vld [tilespmem:s25+$0x12DA0];
	v25 =	vsub.f32 v47, v21;
	v27 =	vsub.f32 v34, v21;
	v20 =	vmul.f32 v32, v20  }
0x1f1: {  	v46 =	vld [tilespmem:s25+$0x8DB0];
	v62 =	vsub.f32 v23, v24;
	v24 =	vsub.f32 v48, v21;
	v34 =	vmul.f32 v32, v22  }
0x1f2: {  	v35 =	vld [tilespmem:s25+$0x8DA0];
	v23 =	vsub.f32 v43, v21;
	v22 =	vsub.f32 v63, v21;
	v63 =	vmul.f32 v20, v11  }
0x1f3: {  	v47 =	vld [tilespmem:s25+$0x8D90];
	v36 =	vmul.f32 v32, v60;
	v49 =	vadd.f32 $9.999999970e-07, v62;
	v20 =	vsub.f32 v50, v21  }
0x1f4: {  	s18 =	simm.s32 $0x800;
	v40 =	vld [tilespmem:s25+$0x8D80];
	v21 =	vsub.f32 v38, v21;
	v38 =	vmul.f32 v32, v61;
	v43 =	vadd.f32 v63, v19  }
.LBB2_5:
0x1f5: {  	p0 =	sne.s32 s18, $0x9C00;
	v48 =	vld [tilespmem:s25+$0xDD90];
	v50 =	vshrl.u32 v49, $0x1;
	v49 =	vmul.f32 $5.000000000e-01, v49;
	v31 =	vmul.f32 v32, v31  }
0x1f6: {  	v30 =	vmul.f32 v32, v30;
	v52 =	vmul.f32 v32, v29;
	v51 =	vld [tilespmem:s25+$0xDDA0];
	v50 =	vsub.s32 $0x5F375A86, v50;
	[tilespmem:s24+$0x17DF0] =	vst v43  }
0x1f7: {  	v53 =	vmul.f32 v32, v28;
	v29 =	vld [tilespmem:s25+$0x12D90];
	v43 =	vmul.f32 v50, v49  }
0x1f8: {  	v55 =	vmul.f32 v34, v4;
	v32 =	vmul.f32 v36, v5;
	v54 =	vld [tilespmem:s25+$0xDDB0]  }
0x1f9: {  	v36 =	vmul.f32 v38, v6;
	v56 =	vld [tilespmem:s25+$0x8DC0];
	v28 =	vmul.f32 v50, v43  }
0x1fa: {  	v34 =	vmul.f32 v31, v7;
	v38 =	vadd.f32 v41, v40;
	v40 =	vadd.f32 v48, v47;
	v41 =	vld [tilespmem:s25+$0xDDC0]  }
0x1fb: {  	v43 =	vadd.f32 v51, v35;
	v47 =	vld [tilespmem:s25+$0x8DD0];
	v48 =	vsub.f32 $1.500000000e+00, v28;
	v35 =	vmul.f32 v30, v8  }
0x1fc: {  	v31 =	vadd.f32 v33, v38;
	v33 =	vmul.f32 v52, v9;
	v29 =	vadd.f32 v29, v40;
	v38 =	vld [tilespmem:s25+$0xDDD0]  }
0x1fd: {  	v28 =	vadd.f32 v45, v43;
	v30 =	vadd.f32 v54, v46;
	v40 =	vld [tilespmem:s25+$0x8DE0];
	v43 =	vmul.f32 v50, v48  }
0x1fe: {  	v45 =	vmul.f32 v31, v31;
	v46 =	vadd.f32 v29, v31;
	v48 =	vmul.f32 v29, v29;
	v50 =	vld [tilespmem:s25+$0xDDE0]  }
0x1ff: {  	v30 =	vadd.f32 v44, v30;
	v41 =	vadd.f32 v41, v56;
	v44 =	vld [tilespmem:s25+$0x8DF0];
	v49 =	vmul.f32 v43, v49  }
0x200: {  	v45 =	vadd.f32 v48, v45;
	v46 =	vadd.f32 v28, v46;
	v48 =	vmul.f32 v28, v28;
	v51 =	vld [tilespmem:s25+$0xDDF0]  }
0x201: {  	v52 =	vld [tilespmem:s25+$0x8D00];
	v42 =	vadd.f32 v42, v41;
	v38 =	vadd.f32 v38, v47;
	v41 =	vmul.f32 v49, v43  }
0x202: {  	v47 =	vmul.f32 v30, v30;
	v45 =	vadd.f32 v48, v45;
	v46 =	vadd.f32 v30, v46;
	v48 =	vld [tilespmem:s25+$0x12DF0]  }
0x203: {  	v49 =	vld [tilespmem:s25+$0xDD00];
	v39 =	vadd.f32 v39, v38;
	v40 =	vadd.f32 v50, v40;
	v38 =	vmul.f32 v53, v10  }
0x204: {  	v50 =	vld [tilespmem:s25+$0x8D10];
	v45 =	vadd.f32 v47, v45;
	v46 =	vadd.f32 v42, v46;
	v47 =	vmul.f32 v42, v42  }
0x205: {  	v53 =	vld [tilespmem:s25+$0xDD10];
	v37 =	vadd.f32 v37, v40;
	v40 =	vadd.f32 v51, v44  }
0x206: {  	v44 =	vld [tilespmem:s25+$0x12D00];
	v45 =	vadd.f32 v47, v45;
	v46 =	vadd.f32 v39, v46;
	v47 =	vmul.f32 v39, v39  }
0x207: {  	v41 =	vsub.f32 $1.500000000e+00, v41;
	v51 =	vld [tilespmem:s25+$0x12D10];
	v40 =	vadd.f32 v48, v40  }
0x208: {  	v48 =	vld [tilespmem:s25+$0x8D20];
	v45 =	vadd.f32 v47, v45;
	v46 =	vadd.f32 v37, v46;
	v47 =	vmul.f32 v37, v37  }
0x209: {  	v54 =	vadd.f32 v55, v12;
	v43 =	vmul.f32 v41, v43;
	v49 =	vadd.f32 v49, v52;
	v52 =	vld [tilespmem:s25+$0xDD20]  }
0x20a: {  	v55 =	vld [tilespmem:s25+$0x12D20];
	v45 =	vadd.f32 v47, v45;
	v46 =	vadd.f32 v40, v46;
	v47 =	vmul.f32 v40, v40  }
0x20b: {  	v27 =	vmul.f32 v43, v27;
	v41 =	vadd.f32 v44, v49;
	v44 =	vadd.f32 v53, v50;
	v49 =	vld [tilespmem:s25+$0x8D30];
	[tilespmem:s24+$0x17D80] =	vst v54  }
0x20c: {  	v53 =	vmul.f32 v43, v26;
	v50 =	vld [tilespmem:s25+$0xDD30];
	v45 =	vadd.f32 v47, v45;
	v47 =	vperm.xlane v46, v0  }
0x20d: {  	v25 =	vmul.f32 v43, v25;
	v54 =	vmul.f32 v41, v41;
	v26 =	vadd.f32 v51, v44;
	v44 =	vld [tilespmem:s25+$0x12D30]  }
0x20e: {  	v48 =	vadd.f32 v52, v48;
	v51 =	vld [tilespmem:s25+$0x8D40];
	v46 =	vadd.f32 v46, v47;
	v47 =	vperm.xlane v45, v0  }
0x20f: {  	v58 =	vmul.f32 v43, v24;
	v52 =	vadd.f32 v26, v41;
	v56 =	vmul.f32 v26, v26;
	v57 =	vld [tilespmem:s25+$0xDD40]  }
0x210: {  	v24 =	vadd.f32 v55, v48;
	v48 =	vld [tilespmem:s25+$0x12D40];
	v55 =	vperm.xlane v46, v1;
	v45 =	vadd.f32 v47, v45  }
0x211: {  	v47 =	vadd.f32 v56, v54;
	v49 =	vadd.f32 v50, v49;
	v50 =	vld [tilespmem:s25+$0x8D50];
	v54 =	vmul.f32 v43, v23  }
0x212: {  	v52 =	vadd.f32 v24, v52;
	v56 =	vld [tilespmem:s25+$0xDD50];
	v46 =	vadd.f32 v46, v55;
	v55 =	vperm.xlane v45, v1  }
0x213: {  	v59 =	vmul.f32 v24, v24;
	v23 =	vadd.f32 v44, v49;
	v44 =	vld [tilespmem:s25+$0x12D50];
	v49 =	vmul.f32 v43, v22  }
0x214: {  	v22 =	vadd.f32 v57, v51;
	v51 =	vld [tilespmem:s25+$0x8D60];
	v57 =	vperm.xlane v46, v2;
	v45 =	vadd.f32 v55, v45  }
0x215: {  	v47 =	vadd.f32 v59, v47;
	v52 =	vadd.f32 v23, v52;
	v55 =	vmul.f32 v23, v23;
	v59 =	vld [tilespmem:s25+$0xDD60]  }
0x216: {  	v22 =	vadd.f32 v48, v22;
	v48 =	vld [tilespmem:s25+$0x12D60];
	v46 =	vadd.f32 v46, v57;
	v57 =	vperm.xlane v45, v2  }
0x217: {  	v47 =	vadd.f32 v55, v47;
	v50 =	vadd.f32 v56, v50;
	v55 =	vld [tilespmem:s25+$0x8D70];
	v56 =	vmul.f32 v43, v20  }
0x218: {  	v52 =	vadd.f32 v22, v52;
	v60 =	vld [tilespmem:s25+$0xDD70];
	v61 =	vperm.xlane v46, v3;
	v45 =	vadd.f32 v57, v45  }
0x219: {  	v57 =	vmul.f32 v22, v22;
	v20 =	vadd.f32 v44, v50;
	v44 =	vld [tilespmem:s25+$0x12D70];
	v50 =	vmul.f32 v43, v21  }
0x21a: {  	v21 =	vadd.f32 v59, v51;
	v43 =	vadd.f32 v46, v61;
	v46 =	vperm.xlane v45, v3  }
0x21b: {  	v47 =	vadd.f32 v57, v47;
	v51 =	vadd.f32 v20, v52;
	v52 =	vmul.f32 v20, v20  }
0x21c: {  	v21 =	vadd.f32 v48, v21;
	v48 =	vmul.f32 $7.812500000e-03, v43;
	v43 =	vadd.f32 v46, v45  }
0x21d: {  	v27 =	vmul.f32 v27, v4;
	v45 =	vadd.f32 v52, v47;
	v46 =	vadd.f32 v60, v55  }
0x21e: {  	v47 =	vadd.f32 v21, v51;
	v51 =	vmul.f32 $7.812500000e-03, v43;
	v52 =	vmul.f32 v48, v48  }
0x21f: {  	v55 =	vmul.f32 v21, v21;
	v57 =	vsub.f32 v31, v48;
	v43 =	vadd.f32 v44, v46  }
0x220: {  	v44 =	vmul.f32 v53, v5;
	v31 =	vsub.f32 v51, v52;
	v51 =	vsub.f32 v29, v48  }
0x221: {  	v29 =	vadd.f32 v55, v45;
	v45 =	vadd.f32 v43, v47;
	v46 =	vmul.f32 v43, v43  }
0x222: {  	v25 =	vmul.f32 v25, v6;
	v52 =	vsub.f32 v28, v48;
	v47 =	vadd.f32 $9.999999970e-07, v31  }
0x223: {  	v31 =	vsub.f32 v30, v48;
	v46 =	vadd.f32 v46, v29;
	v28 =	vperm.xlane v45, v0  }
0x224: {  	v30 =	vsub.f32 v42, v48;
	v29 =	vshrl.u32 v47, $0x1;
	v47 =	vmul.f32 $5.000000000e-01, v47  }
0x225: {  	v42 =	vadd.f32 v45, v28;
	v45 =	vperm.xlane v46, v0;
	v53 =	vsub.s32 $0x5F375A86, v29  }
0x226: {  	v29 =	vsub.f32 v39, v48;
	v28 =	vsub.f32 v37, v48;
	v55 =	vmul.f32 v53, v47  }
0x227: {  	v37 =	vperm.xlane v42, v1;
	v39 =	vadd.f32 v45, v46;
	v45 =	vmul.f32 v58, v7  }
0x228: {  	v27 =	vadd.f32 v27, v12;
	v54 =	vmul.f32 v54, v8;
	v46 =	vmul.f32 v53, v55  }
0x229: {  	v49 =	vmul.f32 v49, v9;
	v37 =	vadd.f32 v42, v37;
	v42 =	vperm.xlane v39, v1  }
0x22a: {  	v50 =	vmul.f32 v50, v11;
	v46 =	vsub.f32 $1.500000000e+00, v46;
	[tilespmem:s24+$0x17D00] =	vst v27;
	v27 =	vmul.f32 v56, v10  }
0x22b: {  	v55 =	vperm.xlane v37, v2;
	v39 =	vadd.f32 v42, v39;
	v42 =	vadd.f32 v44, v13  }
0x22c: {  	v25 =	vadd.f32 v25, v14;
	v44 =	vadd.f32 v45, v15;
	v46 =	vmul.f32 v53, v46  }
0x22d: {  	v45 =	vadd.f32 v37, v55;
	v37 =	vperm.xlane v39, v2;
	[tilespmem:s24+$0x17D10] =	vst v42;
	v42 =	vadd.f32 v54, v16  }
0x22e: {  	v27 =	vadd.f32 v27, v18;
	v47 =	vmul.f32 v46, v47;
	[tilespmem:s24+$0x17D20] =	vst v25;
	v25 =	vadd.f32 v49, v17  }
0x22f: {  	s10 =	sshra.s32 s18, $0x2;
	v50 =	vadd.f32 v50, v19;
	v49 =	vperm.xlane v45, v3;
	v53 =	vadd.f32 v37, v39;
	[tilespmem:s24+$0x17D30] =	vst v44  }
0x230: {  	v36 =	vadd.f32 v36, v14;
	v37 =	vld [tilespmem:s10+$0x12DE0];
	v44 =	vmul.f32 v47, v46;
	[tilespmem:s24+$0x17D40] =	vst v42;
	v47 =	vadd.f32 v32, v13  }
0x231: {  	v34 =	vadd.f32 v34, v15;
	v39 =	vld [tilespmem:s10+$0x12DD0];
	v32 =	vadd.f32 v45, v49;
	v45 =	vperm.xlane v53, v3;
	[tilespmem:s24+$0x17D50] =	vst v25  }
0x232: {  	v49 =	vadd.f32 v35, v16;
	v42 =	vld [tilespmem:s10+$0x12DC0];
	v25 =	vsub.f32 $1.500000000e+00, v44;
	[tilespmem:s24+$0x17D60] =	vst v27  }
0x233: {  	v44 =	vld [tilespmem:s10+$0x12DB0];
	v54 =	vmul.f32 $7.812500000e-03, v32;
	v27 =	vadd.f32 v45, v53;
	[tilespmem:s24+$0x17D70] =	vst v50;
	v50 =	vadd.f32 v33, v17  }
0x234: {  	v38 =	vadd.f32 v38, v18;
	v35 =	vsub.f32 v40, v48;
	v45 =	vld [tilespmem:s10+$0x12DA0];
	v32 =	vmul.f32 v25, v46;
	[tilespmem:s24+$0x17D90] =	vst v47  }
0x235: {  	v46 =	vld [tilespmem:s10+$0x8DB0];
	v40 =	vmul.f32 $7.812500000e-03, v27;
	v47 =	vmul.f32 v54, v54;
	v27 =	vsub.f32 v41, v54;
	[tilespmem:s24+$0x17DA0] =	vst v36  }
.Ltmp1:
0x236: {  	v26 =	vsub.f32 v26, v54;
	v25 =	vsub.f32 v24, v54;
	v33 =	vld [tilespmem:s10+$0x12D80];
	v36 =	vmul.f32 v32, v35;
	[tilespmem:s24+$0x17DB0] =	vst v34;
	(pc) =	sbr.rel @p0 .LBB2_5-.Ltmp1, $4  }
0x237: {  	v24 =	vsub.f32 v23, v54;
	v34 =	vmul.f32 v32, v57;
	v35 =	vld [tilespmem:s10+$0x8DA0];
	v47 =	vsub.f32 v40, v47;
	[tilespmem:s24+$0x17DC0] =	vst v49  }
0x238: {  	v23 =	vsub.f32 v22, v54;
	v22 =	vsub.f32 v20, v54;
	v40 =	vld [tilespmem:s10+$0x8D80];
	v48 =	vmul.f32 v36, v11;
	[tilespmem:s24+$0x17DD0] =	vst v50  }
0x239: {  	v20 =	vsub.f32 v21, v54;
	v36 =	vmul.f32 v32, v51;
	v41 =	vld [tilespmem:s10+$0xDD80];
	v49 =	vadd.f32 $9.999999970e-07, v47;
	[tilespmem:s24+$0x17DE0] =	vst v38;
	s24 =	smov.u32 s25;
	s25 =	smov.u32 s10  }
0x23a: {  	s18 =	sadd.s32 $0x400, s18;
	v21 =	vsub.f32 v43, v54;
	v38 =	vmul.f32 v32, v52;
	v47 =	vld [tilespmem:s25+$0x8D90];
	v43 =	vadd.f32 v48, v19  }
0x23b: {  	v48 =	vld [tilespmem:s25+$0xDD90]  }
0x23c: {  	v50 =	vld [tilespmem:s25+$0xDDA0];
	[tilespmem:s24+$0x17DF0] =	vst v43  }
0x23d: {  	v51 =	vld [tilespmem:s25+$0x12D90]  }
0x23e: {  	v52 =	vld [tilespmem:s25+$0xDDB0]  }
0x23f: {  	v53 =	vld [tilespmem:s25+$0x8DC0]  }
0x240: {  	v54 =	vld [tilespmem:s25+$0xDDC0]  }
0x241: {  	v55 =	vld [tilespmem:s25+$0x8DD0]  }
0x242: {  	v56 =	vld [tilespmem:s25+$0xDDD0]  }
0x243: {  	v57 =	vld [tilespmem:s25+$0x8DE0]  }
0x244: {  	v58 =	vld [tilespmem:s25+$0xDDE0]  }
0x245: {  	v59 =	vld [tilespmem:s25+$0x8DF0]  }
0x246: {  	v60 =	vld [tilespmem:s25+$0xDDF0]  }
0x247: {  	v61 =	vld [tilespmem:s25+$0x8D00];
	v40 =	vadd.f32 v41, v40  }
0x248: {  	v62 =	vld [tilespmem:s25+$0x12DF0];
	v47 =	vadd.f32 v48, v47;
	v35 =	vadd.f32 v50, v35  }
0x249: {  	v50 =	vld [tilespmem:s25+$0xDD00];
	v43 =	vadd.f32 v33, v40  }
0x24a: {  	v34 =	vmul.f32 v34, v4;
	v33 =	vld [tilespmem:s25+$0x8D10];
	v41 =	vadd.f32 v51, v47;
	v40 =	vadd.f32 v45, v35  }
0x24b: {  	v35 =	vld [tilespmem:s25+$0xDD10];
	v45 =	vadd.f32 v52, v46;
	v52 =	vadd.f32 v54, v53  }
0x24c: {  	v34 =	vadd.f32 v34, v12;
	v46 =	vmul.f32 v43, v43;
	v51 =	vld [tilespmem:s25+$0x12D00];
	v63 =	vadd.f32 v41, v43  }
0x24d: {  	v53 =	vld [tilespmem:s25+$0x12D10];
	v47 =	vmul.f32 v41, v41;
	v44 =	vadd.f32 v44, v45;
	v45 =	vadd.f32 v42, v52  }
0x24e: {  	v54 =	vld [tilespmem:s25+$0x8D20];
	v52 =	vadd.f32 v56, v55;
	v61 =	vadd.f32 v50, v61  }
0x24f: {  	v42 =	vld [tilespmem:s25+$0xDD20];
	v46 =	vadd.f32 v47, v46;
	v47 =	vadd.f32 v40, v63;
	v63 =	vmul.f32 v40, v40  }
0x250: {  	v55 =	vld [tilespmem:s25+$0x12D20];
	v50 =	vadd.f32 v60, v59;
	v33 =	vadd.f32 v35, v33  }
0x251: {  	v56 =	vmul.f32 v44, v44;
	v46 =	vadd.f32 v63, v46;
	v48 =	vadd.f32 v44, v47;
	v63 =	vld [tilespmem:s25+$0x8D30];
	[tilespmem:s24+$0x17D80] =	vst v34  }
0x252: {  	v47 =	vadd.f32 v39, v52;
	v39 =	vadd.f32 v58, v57;
	v52 =	vld [tilespmem:s25+$0xDD30]  }
0x253: {  	v57 =	vld [tilespmem:s25+$0x8D40];
	v33 =	vadd.f32 v53, v33;
	v34 =	vadd.f32 v56, v46;
	v56 =	vmul.f32 v45, v45  }
0x254: {  	v46 =	vadd.f32 v45, v48;
	v48 =	vadd.f32 v37, v39;
	v39 =	vld [tilespmem:s25+$0x12D30]  }
0x255: {  	v56 =	vadd.f32 v56, v34;
	v34 =	vadd.f32 v51, v61;
	v51 =	vld [tilespmem:s25+$0xDD40]  }
0x256: {  	v61 =	vadd.f32 v42, v54;
	v42 =	vld [tilespmem:s25+$0x12D40]  }
0x257: {  	v60 =	vmul.f32 v47, v47;
	v37 =	vadd.f32 v62, v50;
	v58 =	vmul.f32 v33, v33;
	v54 =	vld [tilespmem:s25+$0x8D50]  }
0x258: {  	v50 =	vmul.f32 v34, v34;
	v35 =	vadd.f32 v55, v61;
	v52 =	vadd.f32 v52, v63;
	v55 =	vld [tilespmem:s25+$0xDD50]  }
0x259: {  	v53 =	vadd.f32 v60, v56;
	v56 =	vmul.f32 v48, v48;
	v59 =	vadd.f32 v33, v34;
	v60 =	vld [tilespmem:s25+$0x12D50]  }
0x25a: {  	v50 =	vadd.f32 v58, v50;
	v61 =	vmul.f32 v35, v35;
	v39 =	vadd.f32 v39, v52;
	v52 =	vld [tilespmem:s25+$0x8D60]  }
0x25b: {  	v29 =	vmul.f32 v32, v29;
	v59 =	vadd.f32 v35, v59;
	v51 =	vadd.f32 v51, v57;
	v57 =	vld [tilespmem:s25+$0xDD60]  }
0x25c: {  	v63 =	vmul.f32 v37, v37;
	v53 =	vadd.f32 v56, v53;
	v58 =	vld [tilespmem:s25+$0x12D60];
	v50 =	vadd.f32 v61, v50  }
0x25d: {  	v62 =	vmul.f32 v39, v39;
	v59 =	vadd.f32 v39, v59;
	v42 =	vadd.f32 v42, v51;
	v51 =	vld [tilespmem:s25+$0x8D70]  }
0x25e: {  	v56 =	vshrl.u32 v49, $0x1;
	v61 =	vadd.f32 v47, v46;
	v54 =	vadd.f32 v55, v54;
	v55 =	vld [tilespmem:s25+$0xDD70]  }
0x25f: {  	v49 =	vmul.f32 $5.000000000e-01, v49;
	v50 =	vadd.f32 v62, v50;
	v59 =	vadd.f32 v42, v59  }
0x260: {  	v46 =	vadd.f32 v60, v54;
	v54 =	vmul.f32 v42, v42;
	v52 =	vadd.f32 v57, v52;
	v57 =	vld [tilespmem:s25+$0x12D70]  }
0x261: {  	v56 =	vsub.s32 $0x5F375A86, v56;
	v60 =	vmul.f32 v32, v31;
	v31 =	vadd.f32 v48, v61  }
0x262: {  	v50 =	vadd.f32 v54, v50;
	v54 =	vadd.f32 v46, v59;
	v59 =	vmul.f32 v46, v46  }
0x263: {  	v61 =	vmul.f32 v32, v30;
	v30 =	vadd.f32 v58, v52;
	v51 =	vadd.f32 v55, v51  }
0x264: {  	v62 =	vmul.f32 v56, v49;
	v52 =	vadd.f32 v37, v31;
	v50 =	vadd.f32 v59, v50  }
0x265: {  	v54 =	vadd.f32 v30, v54;
	v58 =	vmul.f32 v30, v30;
	v31 =	vadd.f32 v57, v51  }
0x266: {  	v53 =	vadd.f32 v63, v53;
	v63 =	vperm.xlane v52, v0;
	v51 =	vmul.f32 v56, v62  }
0x267: {  	v50 =	vadd.f32 v58, v50;
	v54 =	vadd.f32 v31, v54;
	v57 =	vmul.f32 v31, v31  }
0x268: {  	v28 =	vmul.f32 v32, v28;
	v55 =	vperm.xlane v53, v0;
	v52 =	vadd.f32 v52, v63  }
0x269: {  	v51 =	vsub.f32 $1.500000000e+00, v51;
	v50 =	vadd.f32 v57, v50;
	v62 =	vperm.xlane v54, v0  }
0x26a: {  	v36 =	vmul.f32 v36, v5;
	v53 =	vadd.f32 v55, v53;
	v63 =	vperm.xlane v52, v1  }
0x26b: {  	v51 =	vmul.f32 v56, v51;
	v32 =	vadd.f32 v54, v62;
	v62 =	vperm.xlane v50, v0  }
0x26c: {  	v29 =	vmul.f32 v29, v9;
	v55 =	vperm.xlane v53, v1;
	v52 =	vadd.f32 v52, v63  }
0x26d: {  	v56 =	vmul.f32 v60, v7;
	v49 =	vmul.f32 v51, v49;
	v50 =	vadd.f32 v62, v50  }
0x26e: {  	v53 =	vadd.f32 v55, v53;
	v59 =	vperm.xlane v52, v2;
	v63 =	vperm.xlane v32, v1  }
0x26f: {  	v49 =	vmul.f32 v49, v51;
	v62 =	vperm.xlane v50, v1  }
0x270: {  	v52 =	vadd.f32 v52, v59;
	v32 =	vadd.f32 v32, v63;
	v63 =	vperm.xlane v53, v2  }
0x271: {  	v54 =	vmul.f32 v61, v8;
	v49 =	vsub.f32 $1.500000000e+00, v49;
	v50 =	vadd.f32 v62, v50  }
0x272: {  	v60 =	vperm.xlane v32, v2;
	v62 =	vperm.xlane v52, v3;
	v53 =	vadd.f32 v63, v53  }
0x273: {  	v49 =	vmul.f32 v49, v51;
	v63 =	vperm.xlane v50, v2  }
0x274: {  	v32 =	vadd.f32 v32, v60;
	v60 =	vadd.f32 v52, v62;
	v61 =	vperm.xlane v53, v3  }
0x275: {  	v28 =	vmul.f32 v28, v10;
	v27 =	vmul.f32 v49, v27;
	v50 =	vadd.f32 v63, v50  }
0x276: {  	v62 =	vperm.xlane v32, v3;
	v51 =	vmul.f32 $7.812500000e-03, v60;
	v52 =	vadd.f32 v61, v53  }
0x277: {  	v26 =	vmul.f32 v49, v26;
	v63 =	vperm.xlane v50, v3  }
0x278: {  	v32 =	vadd.f32 v32, v62;
	v52 =	vmul.f32 $7.812500000e-03, v52;
	v57 =	vmul.f32 v51, v51  }
0x279: {  	v29 =	vadd.f32 v29, v17;
	v25 =	vmul.f32 v49, v25;
	v24 =	vmul.f32 v49, v24  }
0x27a: {  	v32 =	vmul.f32 $7.812500000e-03, v32;
	v50 =	vadd.f32 v63, v50;
	v52 =	vsub.f32 v52, v57  }
0x27b: {  	v28 =	vadd.f32 v28, v18;
	v23 =	vmul.f32 v49, v23;
	v22 =	vmul.f32 v49, v22  }
0x27c: {  	v50 =	vmul.f32 $7.812500000e-03, v50;
	v58 =	vmul.f32 v32, v32;
	v52 =	vadd.f32 $9.999999970e-07, v52  }
0x27d: {  	v54 =	vadd.f32 v54, v16;
	v20 =	vmul.f32 v49, v20;
	v21 =	vmul.f32 v49, v21  }
0x27e: {  	v59 =	vsub.f32 v50, v58;
	v60 =	vshrl.u32 v52, $0x1;
	v52 =	vmul.f32 $5.000000000e-01, v52  }
0x27f: {  	v27 =	vmul.f32 v27, v4;
	v26 =	vmul.f32 v26, v5;
	v50 =	vsub.s32 $0x5F375A86, v60  }
0x280: {  	v25 =	vmul.f32 v25, v6;
	v49 =	vadd.f32 $9.999999970e-07, v59;
	v61 =	vmul.f32 v50, v52  }
0x281: {  	v24 =	vmul.f32 v24, v7;
	v23 =	vmul.f32 v23, v8;
	v43 =	vsub.f32 v43, v51  }
0x282: {  	v62 =	vshrl.u32 v49, $0x1;
	v49 =	vmul.f32 $5.000000000e-01, v49;
	v53 =	vmul.f32 v50, v61  }
0x283: {  	v41 =	vsub.f32 v41, v51;
	v40 =	vsub.f32 v40, v51;
	v55 =	vsub.s32 $0x5F375A86, v62  }
0x284: {  	v44 =	vsub.f32 v44, v51;
	v63 =	vmul.f32 v55, v49;
	v53 =	vsub.f32 $1.500000000e+00, v53  }
0x285: {  	v22 =	vmul.f32 v22, v9;
	v45 =	vsub.f32 v45, v51;
	v47 =	vsub.f32 v47, v51  }
0x286: {  	v48 =	vsub.f32 v48, v51;
	v57 =	vmul.f32 v55, v63;
	v50 =	vmul.f32 v50, v53  }
0x287: {  	v20 =	vmul.f32 v20, v10;
	v27 =	vadd.f32 v27, v12;
	v26 =	vadd.f32 v26, v13  }
0x288: {  	v25 =	vadd.f32 v25, v14;
	v60 =	vsub.f32 $1.500000000e+00, v57;
	v52 =	vmul.f32 v50, v52  }
0x289: {  	v21 =	vmul.f32 v21, v11;
	v24 =	vadd.f32 v24, v15;
	v23 =	vadd.f32 v23, v16  }
0x28a: {  	v22 =	vadd.f32 v22, v17;
	[tilespmem:s24+$0x17D00] =	vst v27;
	v27 =	vmul.f32 v55, v60;
	v61 =	vmul.f32 v52, v50  }
0x28b: {  	v38 =	vmul.f32 v38, v6;
	[tilespmem:s24+$0x17DD0] =	vst v29;
	v20 =	vadd.f32 v20, v18;
	v21 =	vadd.f32 v21, v19  }
0x28c: {  	[tilespmem:s24+$0x17D10] =	vst v26;
	v58 =	vsub.f32 v33, v32;
	v52 =	vmul.f32 v27, v49;
	v26 =	vsub.f32 $1.500000000e+00, v61  }
0x28d: {  	[tilespmem:s24+$0x17DE0] =	vst v28;
	v62 =	vadd.f32 v36, v13;
	v63 =	vadd.f32 v38, v14  }
0x28e: {  	[tilespmem:s24+$0x17D60] =	vst v20;
	v55 =	vsub.f32 v37, v51;
	v38 =	vmul.f32 v52, v27;
	v20 =	vmul.f32 v26, v50  }
0x28f: {  	v59 =	vsub.f32 v35, v32;
	[tilespmem:s24+$0x17D90] =	vst v62;
	v62 =	vsub.f32 v42, v32  }
0x290: {  	[tilespmem:s24+$0x17D50] =	vst v22;
	v53 =	vadd.f32 v56, v15;
	v57 =	vsub.f32 $1.500000000e+00, v38;
	v22 =	vmul.f32 v20, v55  }
0x291: {  	[tilespmem:s24+$0x17DC0] =	vst v54;
	v56 =	vsub.f32 v34, v32;
	v61 =	vmul.f32 v20, v43;
	v55 =	vmul.f32 v20, v41  }
0x292: {  	[tilespmem:s24+$0x17DA0] =	vst v63;
	v63 =	vsub.f32 v46, v32;
	v27 =	vmul.f32 v57, v27;
	v22 =	vmul.f32 v22, v11  }
0x293: {  	[tilespmem:s24+$0x17D20] =	vst v25;
	v60 =	vsub.f32 v39, v32;
	v46 =	vmul.f32 v61, v4;
	v57 =	vmul.f32 v20, v44  }
0x294: {  	[tilespmem:s24+$0x17D70] =	vst v21;
	v42 =	vsub.f32 v30, v32;
	v26 =	vmul.f32 v27, v56;
	v21 =	vmul.f32 v27, v58  }
0x295: {  	[tilespmem:s24+$0x17D30] =	vst v24;
	v43 =	vsub.f32 v31, v32;
	v49 =	vmul.f32 v27, v59;
	v25 =	vmul.f32 v27, v60  }
0x296: {  	[tilespmem:s24+$0x17D40] =	vst v23;
	v22 =	vadd.f32 v22, v19;
	v51 =	vmul.f32 v27, v62;
	v26 =	vmul.f32 v26, v4  }
0x297: {  	[tilespmem:s24+$0x17DB0] =	vst v53;
	v50 =	vadd.f32 v46, v12;
	v52 =	vmul.f32 v27, v63;
	v21 =	vmul.f32 v21, v5  }
0x298: {  	v24 =	vmul.f32 v27, v42;
	[tilespmem:s25+$0x17DF0] =	vst v22;
	v29 =	vmul.f32 v49, v6;
	v26 =	vadd.f32 v26, v12  }
0x299: {  	v23 =	vmul.f32 v27, v43;
	[tilespmem:s25+$0x17D80] =	vst v50;
	v25 =	vmul.f32 v25, v7;
	v21 =	vadd.f32 v21, v13  }
0x29a: {  	v56 =	vmul.f32 v20, v40;
	v22 =	vmul.f32 v51, v8;
	v53 =	vadd.f32 v29, v14;
	[tilespmem:s25+$0x17D00] =	vst v26  }
0x29b: {  	v58 =	vmul.f32 v20, v45;
	v54 =	vmul.f32 v52, v9;
	v25 =	vadd.f32 v25, v15;
	[tilespmem:s25+$0x17D10] =	vst v21  }
0x29c: {  	v59 =	vmul.f32 v20, v47;
	v24 =	vmul.f32 v24, v10;
	v22 =	vadd.f32 v22, v16;
	[tilespmem:s25+$0x17D20] =	vst v53  }
0x29d: {  	v20 =	vmul.f32 v20, v48;
	v23 =	vmul.f32 v23, v11;
	v27 =	vadd.f32 v54, v17;
	[tilespmem:s25+$0x17D30] =	vst v25  }
0x29e: {  	v61 =	vmul.f32 v59, v9;
	v24 =	vadd.f32 v24, v18;
	[tilespmem:s25+$0x17D40] =	vst v22  }
0x29f: {  	v20 =	vmul.f32 v20, v10;
	v23 =	vadd.f32 v23, v19;
	[tilespmem:s25+$0x17D50] =	vst v27  }
0x2a0: {  	v63 =	vadd.f32 v61, v17;
	v21 =	vmul.f32 v55, v5;
	[tilespmem:s25+$0x17D60] =	vst v24  }
0x2a1: {  	v20 =	vadd.f32 v20, v18;
	v26 =	vmul.f32 v56, v6;
	[tilespmem:s25+$0x17D70] =	vst v23  }
0x2a2: {  	s20 =	sadd.s32 $0x1, s20;
	v25 =	vmul.f32 v57, v7;
	[tilespmem:s25+$0x17DD0] =	vst v63;
	v21 =	vadd.f32 v21, v13  }
0x2a3: {  	p0 =	sne.s32 s20, $0x28;
	v22 =	vmul.f32 v58, v8;
	[tilespmem:s25+$0x17DE0] =	vst v20;
	v60 =	vadd.f32 v26, v14  }
.Ltmp2:
0x2a4: {  	v25 =	vadd.f32 v25, v15;
	[tilespmem:s25+$0x17D90] =	vst v21;
	(pc) =	sbr.rel @p0 .LBB2_2-.Ltmp2, $4  }
0x2a5: {  	s10 =	sadd.s32 s8, s23;
	v62 =	vadd.f32 v22, v16;
	[tilespmem:s25+$0x17DA0] =	vst v60  }
0x2a6: {  	s10 =	sshll.u32 s10, $0x4;
	[tilespmem:s25+$0x17DB0] =	vst v25  }
0x2a7: {  	s10 =	sadd.s32 s6, s10;
	[tilespmem:s25+$0x17DC0] =	vst v62  }
0x2a8: {  	[hbm4b:s10+s7] =	stream.linear.scatter [tilespmem:s5], [sflag:$0x5], $0x2800, $0x38;
	[tilespmem:$0x1A600] =	vst v63  }
0x2a9: {  	s19 =	sadd.s32 $0x1, s19  }
0x2aa: {  	_ =	swait.ge [sflag:s14], $0x2800;
	p0 =	sne.s32 s19, s15  }
.Ltmp3:
0x2ab: {  	[sflag:s14] =	ssyncset.done $0x0;
	(pc) =	sbr.rel @p0 .LBB2_1-.Ltmp3, $4  }
0x2ac: {  	[sflag:s14] =	ssyncadd.s32 $0xFFFFD800  }
0x2ad: {  	_ =	swait.ge [sflag:s17], $0x2800  }
0x2ae: {  	[sflag:s17] =	ssyncset.done $0x0  }
0x2af: {  	[sflag:s17] =	ssyncadd.s32 $0xFFFFD800  }
0x2b0: {  	_ =	sfence.sel $0x180000  }
0x2b1: {  	[bflag:$0x0] =	sbarrier.arrive $0xFFFF  }
0x2b2: {  	_ =	strace $0x90000047  }
0x2b3: {  	s0 =	stileid.u32;
	[bflag:$0x2] =	sbarrier.arrive $0xFFFF  }
0x2b4: {  	p0 =	sne.s32 s0, $0x0;
	s0 =	rddreg [dreg:$0x6]  }
0x2b5: {  	s0 =	sadd.s32 @!p0 $0x100000, s0  }
0x2b6: {  	[sflag:s0] =	ssyncadd.tile.s32 @!p0 $0x1;
	_ =	shalt  }
.Lfunc_end2:
_tile_overlayer_lowered:
.L_overlay_start_2:
0x2b7: {  	(tag) =	ssettag $0x2  }
0x2b8: {  	s0 =	rddreg [dreg:$0x0];
	s2 =	stileid.u32  }
0x2b9: {  	s1 =	rddreg [dreg:$0x1];
	p0 =	sne.s32 s2, $0x0  }
0x2ba: {  	s3 =	rddreg [dreg:$0x2];
	[bflag:$0x3] =	sbarrier.arrive $0xFFFF;
	s2 =	simm.s32 @!p0 $0x1C06  }
0x2bb: {  	[timem:s3], [sflag:s2] =	dma.local @!p0 [hbm:s0], s1  }
0x2bc: {  	s0 =	simm.s32 @!p0 $0x6  }
0x2bd: {  	_ =	swait.ge @!p0 [sflag:s0], s1  }
0x2be: {  	s1 =	ssub.s32 @!p0 $0x0, s1;
	[sflag:s0] =	ssyncset.done @!p0 $0x0  }
0x2bf: {  	[sflag:s0] =	ssyncadd.s32 @!p0 s1  }
0x2c0: {  	[bflag:$0x3] =	sbarrier.arrive $0xFFFF  }
0x2c1: {  	_ =	shalt  }

</sc_bundles>
